<compile_context>
chip_gen: v7x
topology: tpu7x:2x2x1
jax: 0.10.2.dev20260603
libtpu: 0.0.44.dev20260713+nightly
codegen_flags: <defaults>
</compile_context>

<pallas_src>
import functools

import jax
import jax.numpy as jnp
from jax import lax
from jax.experimental import pallas as pl
from jax.experimental.pallas import tpu as pltpu
from jax.experimental.pallas import tpu_sc as plsc

H = 10
R = 2
NUM_LORAS = 64
DPAD = 16
NC, NS = 1, 16
NW = NC * NS
IDX_CHUNK = 128


def _table_body(emb_ref, a0_ref, a1_ref, b0_ref, b1_ref, wl_ref, bl_ref,
                wh_ref, bh_ref, out_ref):
    n_pairs = H * NUM_LORAS
    x = jnp.broadcast_to(emb_ref[...][:, None, :], (H, NUM_LORAS, H))
    x = x.reshape(n_pairs, H)
    a0 = jnp.broadcast_to(a0_ref[...][None], (H, NUM_LORAS, H)).reshape(n_pairs, H)
    a1 = jnp.broadcast_to(a1_ref[...][None], (H, NUM_LORAS, H)).reshape(n_pairs, H)
    b0 = jnp.broadcast_to(b0_ref[...][None], (H, NUM_LORAS, H)).reshape(n_pairs, H)
    b1 = jnp.broadcast_to(b1_ref[...][None], (H, NUM_LORAS, H)).reshape(n_pairs, H)
    base = jnp.dot(x, wl_ref[...], preferred_element_type=jnp.float32) + bl_ref[...]
    xa0 = jnp.sum(x * a0, axis=1, keepdims=True)
    xa1 = jnp.sum(x * a1, axis=1, keepdims=True)
    lora = xa0 * b0 + xa1 * b1
    y = base + lora
    out_ref[:, :H] = jnp.dot(y, wh_ref[...], preferred_element_type=jnp.float32) + bh_ref[...]


def _build_table(emb, loras_a, loras_b, W_lin, b_lin, W_head, b_head):
    return pl.pallas_call(
        _table_body,
        out_shape=jax.ShapeDtypeStruct((H * NUM_LORAS, DPAD), jnp.float32),
    )(emb, loras_a[:, :, 0], loras_a[:, :, 1], loras_b[:, 0, :], loras_b[:, 1, :],
      W_lin.T, b_lin.reshape(1, H), W_head.T, b_head.reshape(1, H))


def _gather_call(table, ids, lora):
    B = ids.shape[0]
    b_per_w = B // NW
    n_chunks = b_per_w // IDX_CHUNK
    mesh = plsc.VectorSubcoreMesh(core_axis_name="c", subcore_axis_name="s",
                                  num_cores=NC, num_subcores=NS)

    @functools.partial(
        pl.kernel,
        out_type=jax.ShapeDtypeStruct((B, DPAD), jnp.float32),
        mesh=mesh,
        compiler_params=pltpu.CompilerParams(use_tc_tiling_on_sc=False),
        scratch_types=[
            pltpu.VMEM((b_per_w,), jnp.int32),
            pltpu.VMEM((b_per_w,), jnp.int32),
            pltpu.VMEM((b_per_w,), jnp.int32),
            pltpu.VMEM((b_per_w, DPAD), jnp.float32),
            pltpu.SemaphoreType.DMA,
            pltpu.SemaphoreType.DMA,
        ],
    )
    def sc_gather(table_hbm, ids_hbm, lora_hbm, out_hbm,
                  ids_v, lora_v, idx_v, rows_v, sem, sem_out):
        wid = lax.axis_index("s") * NC + lax.axis_index("c")
        base = wid * b_per_w
        c_ids = pltpu.async_copy(ids_hbm.at[pl.ds(base, b_per_w)], ids_v, sem)
        c_lora = pltpu.async_copy(lora_hbm.at[pl.ds(base, b_per_w)], lora_v, sem)
        c_ids.wait()
        c_lora.wait()
        gathers = []
        for j in range(n_chunks):
            for i in range(IDX_CHUNK // 16):
                s = pl.ds(j * IDX_CHUNK + i * 16, 16)
                idx_v[s] = ids_v[s] * NUM_LORAS + lora_v[s]
            sj = pl.ds(j * IDX_CHUNK, IDX_CHUNK)
            gathers.append(
                pltpu.async_copy(table_hbm.at[idx_v.at[sj]], rows_v.at[sj], sem))
        writes = []
        for j in range(n_chunks):
            gathers[j].wait()
            sj = pl.ds(j * IDX_CHUNK, IDX_CHUNK)
            writes.append(
                pltpu.async_copy(rows_v.at[sj],
                                 out_hbm.at[pl.ds(base + j * IDX_CHUNK, IDX_CHUNK)],
                                 sem_out))
        for c in writes:
            c.wait()

    return sc_gather(table, ids, lora)


def kernel(input_ids, loras_a, loras_b, lora_indices, emb, W_lin, b_lin,
           W_head, b_head):
    table = _build_table(emb, loras_a, loras_b, W_lin, b_lin, W_head, b_head)
    out = _gather_call(table, input_ids.astype(jnp.int32),
                       lora_indices.astype(jnp.int32))
    return out[:, :H]

# --- scband reference (transcript-rebuilt; emitter-appended) ---
"""Pipeline reference for scband-abstract-multi-lora-model-34943853920391 (READ-ONLY COPY).

The authoritative reference and input builder live on the scoring server;
editing this copy changes nothing except your own understanding.
"""

import jax, jax.numpy as jnp
import numpy as np

H = 10
R = 2
NUM_LORAS = 64
NUM_TOKENS = 32768

def setup_inputs(seed: int = 0) -> dict:
    key = jax.random.key(seed)
    ks = jax.random.split(key, 10)
    input_ids = jax.random.randint(ks[0], (NUM_TOKENS,), 0, 10, dtype=jnp.int64)
    loras_a = jax.random.normal(ks[1], (NUM_LORAS, H, R), dtype=jnp.float32)
    loras_b = jax.random.normal(ks[2], (NUM_LORAS, R, H), dtype=jnp.float32)
    lora_indices = jax.random.randint(ks[3], (NUM_TOKENS,), 0, NUM_LORAS, dtype=jnp.int64)
    # learned parameters (Embedding(10,10), Linear(10,10), lm_head Linear(10,10))
    emb = jax.random.normal(ks[4], (10, H), dtype=jnp.float32)
    W_lin = jax.random.normal(ks[5], (H, H), dtype=jnp.float32) * (1.0 / np.sqrt(H))
    b_lin = jax.random.normal(ks[6], (H,), dtype=jnp.float32) * 0.01
    W_head = jax.random.normal(ks[7], (H, H), dtype=jnp.float32) * (1.0 / np.sqrt(H))
    b_head = jax.random.normal(ks[8], (H,), dtype=jnp.float32) * 0.01
    return {"input_ids": input_ids, "loras_a": loras_a, "loras_b": loras_b,
            "lora_indices": lora_indices, "emb": emb, "W_lin": W_lin,
            "b_lin": b_lin, "W_head": W_head, "b_head": b_head}

def reference(input_ids, loras_a, loras_b, lora_indices, emb, W_lin, b_lin, W_head, b_head):
    # x = embedding(input_ids)
    x = jnp.take(emb, input_ids, axis=0)                 # [N, H]
    # linear_lora: base linear + per-token gathered LoRA (A @ B) path
    base = x @ W_lin.T + b_lin                           # [N, H]
    A = jnp.take(loras_a, lora_indices, axis=0)          # [N, H, R] gather
    B = jnp.take(loras_b, lora_indices, axis=0)          # [N, R, H] gather
    lora = jnp.einsum('nh,nhr,nrk->nk', x, A, B)         # per-token bmm
    y = base + lora
    # lm_head
    out = y @ W_head.T + b_head                          # [N, H]
    return out

if __name__ == "__main__":
    import jax
    _d = setup_inputs()
    print(jax.jit(kernel)(*tuple(_d.values())))

</pallas_src>

<mosaic_0001>
#map = affine_map<(d0, d1) -> (0, 0)>
#map1 = affine_map<(d0, d1) -> (0)>
module attributes {stable_mosaic.version = 14 : i64} {
  func.func @sc_gather(%arg0: i32, %arg1: i32, %arg2: memref<640x16xf32, #tpu.memory_space<hbm>>, %arg3: memref<32768xi32, #tpu.memory_space<hbm>>, %arg4: memref<32768xi32, #tpu.memory_space<hbm>>, %arg5: memref<32768x16xf32, #tpu.memory_space<hbm>>, %arg6: memref<2048xi32, #tpu.memory_space<vmem>>, %arg7: memref<2048xi32, #tpu.memory_space<vmem>>, %arg8: memref<2048xi32, #tpu.memory_space<vmem>>, %arg9: memref<2048x16xf32, #tpu.memory_space<vmem>>, %arg10: memref<!tpu.dma_semaphore, #tpu.memory_space<semaphore_mem>>, %arg11: memref<!tpu.dma_semaphore, #tpu.memory_space<semaphore_mem>>) attributes {dimension_semantics = [#tpu.dimension_semantics<core_parallel>, #tpu.dimension_semantics<subcore_parallel>], iteration_bounds = array<i64: 1, 16>, scalar_prefetch = 0 : i64, scratch_operands = 6 : i64, tpu.core_type = #tpu.core_type<sc_vector_subcore>, window_params = [{transform_indices = #map}, {transform_indices = #map1}, {transform_indices = #map1}, {transform_indices = #map}]} {
    %mul3A = arith.constant 1 : i32
    %mul3A_0 = arith.muli %arg1, %mul3A : i32
    %add3A = arith.addi %mul3A_0, %arg0 : i32
    %mul3A_1 = arith.constant 2048 : i32
    %mul3A_2 = arith.muli %add3A, %mul3A_1 : i32
    %dma_start3A = tpu.memref_slice %arg3[%mul3A_2] : memref<32768xi32, #tpu.memory_space<hbm>> -> memref<2048xi32, #tpu.memory_space<hbm>>
    %dma_start3A_3 = tpu.memref_slice %arg3[%mul3A_2] : memref<32768xi32, #tpu.memory_space<hbm>> -> memref<2048xi32, #tpu.memory_space<hbm>>
    tpu.enqueue_dma source(%dma_start3A_3 : memref<2048xi32, #tpu.memory_space<hbm>>) target(%arg6 : memref<2048xi32, #tpu.memory_space<vmem>>) target_semaphore(%arg10 : memref<!tpu.dma_semaphore, #tpu.memory_space<semaphore_mem>>)
    %dma_start3A_4 = tpu.memref_slice %arg4[%mul3A_2] : memref<32768xi32, #tpu.memory_space<hbm>> -> memref<2048xi32, #tpu.memory_space<hbm>>
    %dma_start3A_5 = tpu.memref_slice %arg4[%mul3A_2] : memref<32768xi32, #tpu.memory_space<hbm>> -> memref<2048xi32, #tpu.memory_space<hbm>>
    tpu.enqueue_dma source(%dma_start3A_5 : memref<2048xi32, #tpu.memory_space<hbm>>) target(%arg7 : memref<2048xi32, #tpu.memory_space<vmem>>) target_semaphore(%arg10 : memref<!tpu.dma_semaphore, #tpu.memory_space<semaphore_mem>>)
    %dma_wait3A = tpu.memref_slice %arg3[%mul3A_2] : memref<32768xi32, #tpu.memory_space<hbm>> -> memref<2048xi32, #tpu.memory_space<hbm>>
    %dma_wait3A_6 = tpu.memref_slice %arg3[%mul3A_2] : memref<32768xi32, #tpu.memory_space<hbm>> -> memref<2048xi32, #tpu.memory_space<hbm>>
    tpu.wait_dma2 semaphore(%arg10 : memref<!tpu.dma_semaphore, #tpu.memory_space<semaphore_mem>>) src(%dma_wait3A_6 : memref<2048xi32, #tpu.memory_space<hbm>>) dst(%arg6 : memref<2048xi32, #tpu.memory_space<vmem>>)
    %dma_wait3A_7 = tpu.memref_slice %arg4[%mul3A_2] : memref<32768xi32, #tpu.memory_space<hbm>> -> memref<2048xi32, #tpu.memory_space<hbm>>
    %dma_wait3A_8 = tpu.memref_slice %arg4[%mul3A_2] : memref<32768xi32, #tpu.memory_space<hbm>> -> memref<2048xi32, #tpu.memory_space<hbm>>
    tpu.wait_dma2 semaphore(%arg10 : memref<!tpu.dma_semaphore, #tpu.memory_space<semaphore_mem>>) src(%dma_wait3A_8 : memref<2048xi32, #tpu.memory_space<hbm>>) dst(%arg7 : memref<2048xi32, #tpu.memory_space<vmem>>)
    %get3A = arith.constant 0 : index
    %get3A_9 = tpu.vector_load %arg6[%get3A] {strides = array<i32>} : memref<2048xi32, #tpu.memory_space<vmem>>, vector<16xi32>,
    %get3A_10 = vector.shape_cast %get3A_9 : vector<16xi32> to vector<16xi32>
    %mul3A_11 = arith.constant 64 : i32
    %mul3A_12 = vector.broadcast %mul3A_11 : i32 to vector<16xi32>
    %mul3A_13 = arith.muli %get3A_10, %mul3A_12 : vector<16xi32>
    %get3A_14 = arith.constant 0 : index
    %get3A_15 = tpu.vector_load %arg7[%get3A_14] {strides = array<i32>} : memref<2048xi32, #tpu.memory_space<vmem>>, vector<16xi32>,
    %get3A_16 = vector.shape_cast %get3A_15 : vector<16xi32> to vector<16xi32>
    %add3A_17 = arith.addi %mul3A_13, %get3A_16 : vector<16xi32>
    %swap3A = arith.constant 0 : index
    %swap3A_18 = tpu.vector_load %arg8[%swap3A] {strides = array<i32>} : memref<2048xi32, #tpu.memory_space<vmem>>, vector<16xi32>,
    %swap3A_19 = vector.shape_cast %swap3A_18 : vector<16xi32> to vector<16xi32>
    %swap3A_20 = vector.shape_cast %add3A_17 : vector<16xi32> to vector<16xi32>
    tpu.vector_store %arg8[%swap3A], %swap3A_20 {strides = array<i32>} : memref<2048xi32, #tpu.memory_space<vmem>>, vector<16xi32>,
    %get3A_21 = arith.constant 16 : index
    %get3A_22 = tpu.vector_load %arg6[%get3A_21] {strides = array<i32>} : memref<2048xi32, #tpu.memory_space<vmem>>, vector<16xi32>,
    %get3A_23 = vector.shape_cast %get3A_22 : vector<16xi32> to vector<16xi32>
    %mul3A_24 = arith.constant 64 : i32
    %mul3A_25 = vector.broadcast %mul3A_24 : i32 to vector<16xi32>
    %mul3A_26 = arith.muli %get3A_23, %mul3A_25 : vector<16xi32>
    %get3A_27 = arith.constant 16 : index
    %get3A_28 = tpu.vector_load %arg7[%get3A_27] {strides = array<i32>} : memref<2048xi32, #tpu.memory_space<vmem>>, vector<16xi32>,
    %get3A_29 = vector.shape_cast %get3A_28 : vector<16xi32> to vector<16xi32>
    %add3A_30 = arith.addi %mul3A_26, %get3A_29 : vector<16xi32>
    %swap3A_31 = arith.constant 16 : index
    %swap3A_32 = tpu.vector_load %arg8[%swap3A_31] {strides = array<i32>} : memref<2048xi32, #tpu.memory_space<vmem>>, vector<16xi32>,
    %swap3A_33 = vector.shape_cast %swap3A_32 : vector<16xi32> to vector<16xi32>
    %swap3A_34 = vector.shape_cast %add3A_30 : vector<16xi32> to vector<16xi32>
    tpu.vector_store %arg8[%swap3A_31], %swap3A_34 {strides = array<i32>} : memref<2048xi32, #tpu.memory_space<vmem>>, vector<16xi32>,
    %get3A_35 = arith.constant 32 : index
    %get3A_36 = tpu.vector_load %arg6[%get3A_35] {strides = array<i32>} : memref<2048xi32, #tpu.memory_space<vmem>>, vector<16xi32>,
    %get3A_37 = vector.shape_cast %get3A_36 : vector<16xi32> to vector<16xi32>
    %mul3A_38 = arith.constant 64 : i32
    %mul3A_39 = vector.broadcast %mul3A_38 : i32 to vector<16xi32>
    %mul3A_40 = arith.muli %get3A_37, %mul3A_39 : vector<16xi32>
    %get3A_41 = arith.constant 32 : index
    %get3A_42 = tpu.vector_load %arg7[%get3A_41] {strides = array<i32>} : memref<2048xi32, #tpu.memory_space<vmem>>, vector<16xi32>,
    %get3A_43 = vector.shape_cast %get3A_42 : vector<16xi32> to vector<16xi32>
    %add3A_44 = arith.addi %mul3A_40, %get3A_43 : vector<16xi32>
    %swap3A_45 = arith.constant 32 : index
    %swap3A_46 = tpu.vector_load %arg8[%swap3A_45] {strides = array<i32>} : memref<2048xi32, #tpu.memory_space<vmem>>, vector<16xi32>,
    %swap3A_47 = vector.shape_cast %swap3A_46 : vector<16xi32> to vector<16xi32>
    %swap3A_48 = vector.shape_cast %add3A_44 : vector<16xi32> to vector<16xi32>
    tpu.vector_store %arg8[%swap3A_45], %swap3A_48 {strides = array<i32>} : memref<2048xi32, #tpu.memory_space<vmem>>, vector<16xi32>,
    %get3A_49 = arith.constant 48 : index
    %get3A_50 = tpu.vector_load %arg6[%get3A_49] {strides = array<i32>} : memref<2048xi32, #tpu.memory_space<vmem>>, vector<16xi32>,
    %get3A_51 = vector.shape_cast %get3A_50 : vector<16xi32> to vector<16xi32>
    %mul3A_52 = arith.constant 64 : i32
    %mul3A_53 = vector.broadcast %mul3A_52 : i32 to vector<16xi32>
    %mul3A_54 = arith.muli %get3A_51, %mul3A_53 : vector<16xi32>
    %get3A_55 = arith.constant 48 : index
    %get3A_56 = tpu.vector_load %arg7[%get3A_55] {strides = array<i32>} : memref<2048xi32, #tpu.memory_space<vmem>>, vector<16xi32>,
    %get3A_57 = vector.shape_cast %get3A_56 : vector<16xi32> to vector<16xi32>
    %add3A_58 = arith.addi %mul3A_54, %get3A_57 : vector<16xi32>
    %swap3A_59 = arith.constant 48 : index
    %swap3A_60 = tpu.vector_load %arg8[%swap3A_59] {strides = array<i32>} : memref<2048xi32, #tpu.memory_space<vmem>>, vector<16xi32>,
    %swap3A_61 = vector.shape_cast %swap3A_60 : vector<16xi32> to vector<16xi32>
    %swap3A_62 = vector.shape_cast %add3A_58 : vector<16xi32> to vector<16xi32>
    tpu.vector_store %arg8[%swap3A_59], %swap3A_62 {strides = array<i32>} : memref<2048xi32, #tpu.memory_space<vmem>>, vector<16xi32>,
    %get3A_63 = arith.constant 64 : index
    %get3A_64 = tpu.vector_load %arg6[%get3A_63] {strides = array<i32>} : memref<2048xi32, #tpu.memory_space<vmem>>, vector<16xi32>,
    %get3A_65 = vector.shape_cast %get3A_64 : vector<16xi32> to vector<16xi32>
    %mul3A_66 = arith.constant 64 : i32
    %mul3A_67 = vector.broadcast %mul3A_66 : i32 to vector<16xi32>
    %mul3A_68 = arith.muli %get3A_65, %mul3A_67 : vector<16xi32>
    %get3A_69 = arith.constant 64 : index
    %get3A_70 = tpu.vector_load %arg7[%get3A_69] {strides = array<i32>} : memref<2048xi32, #tpu.memory_space<vmem>>, vector<16xi32>,
    %get3A_71 = vector.shape_cast %get3A_70 : vector<16xi32> to vector<16xi32>
    %add3A_72 = arith.addi %mul3A_68, %get3A_71 : vector<16xi32>
    %swap3A_73 = arith.constant 64 : index
    %swap3A_74 = tpu.vector_load %arg8[%swap3A_73] {strides = array<i32>} : memref<2048xi32, #tpu.memory_space<vmem>>, vector<16xi32>,
    %swap3A_75 = vector.shape_cast %swap3A_74 : vector<16xi32> to vector<16xi32>
    %swap3A_76 = vector.shape_cast %add3A_72 : vector<16xi32> to vector<16xi32>
    tpu.vector_store %arg8[%swap3A_73], %swap3A_76 {strides = array<i32>} : memref<2048xi32, #tpu.memory_space<vmem>>, vector<16xi32>,
    %get3A_77 = arith.constant 80 : index
    %get3A_78 = tpu.vector_load %arg6[%get3A_77] {strides = array<i32>} : memref<2048xi32, #tpu.memory_space<vmem>>, vector<16xi32>,
    %get3A_79 = vector.shape_cast %get3A_78 : vector<16xi32> to vector<16xi32>
    %mul3A_80 = arith.constant 64 : i32
    %mul3A_81 = vector.broadcast %mul3A_80 : i32 to vector<16xi32>
    %mul3A_82 = arith.muli %get3A_79, %mul3A_81 : vector<16xi32>
    %get3A_83 = arith.constant 80 : index
    %get3A_84 = tpu.vector_load %arg7[%get3A_83] {strides = array<i32>} : memref<2048xi32, #tpu.memory_space<vmem>>, vector<16xi32>,
    %get3A_85 = vector.shape_cast %get3A_84 : vector<16xi32> to vector<16xi32>
    %add3A_86 = arith.addi %mul3A_82, %get3A_85 : vector<16xi32>
    %swap3A_87 = arith.constant 80 : index
    %swap3A_88 = tpu.vector_load %arg8[%swap3A_87] {strides = array<i32>} : memref<2048xi32, #tpu.memory_space<vmem>>, vector<16xi32>,
    %swap3A_89 = vector.shape_cast %swap3A_88 : vector<16xi32> to vector<16xi32>
    %swap3A_90 = vector.shape_cast %add3A_86 : vector<16xi32> to vector<16xi32>
    tpu.vector_store %arg8[%swap3A_87], %swap3A_90 {strides = array<i32>} : memref<2048xi32, #tpu.memory_space<vmem>>, vector<16xi32>,
    %get3A_91 = arith.constant 96 : index
    %get3A_92 = tpu.vector_load %arg6[%get3A_91] {strides = array<i32>} : memref<2048xi32, #tpu.memory_space<vmem>>, vector<16xi32>,
    %get3A_93 = vector.shape_cast %get3A_92 : vector<16xi32> to vector<16xi32>
    %mul3A_94 = arith.constant 64 : i32
    %mul3A_95 = vector.broadcast %mul3A_94 : i32 to vector<16xi32>
    %mul3A_96 = arith.muli %get3A_93, %mul3A_95 : vector<16xi32>
    %get3A_97 = arith.constant 96 : index
    %get3A_98 = tpu.vector_load %arg7[%get3A_97] {strides = array<i32>} : memref<2048xi32, #tpu.memory_space<vmem>>, vector<16xi32>,
    %get3A_99 = vector.shape_cast %get3A_98 : vector<16xi32> to vector<16xi32>
    %add3A_100 = arith.addi %mul3A_96, %get3A_99 : vector<16xi32>
    %swap3A_101 = arith.constant 96 : index
    %swap3A_102 = tpu.vector_load %arg8[%swap3A_101] {strides = array<i32>} : memref<2048xi32, #tpu.memory_space<vmem>>, vector<16xi32>,
    %swap3A_103 = vector.shape_cast %swap3A_102 : vector<16xi32> to vector<16xi32>
    %swap3A_104 = vector.shape_cast %add3A_100 : vector<16xi32> to vector<16xi32>
    tpu.vector_store %arg8[%swap3A_101], %swap3A_104 {strides = array<i32>} : memref<2048xi32, #tpu.memory_space<vmem>>, vector<16xi32>,
    %get3A_105 = arith.constant 112 : index
    %get3A_106 = tpu.vector_load %arg6[%get3A_105] {strides = array<i32>} : memref<2048xi32, #tpu.memory_space<vmem>>, vector<16xi32>,
    %get3A_107 = vector.shape_cast %get3A_106 : vector<16xi32> to vector<16xi32>
    %mul3A_108 = arith.constant 64 : i32
    %mul3A_109 = vector.broadcast %mul3A_108 : i32 to vector<16xi32>
    %mul3A_110 = arith.muli %get3A_107, %mul3A_109 : vector<16xi32>
    %get3A_111 = arith.constant 112 : index
    %get3A_112 = tpu.vector_load %arg7[%get3A_111] {strides = array<i32>} : memref<2048xi32, #tpu.memory_space<vmem>>, vector<16xi32>,
    %get3A_113 = vector.shape_cast %get3A_112 : vector<16xi32> to vector<16xi32>
    %add3A_114 = arith.addi %mul3A_110, %get3A_113 : vector<16xi32>
    %swap3A_115 = arith.constant 112 : index
    %swap3A_116 = tpu.vector_load %arg8[%swap3A_115] {strides = array<i32>} : memref<2048xi32, #tpu.memory_space<vmem>>, vector<16xi32>,
    %swap3A_117 = vector.shape_cast %swap3A_116 : vector<16xi32> to vector<16xi32>
    %swap3A_118 = vector.shape_cast %add3A_114 : vector<16xi32> to vector<16xi32>
    tpu.vector_store %arg8[%swap3A_115], %swap3A_118 {strides = array<i32>} : memref<2048xi32, #tpu.memory_space<vmem>>, vector<16xi32>,
    %dma_start3A_119 = arith.constant 0 : i32
    %dma_start3A_120 = arith.constant 0 : i32
    %dma_start3A_121 = tpu.memref_slice %arg9[%dma_start3A_119, %dma_start3A_120] : memref<2048x16xf32, #tpu.memory_space<vmem>> -> memref<128x16xf32, #tpu.memory_space<vmem>>
    %dma_start3A_122 = arith.constant 0 : i32
    %dma_start3A_123 = tpu.memref_slice %arg8[%dma_start3A_122] : memref<2048xi32, #tpu.memory_space<vmem>> -> memref<128xi32, #tpu.memory_space<vmem>>
    %dma_start3A_124 = arith.constant 0 : i32
    %dma_start3A_125 = arith.constant 0 : i32
    %dma_start3A_126 = tpu.memref_slice %arg2[%dma_start3A_124, %dma_start3A_125] : memref<640x16xf32, #tpu.memory_space<hbm>> -> memref<640x16xf32, #tpu.memory_space<hbm>>
    tpu.enqueue_indirect_dma source(%dma_start3A_126 : memref<640x16xf32, #tpu.memory_space<hbm>>) target(%dma_start3A_121 : memref<128x16xf32, #tpu.memory_space<vmem>>) offsets(%dma_start3A_123 : memref<128xi32, #tpu.memory_space<vmem>>) semaphore(%arg10 : memref<!tpu.dma_semaphore, #tpu.memory_space<semaphore_mem>>)
    %get3A_127 = arith.constant 128 : index
    %get3A_128 = tpu.vector_load %arg6[%get3A_127] {strides = array<i32>} : memref<2048xi32, #tpu.memory_space<vmem>>, vector<16xi32>,
    %get3A_129 = vector.shape_cast %get3A_128 : vector<16xi32> to vector<16xi32>
    %mul3A_130 = arith.constant 64 : i32
    %mul3A_131 = vector.broadcast %mul3A_130 : i32 to vector<16xi32>
    %mul3A_132 = arith.muli %get3A_129, %mul3A_131 : vector<16xi32>
    %get3A_133 = arith.constant 128 : index
    %get3A_134 = tpu.vector_load %arg7[%get3A_133] {strides = array<i32>} : memref<2048xi32, #tpu.memory_space<vmem>>, vector<16xi32>,
    %get3A_135 = vector.shape_cast %get3A_134 : vector<16xi32> to vector<16xi32>
    %add3A_136 = arith.addi %mul3A_132, %get3A_135 : vector<16xi32>
    %swap3A_137 = arith.constant 128 : index
    %swap3A_138 = tpu.vector_load %arg8[%swap3A_137] {strides = array<i32>} : memref<2048xi32, #tpu.memory_space<vmem>>, vector<16xi32>,
    %swap3A_139 = vector.shape_cast %swap3A_138 : vector<16xi32> to vector<16xi32>
    %swap3A_140 = vector.shape_cast %add3A_136 : vector<16xi32> to vector<16xi32>
    tpu.vector_store %arg8[%swap3A_137], %swap3A_140 {strides = array<i32>} : memref<2048xi32, #tpu.memory_space<vmem>>, vector<16xi32>,
    %get3A_141 = arith.constant 144 : index
    %get3A_142 = tpu.vector_load %arg6[%get3A_141] {strides = array<i32>} : memref<2048xi32, #tpu.memory_space<vmem>>, vector<16xi32>,
    %get3A_143 = vector.shape_cast %get3A_142 : vector<16xi32> to vector<16xi32>
    %mul3A_144 = arith.constant 64 : i32
    %mul3A_145 = vector.broadcast %mul3A_144 : i32 to vector<16xi32>
    %mul3A_146 = arith.muli %get3A_143, %mul3A_145 : vector<16xi32>
    %get3A_147 = arith.constant 144 : index
    %get3A_148 = tpu.vector_load %arg7[%get3A_147] {strides = array<i32>} : memref<2048xi32, #tpu.memory_space<vmem>>, vector<16xi32>,
    %get3A_149 = vector.shape_cast %get3A_148 : vector<16xi32> to vector<16xi32>
    %add3A_150 = arith.addi %mul3A_146, %get3A_149 : vector<16xi32>
    %swap3A_151 = arith.constant 144 : index
    %swap3A_152 = tpu.vector_load %arg8[%swap3A_151] {strides = array<i32>} : memref<2048xi32, #tpu.memory_space<vmem>>, vector<16xi32>,
    %swap3A_153 = vector.shape_cast %swap3A_152 : vector<16xi32> to vector<16xi32>
    %swap3A_154 = vector.shape_cast %add3A_150 : vector<16xi32> to vector<16xi32>
    tpu.vector_store %arg8[%swap3A_151], %swap3A_154 {strides = array<i32>} : memref<2048xi32, #tpu.memory_space<vmem>>, vector<16xi32>,
    %get3A_155 = arith.constant 160 : index
    %get3A_156 = tpu.vector_load %arg6[%get3A_155] {strides = array<i32>} : memref<2048xi32, #tpu.memory_space<vmem>>, vector<16xi32>,
    %get3A_157 = vector.shape_cast %get3A_156 : vector<16xi32> to vector<16xi32>
    %mul3A_158 = arith.constant 64 : i32
    %mul3A_159 = vector.broadcast %mul3A_158 : i32 to vector<16xi32>
    %mul3A_160 = arith.muli %get3A_157, %mul3A_159 : vector<16xi32>
    %get3A_161 = arith.constant 160 : index
    %get3A_162 = tpu.vector_load %arg7[%get3A_161] {strides = array<i32>} : memref<2048xi32, #tpu.memory_space<vmem>>, vector<16xi32>,
    %get3A_163 = vector.shape_cast %get3A_162 : vector<16xi32> to vector<16xi32>
    %add3A_164 = arith.addi %mul3A_160, %get3A_163 : vector<16xi32>
    %swap3A_165 = arith.constant 160 : index
    %swap3A_166 = tpu.vector_load %arg8[%swap3A_165] {strides = array<i32>} : memref<2048xi32, #tpu.memory_space<vmem>>, vector<16xi32>,
    %swap3A_167 = vector.shape_cast %swap3A_166 : vector<16xi32> to vector<16xi32>
    %swap3A_168 = vector.shape_cast %add3A_164 : vector<16xi32> to vector<16xi32>
    tpu.vector_store %arg8[%swap3A_165], %swap3A_168 {strides = array<i32>} : memref<2048xi32, #tpu.memory_space<vmem>>, vector<16xi32>,
    %get3A_169 = arith.constant 176 : index
    %get3A_170 = tpu.vector_load %arg6[%get3A_169] {strides = array<i32>} : memref<2048xi32, #tpu.memory_space<vmem>>, vector<16xi32>,
    %get3A_171 = vector.shape_cast %get3A_170 : vector<16xi32> to vector<16xi32>
    %mul3A_172 = arith.constant 64 : i32
    %mul3A_173 = vector.broadcast %mul3A_172 : i32 to vector<16xi32>
    %mul3A_174 = arith.muli %get3A_171, %mul3A_173 : vector<16xi32>
    %get3A_175 = arith.constant 176 : index
    %get3A_176 = tpu.vector_load %arg7[%get3A_175] {strides = array<i32>} : memref<2048xi32, #tpu.memory_space<vmem>>, vector<16xi32>,
    %get3A_177 = vector.shape_cast %get3A_176 : vector<16xi32> to vector<16xi32>
    %add3A_178 = arith.addi %mul3A_174, %get3A_177 : vector<16xi32>
    %swap3A_179 = arith.constant 176 : index
    %swap3A_180 = tpu.vector_load %arg8[%swap3A_179] {strides = array<i32>} : memref<2048xi32, #tpu.memory_space<vmem>>, vector<16xi32>,
    %swap3A_181 = vector.shape_cast %swap3A_180 : vector<16xi32> to vector<16xi32>
    %swap3A_182 = vector.shape_cast %add3A_178 : vector<16xi32> to vector<16xi32>
    tpu.vector_store %arg8[%swap3A_179], %swap3A_182 {strides = array<i32>} : memref<2048xi32, #tpu.memory_space<vmem>>, vector<16xi32>,
    %get3A_183 = arith.constant 192 : index
    %get3A_184 = tpu.vector_load %arg6[%get3A_183] {strides = array<i32>} : memref<2048xi32, #tpu.memory_space<vmem>>, vector<16xi32>,
    %get3A_185 = vector.shape_cast %get3A_184 : vector<16xi32> to vector<16xi32>
    %mul3A_186 = arith.constant 64 : i32
    %mul3A_187 = vector.broadcast %mul3A_186 : i32 to vector<16xi32>
    %mul3A_188 = arith.muli %get3A_185, %mul3A_187 : vector<16xi32>
    %get3A_189 = arith.constant 192 : index
    %get3A_190 = tpu.vector_load %arg7[%get3A_189] {strides = array<i32>} : memref<2048xi32, #tpu.memory_space<vmem>>, vector<16xi32>,
    %get3A_191 = vector.shape_cast %get3A_190 : vector<16xi32> to vector<16xi32>
    %add3A_192 = arith.addi %mul3A_188, %get3A_191 : vector<16xi32>
    %swap3A_193 = arith.constant 192 : index
    %swap3A_194 = tpu.vector_load %arg8[%swap3A_193] {strides = array<i32>} : memref<2048xi32, #tpu.memory_space<vmem>>, vector<16xi32>,
    %swap3A_195 = vector.shape_cast %swap3A_194 : vector<16xi32> to vector<16xi32>
    %swap3A_196 = vector.shape_cast %add3A_192 : vector<16xi32> to vector<16xi32>
    tpu.vector_store %arg8[%swap3A_193], %swap3A_196 {strides = array<i32>} : memref<2048xi32, #tpu.memory_space<vmem>>, vector<16xi32>,
    %get3A_197 = arith.constant 208 : index
    %get3A_198 = tpu.vector_load %arg6[%get3A_197] {strides = array<i32>} : memref<2048xi32, #tpu.memory_space<vmem>>, vector<16xi32>,
    %get3A_199 = vector.shape_cast %get3A_198 : vector<16xi32> to vector<16xi32>
    %mul3A_200 = arith.constant 64 : i32
    %mul3A_201 = vector.broadcast %mul3A_200 : i32 to vector<16xi32>
    %mul3A_202 = arith.muli %get3A_199, %mul3A_201 : vector<16xi32>
    %get3A_203 = arith.constant 208 : index
    %get3A_204 = tpu.vector_load %arg7[%get3A_203] {strides = array<i32>} : memref<2048xi32, #tpu.memory_space<vmem>>, vector<16xi32>,
    %get3A_205 = vector.shape_cast %get3A_204 : vector<16xi32> to vector<16xi32>
    %add3A_206 = arith.addi %mul3A_202, %get3A_205 : vector<16xi32>
    %swap3A_207 = arith.constant 208 : index
    %swap3A_208 = tpu.vector_load %arg8[%swap3A_207] {strides = array<i32>} : memref<2048xi32, #tpu.memory_space<vmem>>, vector<16xi32>,
    %swap3A_209 = vector.shape_cast %swap3A_208 : vector<16xi32> to vector<16xi32>
    %swap3A_210 = vector.shape_cast %add3A_206 : vector<16xi32> to vector<16xi32>
    tpu.vector_store %arg8[%swap3A_207], %swap3A_210 {strides = array<i32>} : memref<2048xi32, #tpu.memory_space<vmem>>, vector<16xi32>,
    %get3A_211 = arith.constant 224 : index
    %get3A_212 = tpu.vector_load %arg6[%get3A_211] {strides = array<i32>} : memref<2048xi32, #tpu.memory_space<vmem>>, vector<16xi32>,
    %get3A_213 = vector.shape_cast %get3A_212 : vector<16xi32> to vector<16xi32>
    %mul3A_214 = arith.constant 64 : i32
    %mul3A_215 = vector.broadcast %mul3A_214 : i32 to vector<16xi32>
    %mul3A_216 = arith.muli %get3A_213, %mul3A_215 : vector<16xi32>
    %get3A_217 = arith.constant 224 : index
    %get3A_218 = tpu.vector_load %arg7[%get3A_217] {strides = array<i32>} : memref<2048xi32, #tpu.memory_space<vmem>>, vector<16xi32>,
    %get3A_219 = vector.shape_cast %get3A_218 : vector<16xi32> to vector<16xi32>
    %add3A_220 = arith.addi %mul3A_216, %get3A_219 : vector<16xi32>
    %swap3A_221 = arith.constant 224 : index
    %swap3A_222 = tpu.vector_load %arg8[%swap3A_221] {strides = array<i32>} : memref<2048xi32, #tpu.memory_space<vmem>>, vector<16xi32>,
    %swap3A_223 = vector.shape_cast %swap3A_222 : vector<16xi32> to vector<16xi32>
    %swap3A_224 = vector.shape_cast %add3A_220 : vector<16xi32> to vector<16xi32>
    tpu.vector_store %arg8[%swap3A_221], %swap3A_224 {strides = array<i32>} : memref<2048xi32, #tpu.memory_space<vmem>>, vector<16xi32>,
    %get3A_225 = arith.constant 240 : index
    %get3A_226 = tpu.vector_load %arg6[%get3A_225] {strides = array<i32>} : memref<2048xi32, #tpu.memory_space<vmem>>, vector<16xi32>,
    %get3A_227 = vector.shape_cast %get3A_226 : vector<16xi32> to vector<16xi32>
    %mul3A_228 = arith.constant 64 : i32
    %mul3A_229 = vector.broadcast %mul3A_228 : i32 to vector<16xi32>
    %mul3A_230 = arith.muli %get3A_227, %mul3A_229 : vector<16xi32>
    %get3A_231 = arith.constant 240 : index
    %get3A_232 = tpu.vector_load %arg7[%get3A_231] {strides = array<i32>} : memref<2048xi32, #tpu.memory_space<vmem>>, vector<16xi32>,
    %get3A_233 = vector.shape_cast %get3A_232 : vector<16xi32> to vector<16xi32>
    %add3A_234 = arith.addi %mul3A_230, %get3A_233 : vector<16xi32>
    %swap3A_235 = arith.constant 240 : index
    %swap3A_236 = tpu.vector_load %arg8[%swap3A_235] {strides = array<i32>} : memref<2048xi32, #tpu.memory_space<vmem>>, vector<16xi32>,
    %swap3A_237 = vector.shape_cast %swap3A_236 : vector<16xi32> to vector<16xi32>
    %swap3A_238 = vector.shape_cast %add3A_234 : vector<16xi32> to vector<16xi32>
    tpu.vector_store %arg8[%swap3A_235], %swap3A_238 {strides = array<i32>} : memref<2048xi32, #tpu.memory_space<vmem>>, vector<16xi32>,
    %dma_start3A_239 = arith.constant 128 : i32
    %dma_start3A_240 = arith.constant 0 : i32
    %dma_start3A_241 = tpu.memref_slice %arg9[%dma_start3A_239, %dma_start3A_240] : memref<2048x16xf32, #tpu.memory_space<vmem>> -> memref<128x16xf32, #tpu.memory_space<vmem>>
    %dma_start3A_242 = arith.constant 128 : i32
    %dma_start3A_243 = tpu.memref_slice %arg8[%dma_start3A_242] : memref<2048xi32, #tpu.memory_space<vmem>> -> memref<128xi32, #tpu.memory_space<vmem>>
    %dma_start3A_244 = arith.constant 0 : i32
    %dma_start3A_245 = arith.constant 0 : i32
    %dma_start3A_246 = tpu.memref_slice %arg2[%dma_start3A_244, %dma_start3A_245] : memref<640x16xf32, #tpu.memory_space<hbm>> -> memref<640x16xf32, #tpu.memory_space<hbm>>
    tpu.enqueue_indirect_dma source(%dma_start3A_246 : memref<640x16xf32, #tpu.memory_space<hbm>>) target(%dma_start3A_241 : memref<128x16xf32, #tpu.memory_space<vmem>>) offsets(%dma_start3A_243 : memref<128xi32, #tpu.memory_space<vmem>>) semaphore(%arg10 : memref<!tpu.dma_semaphore, #tpu.memory_space<semaphore_mem>>)
    %get3A_247 = arith.constant 256 : index
    %get3A_248 = tpu.vector_load %arg6[%get3A_247] {strides = array<i32>} : memref<2048xi32, #tpu.memory_space<vmem>>, vector<16xi32>,
    %get3A_249 = vector.shape_cast %get3A_248 : vector<16xi32> to vector<16xi32>
    %mul3A_250 = arith.constant 64 : i32
    %mul3A_251 = vector.broadcast %mul3A_250 : i32 to vector<16xi32>
    %mul3A_252 = arith.muli %get3A_249, %mul3A_251 : vector<16xi32>
    %get3A_253 = arith.constant 256 : index
    %get3A_254 = tpu.vector_load %arg7[%get3A_253] {strides = array<i32>} : memref<2048xi32, #tpu.memory_space<vmem>>, vector<16xi32>,
    %get3A_255 = vector.shape_cast %get3A_254 : vector<16xi32> to vector<16xi32>
    %add3A_256 = arith.addi %mul3A_252, %get3A_255 : vector<16xi32>
    %swap3A_257 = arith.constant 256 : index
    %swap3A_258 = tpu.vector_load %arg8[%swap3A_257] {strides = array<i32>} : memref<2048xi32, #tpu.memory_space<vmem>>, vector<16xi32>,
    %swap3A_259 = vector.shape_cast %swap3A_258 : vector<16xi32> to vector<16xi32>
    %swap3A_260 = vector.shape_cast %add3A_256 : vector<16xi32> to vector<16xi32>
    tpu.vector_store %arg8[%swap3A_257], %swap3A_260 {strides = array<i32>} : memref<2048xi32, #tpu.memory_space<vmem>>, vector<16xi32>,
    %get3A_261 = arith.constant 272 : index
    %get3A_262 = tpu.vector_load %arg6[%get3A_261] {strides = array<i32>} : memref<2048xi32, #tpu.memory_space<vmem>>, vector<16xi32>,
    %get3A_263 = vector.shape_cast %get3A_262 : vector<16xi32> to vector<16xi32>
    %mul3A_264 = arith.constant 64 : i32
    %mul3A_265 = vector.broadcast %mul3A_264 : i32 to vector<16xi32>
    %mul3A_266 = arith.muli %get3A_263, %mul3A_265 : vector<16xi32>
    %get3A_267 = arith.constant 272 : index
    %get3A_268 = tpu.vector_load %arg7[%get3A_267] {strides = array<i32>} : memref<2048xi32, #tpu.memory_space<vmem>>, vector<16xi32>,
    %get3A_269 = vector.shape_cast %get3A_268 : vector<16xi32> to vector<16xi32>
    %add3A_270 = arith.addi %mul3A_266, %get3A_269 : vector<16xi32>
    %swap3A_271 = arith.constant 272 : index
    %swap3A_272 = tpu.vector_load %arg8[%swap3A_271] {strides = array<i32>} : memref<2048xi32, #tpu.memory_space<vmem>>, vector<16xi32>,
    %swap3A_273 = vector.shape_cast %swap3A_272 : vector<16xi32> to vector<16xi32>
    %swap3A_274 = vector.shape_cast %add3A_270 : vector<16xi32> to vector<16xi32>
    tpu.vector_store %arg8[%swap3A_271], %swap3A_274 {strides = array<i32>} : memref<2048xi32, #tpu.memory_space<vmem>>, vector<16xi32>,
    %get3A_275 = arith.constant 288 : index
    %get3A_276 = tpu.vector_load %arg6[%get3A_275] {strides = array<i32>} : memref<2048xi32, #tpu.memory_space<vmem>>, vector<16xi32>,
    %get3A_277 = vector.shape_cast %get3A_276 : vector<16xi32> to vector<16xi32>
    %mul3A_278 = arith.constant 64 : i32
    %mul3A_279 = vector.broadcast %mul3A_278 : i32 to vector<16xi32>
    %mul3A_280 = arith.muli %get3A_277, %mul3A_279 : vector<16xi32>
    %get3A_281 = arith.constant 288 : index
    %get3A_282 = tpu.vector_load %arg7[%get3A_281] {strides = array<i32>} : memref<2048xi32, #tpu.memory_space<vmem>>, vector<16xi32>,
    %get3A_283 = vector.shape_cast %get3A_282 : vector<16xi32> to vector<16xi32>
    %add3A_284 = arith.addi %mul3A_280, %get3A_283 : vector<16xi32>
    %swap3A_285 = arith.constant 288 : index
    %swap3A_286 = tpu.vector_load %arg8[%swap3A_285] {strides = array<i32>} : memref<2048xi32, #tpu.memory_space<vmem>>, vector<16xi32>,
    %swap3A_287 = vector.shape_cast %swap3A_286 : vector<16xi32> to vector<16xi32>
    %swap3A_288 = vector.shape_cast %add3A_284 : vector<16xi32> to vector<16xi32>
    tpu.vector_store %arg8[%swap3A_285], %swap3A_288 {strides = array<i32>} : memref<2048xi32, #tpu.memory_space<vmem>>, vector<16xi32>,
    %get3A_289 = arith.constant 304 : index
    %get3A_290 = tpu.vector_load %arg6[%get3A_289] {strides = array<i32>} : memref<2048xi32, #tpu.memory_space<vmem>>, vector<16xi32>,
    %get3A_291 = vector.shape_cast %get3A_290 : vector<16xi32> to vector<16xi32>
    %mul3A_292 = arith.constant 64 : i32
    %mul3A_293 = vector.broadcast %mul3A_292 : i32 to vector<16xi32>
    %mul3A_294 = arith.muli %get3A_291, %mul3A_293 : vector<16xi32>
    %get3A_295 = arith.constant 304 : index
    %get3A_296 = tpu.vector_load %arg7[%get3A_295] {strides = array<i32>} : memref<2048xi32, #tpu.memory_space<vmem>>, vector<16xi32>,
    %get3A_297 = vector.shape_cast %get3A_296 : vector<16xi32> to vector<16xi32>
    %add3A_298 = arith.addi %mul3A_294, %get3A_297 : vector<16xi32>
    %swap3A_299 = arith.constant 304 : index
    %swap3A_300 = tpu.vector_load %arg8[%swap3A_299] {strides = array<i32>} : memref<2048xi32, #tpu.memory_space<vmem>>, vector<16xi32>,
    %swap3A_301 = vector.shape_cast %swap3A_300 : vector<16xi32> to vector<16xi32>
    %swap3A_302 = vector.shape_cast %add3A_298 : vector<16xi32> to vector<16xi32>
    tpu.vector_store %arg8[%swap3A_299], %swap3A_302 {strides = array<i32>} : memref<2048xi32, #tpu.memory_space<vmem>>, vector<16xi32>,
    %get3A_303 = arith.constant 320 : index
    %get3A_304 = tpu.vector_load %arg6[%get3A_303] {strides = array<i32>} : memref<2048xi32, #tpu.memory_space<vmem>>, vector<16xi32>,
    %get3A_305 = vector.shape_cast %get3A_304 : vector<16xi32> to vector<16xi32>
    %mul3A_306 = arith.constant 64 : i32
    %mul3A_307 = vector.broadcast %mul3A_306 : i32 to vector<16xi32>
    %mul3A_308 = arith.muli %get3A_305, %mul3A_307 : vector<16xi32>
    %get3A_309 = arith.constant 320 : index
    %get3A_310 = tpu.vector_load %arg7[%get3A_309] {strides = array<i32>} : memref<2048xi32, #tpu.memory_space<vmem>>, vector<16xi32>,
    %get3A_311 = vector.shape_cast %get3A_310 : vector<16xi32> to vector<16xi32>
    %add3A_312 = arith.addi %mul3A_308, %get3A_311 : vector<16xi32>
    %swap3A_313 = arith.constant 320 : index
    %swap3A_314 = tpu.vector_load %arg8[%swap3A_313] {strides = array<i32>} : memref<2048xi32, #tpu.memory_space<vmem>>, vector<16xi32>,
    %swap3A_315 = vector.shape_cast %swap3A_314 : vector<16xi32> to vector<16xi32>
    %swap3A_316 = vector.shape_cast %add3A_312 : vector<16xi32> to vector<16xi32>
    tpu.vector_store %arg8[%swap3A_313], %swap3A_316 {strides = array<i32>} : memref<2048xi32, #tpu.memory_space<vmem>>, vector<16xi32>,
    %get3A_317 = arith.constant 336 : index
    %get3A_318 = tpu.vector_load %arg6[%get3A_317] {strides = array<i32>} : memref<2048xi32, #tpu.memory_space<vmem>>, vector<16xi32>,
    %get3A_319 = vector.shape_cast %get3A_318 : vector<16xi32> to vector<16xi32>
    %mul3A_320 = arith.constant 64 : i32
    %mul3A_321 = vector.broadcast %mul3A_320 : i32 to vector<16xi32>
    %mul3A_322 = arith.muli %get3A_319, %mul3A_321 : vector<16xi32>
    %get3A_323 = arith.constant 336 : index
    %get3A_324 = tpu.vector_load %arg7[%get3A_323] {strides = array<i32>} : memref<2048xi32, #tpu.memory_space<vmem>>, vector<16xi32>,
    %get3A_325 = vector.shape_cast %get3A_324 : vector<16xi32> to vector<16xi32>
    %add3A_326 = arith.addi %mul3A_322, %get3A_325 : vector<16xi32>
    %swap3A_327 = arith.constant 336 : index
    %swap3A_328 = tpu.vector_load %arg8[%swap3A_327] {strides = array<i32>} : memref<2048xi32, #tpu.memory_space<vmem>>, vector<16xi32>,
    %swap3A_329 = vector.shape_cast %swap3A_328 : vector<16xi32> to vector<16xi32>
    %swap3A_330 = vector.shape_cast %add3A_326 : vector<16xi32> to vector<16xi32>
    tpu.vector_store %arg8[%swap3A_327], %swap3A_330 {strides = array<i32>} : memref<2048xi32, #tpu.memory_space<vmem>>, vector<16xi32>,
    %get3A_331 = arith.constant 352 : index
    %get3A_332 = tpu.vector_load %arg6[%get3A_331] {strides = array<i32>} : memref<2048xi32, #tpu.memory_space<vmem>>, vector<16xi32>,
    %get3A_333 = vector.shape_cast %get3A_332 : vector<16xi32> to vector<16xi32>
    %mul3A_334 = arith.constant 64 : i32
    %mul3A_335 = vector.broadcast %mul3A_334 : i32 to vector<16xi32>
    %mul3A_336 = arith.muli %get3A_333, %mul3A_335 : vector<16xi32>
    %get3A_337 = arith.constant 352 : index
    %get3A_338 = tpu.vector_load %arg7[%get3A_337] {strides = array<i32>} : memref<2048xi32, #tpu.memory_space<vmem>>, vector<16xi32>,
    %get3A_339 = vector.shape_cast %get3A_338 : vector<16xi32> to vector<16xi32>
    %add3A_340 = arith.addi %mul3A_336, %get3A_339 : vector<16xi32>
    %swap3A_341 = arith.constant 352 : index
    %swap3A_342 = tpu.vector_load %arg8[%swap3A_341] {strides = array<i32>} : memref<2048xi32, #tpu.memory_space<vmem>>, vector<16xi32>,
    %swap3A_343 = vector.shape_cast %swap3A_342 : vector<16xi32> to vector<16xi32>
    %swap3A_344 = vector.shape_cast %add3A_340 : vector<16xi32> to vector<16xi32>
    tpu.vector_store %arg8[%swap3A_341], %swap3A_344 {strides = array<i32>} : memref<2048xi32, #tpu.memory_space<vmem>>, vector<16xi32>,
    %get3A_345 = arith.constant 368 : index
    %get3A_346 = tpu.vector_load %arg6[%get3A_345] {strides = array<i32>} : memref<2048xi32, #tpu.memory_space<vmem>>, vector<16xi32>,
    %get3A_347 = vector.shape_cast %get3A_346 : vector<16xi32> to vector<16xi32>
    %mul3A_348 = arith.constant 64 : i32
    %mul3A_349 = vector.broadcast %mul3A_348 : i32 to vector<16xi32>
    %mul3A_350 = arith.muli %get3A_347, %mul3A_349 : vector<16xi32>
    %get3A_351 = arith.constant 368 : index
    %get3A_352 = tpu.vector_load %arg7[%get3A_351] {strides = array<i32>} : memref<2048xi32, #tpu.memory_space<vmem>>, vector<16xi32>,
    %get3A_353 = vector.shape_cast %get3A_352 : vector<16xi32> to vector<16xi32>
    %add3A_354 = arith.addi %mul3A_350, %get3A_353 : vector<16xi32>
    %swap3A_355 = arith.constant 368 : index
    %swap3A_356 = tpu.vector_load %arg8[%swap3A_355] {strides = array<i32>} : memref<2048xi32, #tpu.memory_space<vmem>>, vector<16xi32>,
    %swap3A_357 = vector.shape_cast %swap3A_356 : vector<16xi32> to vector<16xi32>
    %swap3A_358 = vector.shape_cast %add3A_354 : vector<16xi32> to vector<16xi32>
    tpu.vector_store %arg8[%swap3A_355], %swap3A_358 {strides = array<i32>} : memref<2048xi32, #tpu.memory_space<vmem>>, vector<16xi32>,
    %dma_start3A_359 = arith.constant 256 : i32
    %dma_start3A_360 = arith.constant 0 : i32
    %dma_start3A_361 = tpu.memref_slice %arg9[%dma_start3A_359, %dma_start3A_360] : memref<2048x16xf32, #tpu.memory_space<vmem>> -> memref<128x16xf32, #tpu.memory_space<vmem>>
    %dma_start3A_362 = arith.constant 256 : i32
    %dma_start3A_363 = tpu.memref_slice %arg8[%dma_start3A_362] : memref<2048xi32, #tpu.memory_space<vmem>> -> memref<128xi32, #tpu.memory_space<vmem>>
    %dma_start3A_364 = arith.constant 0 : i32
    %dma_start3A_365 = arith.constant 0 : i32
    %dma_start3A_366 = tpu.memref_slice %arg2[%dma_start3A_364, %dma_start3A_365] : memref<640x16xf32, #tpu.memory_space<hbm>> -> memref<640x16xf32, #tpu.memory_space<hbm>>
    tpu.enqueue_indirect_dma source(%dma_start3A_366 : memref<640x16xf32, #tpu.memory_space<hbm>>) target(%dma_start3A_361 : memref<128x16xf32, #tpu.memory_space<vmem>>) offsets(%dma_start3A_363 : memref<128xi32, #tpu.memory_space<vmem>>) semaphore(%arg10 : memref<!tpu.dma_semaphore, #tpu.memory_space<semaphore_mem>>)
    %get3A_367 = arith.constant 384 : index
    %get3A_368 = tpu.vector_load %arg6[%get3A_367] {strides = array<i32>} : memref<2048xi32, #tpu.memory_space<vmem>>, vector<16xi32>,
    %get3A_369 = vector.shape_cast %get3A_368 : vector<16xi32> to vector<16xi32>
    %mul3A_370 = arith.constant 64 : i32
    %mul3A_371 = vector.broadcast %mul3A_370 : i32 to vector<16xi32>
    %mul3A_372 = arith.muli %get3A_369, %mul3A_371 : vector<16xi32>
    %get3A_373 = arith.constant 384 : index
    %get3A_374 = tpu.vector_load %arg7[%get3A_373] {strides = array<i32>} : memref<2048xi32, #tpu.memory_space<vmem>>, vector<16xi32>,
    %get3A_375 = vector.shape_cast %get3A_374 : vector<16xi32> to vector<16xi32>
    %add3A_376 = arith.addi %mul3A_372, %get3A_375 : vector<16xi32>
    %swap3A_377 = arith.constant 384 : index
    %swap3A_378 = tpu.vector_load %arg8[%swap3A_377] {strides = array<i32>} : memref<2048xi32, #tpu.memory_space<vmem>>, vector<16xi32>,
    %swap3A_379 = vector.shape_cast %swap3A_378 : vector<16xi32> to vector<16xi32>
    %swap3A_380 = vector.shape_cast %add3A_376 : vector<16xi32> to vector<16xi32>
    tpu.vector_store %arg8[%swap3A_377], %swap3A_380 {strides = array<i32>} : memref<2048xi32, #tpu.memory_space<vmem>>, vector<16xi32>,
    %get3A_381 = arith.constant 400 : index
    %get3A_382 = tpu.vector_load %arg6[%get3A_381] {strides = array<i32>} : memref<2048xi32, #tpu.memory_space<vmem>>, vector<16xi32>,
    %get3A_383 = vector.shape_cast %get3A_382 : vector<16xi32> to vector<16xi32>
    %mul3A_384 = arith.constant 64 : i32
    %mul3A_385 = vector.broadcast %mul3A_384 : i32 to vector<16xi32>
    %mul3A_386 = arith.muli %get3A_383, %mul3A_385 : vector<16xi32>
    %get3A_387 = arith.constant 400 : index
    %get3A_388 = tpu.vector_load %arg7[%get3A_387] {strides = array<i32>} : memref<2048xi32, #tpu.memory_space<vmem>>, vector<16xi32>,
    %get3A_389 = vector.shape_cast %get3A_388 : vector<16xi32> to vector<16xi32>
    %add3A_390 = arith.addi %mul3A_386, %get3A_389 : vector<16xi32>
    %swap3A_391 = arith.constant 400 : index
    %swap3A_392 = tpu.vector_load %arg8[%swap3A_391] {strides = array<i32>} : memref<2048xi32, #tpu.memory_space<vmem>>, vector<16xi32>,
    %swap3A_393 = vector.shape_cast %swap3A_392 : vector<16xi32> to vector<16xi32>
    %swap3A_394 = vector.shape_cast %add3A_390 : vector<16xi32> to vector<16xi32>
    tpu.vector_store %arg8[%swap3A_391], %swap3A_394 {strides = array<i32>} : memref<2048xi32, #tpu.memory_space<vmem>>, vector<16xi32>,
    %get3A_395 = arith.constant 416 : index
    %get3A_396 = tpu.vector_load %arg6[%get3A_395] {strides = array<i32>} : memref<2048xi32, #tpu.memory_space<vmem>>, vector<16xi32>,
    %get3A_397 = vector.shape_cast %get3A_396 : vector<16xi32> to vector<16xi32>
    %mul3A_398 = arith.constant 64 : i32
    %mul3A_399 = vector.broadcast %mul3A_398 : i32 to vector<16xi32>
    %mul3A_400 = arith.muli %get3A_397, %mul3A_399 : vector<16xi32>
    %get3A_401 = arith.constant 416 : index
    %get3A_402 = tpu.vector_load %arg7[%get3A_401] {strides = array<i32>} : memref<2048xi32, #tpu.memory_space<vmem>>, vector<16xi32>,
    %get3A_403 = vector.shape_cast %get3A_402 : vector<16xi32> to vector<16xi32>
    %add3A_404 = arith.addi %mul3A_400, %get3A_403 : vector<16xi32>
    %swap3A_405 = arith.constant 416 : index
    %swap3A_406 = tpu.vector_load %arg8[%swap3A_405] {strides = array<i32>} : memref<2048xi32, #tpu.memory_space<vmem>>, vector<16xi32>,
    %swap3A_407 = vector.shape_cast %swap3A_406 : vector<16xi32> to vector<16xi32>
    %swap3A_408 = vector.shape_cast %add3A_404 : vector<16xi32> to vector<16xi32>
    tpu.vector_store %arg8[%swap3A_405], %swap3A_408 {strides = array<i32>} : memref<2048xi32, #tpu.memory_space<vmem>>, vector<16xi32>,
    %get3A_409 = arith.constant 432 : index
    %get3A_410 = tpu.vector_load %arg6[%get3A_409] {strides = array<i32>} : memref<2048xi32, #tpu.memory_space<vmem>>, vector<16xi32>,
    %get3A_411 = vector.shape_cast %get3A_410 : vector<16xi32> to vector<16xi32>
    %mul3A_412 = arith.constant 64 : i32
    %mul3A_413 = vector.broadcast %mul3A_412 : i32 to vector<16xi32>
    %mul3A_414 = arith.muli %get3A_411, %mul3A_413 : vector<16xi32>
    %get3A_415 = arith.constant 432 : index
    %get3A_416 = tpu.vector_load %arg7[%get3A_415] {strides = array<i32>} : memref<2048xi32, #tpu.memory_space<vmem>>, vector<16xi32>,
    %get3A_417 = vector.shape_cast %get3A_416 : vector<16xi32> to vector<16xi32>
    %add3A_418 = arith.addi %mul3A_414, %get3A_417 : vector<16xi32>
    %swap3A_419 = arith.constant 432 : index
    %swap3A_420 = tpu.vector_load %arg8[%swap3A_419] {strides = array<i32>} : memref<2048xi32, #tpu.memory_space<vmem>>, vector<16xi32>,
    %swap3A_421 = vector.shape_cast %swap3A_420 : vector<16xi32> to vector<16xi32>
    %swap3A_422 = vector.shape_cast %add3A_418 : vector<16xi32> to vector<16xi32>
    tpu.vector_store %arg8[%swap3A_419], %swap3A_422 {strides = array<i32>} : memref<2048xi32, #tpu.memory_space<vmem>>, vector<16xi32>,
    %get3A_423 = arith.constant 448 : index
    %get3A_424 = tpu.vector_load %arg6[%get3A_423] {strides = array<i32>} : memref<2048xi32, #tpu.memory_space<vmem>>, vector<16xi32>,
    %get3A_425 = vector.shape_cast %get3A_424 : vector<16xi32> to vector<16xi32>
    %mul3A_426 = arith.constant 64 : i32
    %mul3A_427 = vector.broadcast %mul3A_426 : i32 to vector<16xi32>
    %mul3A_428 = arith.muli %get3A_425, %mul3A_427 : vector<16xi32>
    %get3A_429 = arith.constant 448 : index
    %get3A_430 = tpu.vector_load %arg7[%get3A_429] {strides = array<i32>} : memref<2048xi32, #tpu.memory_space<vmem>>, vector<16xi32>,
    %get3A_431 = vector.shape_cast %get3A_430 : vector<16xi32> to vector<16xi32>
    %add3A_432 = arith.addi %mul3A_428, %get3A_431 : vector<16xi32>
    %swap3A_433 = arith.constant 448 : index
    %swap3A_434 = tpu.vector_load %arg8[%swap3A_433] {strides = array<i32>} : memref<2048xi32, #tpu.memory_space<vmem>>, vector<16xi32>,
    %swap3A_435 = vector.shape_cast %swap3A_434 : vector<16xi32> to vector<16xi32>
    %swap3A_436 = vector.shape_cast %add3A_432 : vector<16xi32> to vector<16xi32>
    tpu.vector_store %arg8[%swap3A_433], %swap3A_436 {strides = array<i32>} : memref<2048xi32, #tpu.memory_space<vmem>>, vector<16xi32>,
    %get3A_437 = arith.constant 464 : index
    %get3A_438 = tpu.vector_load %arg6[%get3A_437] {strides = array<i32>} : memref<2048xi32, #tpu.memory_space<vmem>>, vector<16xi32>,
    %get3A_439 = vector.shape_cast %get3A_438 : vector<16xi32> to vector<16xi32>
    %mul3A_440 = arith.constant 64 : i32
    %mul3A_441 = vector.broadcast %mul3A_440 : i32 to vector<16xi32>
    %mul3A_442 = arith.muli %get3A_439, %mul3A_441 : vector<16xi32>
    %get3A_443 = arith.constant 464 : index
    %get3A_444 = tpu.vector_load %arg7[%get3A_443] {strides = array<i32>} : memref<2048xi32, #tpu.memory_space<vmem>>, vector<16xi32>,
    %get3A_445 = vector.shape_cast %get3A_444 : vector<16xi32> to vector<16xi32>
    %add3A_446 = arith.addi %mul3A_442, %get3A_445 : vector<16xi32>
    %swap3A_447 = arith.constant 464 : index
    %swap3A_448 = tpu.vector_load %arg8[%swap3A_447] {strides = array<i32>} : memref<2048xi32, #tpu.memory_space<vmem>>, vector<16xi32>,
    %swap3A_449 = vector.shape_cast %swap3A_448 : vector<16xi32> to vector<16xi32>
    %swap3A_450 = vector.shape_cast %add3A_446 : vector<16xi32> to vector<16xi32>
    tpu.vector_store %arg8[%swap3A_447], %swap3A_450 {strides = array<i32>} : memref<2048xi32, #tpu.memory_space<vmem>>, vector<16xi32>,
    %get3A_451 = arith.constant 480 : index
    %get3A_452 = tpu.vector_load %arg6[%get3A_451] {strides = array<i32>} : memref<2048xi32, #tpu.memory_space<vmem>>, vector<16xi32>,
    %get3A_453 = vector.shape_cast %get3A_452 : vector<16xi32> to vector<16xi32>
    %mul3A_454 = arith.constant 64 : i32
    %mul3A_455 = vector.broadcast %mul3A_454 : i32 to vector<16xi32>
    %mul3A_456 = arith.muli %get3A_453, %mul3A_455 : vector<16xi32>
    %get3A_457 = arith.constant 480 : index
    %get3A_458 = tpu.vector_load %arg7[%get3A_457] {strides = array<i32>} : memref<2048xi32, #tpu.memory_space<vmem>>, vector<16xi32>,
    %get3A_459 = vector.shape_cast %get3A_458 : vector<16xi32> to vector<16xi32>
    %add3A_460 = arith.addi %mul3A_456, %get3A_459 : vector<16xi32>
    %swap3A_461 = arith.constant 480 : index
    %swap3A_462 = tpu.vector_load %arg8[%swap3A_461] {strides = array<i32>} : memref<2048xi32, #tpu.memory_space<vmem>>, vector<16xi32>,
    %swap3A_463 = vector.shape_cast %swap3A_462 : vector<16xi32> to vector<16xi32>
    %swap3A_464 = vector.shape_cast %add3A_460 : vector<16xi32> to vector<16xi32>
    tpu.vector_store %arg8[%swap3A_461], %swap3A_464 {strides = array<i32>} : memref<2048xi32, #tpu.memory_space<vmem>>, vector<16xi32>,
    %get3A_465 = arith.constant 496 : index
    %get3A_466 = tpu.vector_load %arg6[%get3A_465] {strides = array<i32>} : memref<2048xi32, #tpu.memory_space<vmem>>, vector<16xi32>,
    %get3A_467 = vector.shape_cast %get3A_466 : vector<16xi32> to vector<16xi32>
    %mul3A_468 = arith.constant 64 : i32
    %mul3A_469 = vector.broadcast %mul3A_468 : i32 to vector<16xi32>
    %mul3A_470 = arith.muli %get3A_467, %mul3A_469 : vector<16xi32>
    %get3A_471 = arith.constant 496 : index
    %get3A_472 = tpu.vector_load %arg7[%get3A_471] {strides = array<i32>} : memref<2048xi32, #tpu.memory_space<vmem>>, vector<16xi32>,
    %get3A_473 = vector.shape_cast %get3A_472 : vector<16xi32> to vector<16xi32>
    %add3A_474 = arith.addi %mul3A_470, %get3A_473 : vector<16xi32>
    %swap3A_475 = arith.constant 496 : index
    %swap3A_476 = tpu.vector_load %arg8[%swap3A_475] {strides = array<i32>} : memref<2048xi32, #tpu.memory_space<vmem>>, vector<16xi32>,
    %swap3A_477 = vector.shape_cast %swap3A_476 : vector<16xi32> to vector<16xi32>
    %swap3A_478 = vector.shape_cast %add3A_474 : vector<16xi32> to vector<16xi32>
    tpu.vector_store %arg8[%swap3A_475], %swap3A_478 {strides = array<i32>} : memref<2048xi32, #tpu.memory_space<vmem>>, vector<16xi32>,
    %dma_start3A_479 = arith.constant 384 : i32
    %dma_start3A_480 = arith.constant 0 : i32
    %dma_start3A_481 = tpu.memref_slice %arg9[%dma_start3A_479, %dma_start3A_480] : memref<2048x16xf32, #tpu.memory_space<vmem>> -> memref<128x16xf32, #tpu.memory_space<vmem>>
    %dma_start3A_482 = arith.constant 384 : i32
    %dma_start3A_483 = tpu.memref_slice %arg8[%dma_start3A_482] : memref<2048xi32, #tpu.memory_space<vmem>> -> memref<128xi32, #tpu.memory_space<vmem>>
    %dma_start3A_484 = arith.constant 0 : i32
    %dma_start3A_485 = arith.constant 0 : i32
    %dma_start3A_486 = tpu.memref_slice %arg2[%dma_start3A_484, %dma_start3A_485] : memref<640x16xf32, #tpu.memory_space<hbm>> -> memref<640x16xf32, #tpu.memory_space<hbm>>
    tpu.enqueue_indirect_dma source(%dma_start3A_486 : memref<640x16xf32, #tpu.memory_space<hbm>>) target(%dma_start3A_481 : memref<128x16xf32, #tpu.memory_space<vmem>>) offsets(%dma_start3A_483 : memref<128xi32, #tpu.memory_space<vmem>>) semaphore(%arg10 : memref<!tpu.dma_semaphore, #tpu.memory_space<semaphore_mem>>)
    %get3A_487 = arith.constant 512 : index
    %get3A_488 = tpu.vector_load %arg6[%get3A_487] {strides = array<i32>} : memref<2048xi32, #tpu.memory_space<vmem>>, vector<16xi32>,
    %get3A_489 = vector.shape_cast %get3A_488 : vector<16xi32> to vector<16xi32>
    %mul3A_490 = arith.constant 64 : i32
    %mul3A_491 = vector.broadcast %mul3A_490 : i32 to vector<16xi32>
    %mul3A_492 = arith.muli %get3A_489, %mul3A_491 : vector<16xi32>
    %get3A_493 = arith.constant 512 : index
    %get3A_494 = tpu.vector_load %arg7[%get3A_493] {strides = array<i32>} : memref<2048xi32, #tpu.memory_space<vmem>>, vector<16xi32>,
    %get3A_495 = vector.shape_cast %get3A_494 : vector<16xi32> to vector<16xi32>
    %add3A_496 = arith.addi %mul3A_492, %get3A_495 : vector<16xi32>
    %swap3A_497 = arith.constant 512 : index
    %swap3A_498 = tpu.vector_load %arg8[%swap3A_497] {strides = array<i32>} : memref<2048xi32, #tpu.memory_space<vmem>>, vector<16xi32>,
    %swap3A_499 = vector.shape_cast %swap3A_498 : vector<16xi32> to vector<16xi32>
    %swap3A_500 = vector.shape_cast %add3A_496 : vector<16xi32> to vector<16xi32>
    tpu.vector_store %arg8[%swap3A_497], %swap3A_500 {strides = array<i32>} : memref<2048xi32, #tpu.memory_space<vmem>>, vector<16xi32>,
    %get3A_501 = arith.constant 528 : index
    %get3A_502 = tpu.vector_load %arg6[%get3A_501] {strides = array<i32>} : memref<2048xi32, #tpu.memory_space<vmem>>, vector<16xi32>,
    %get3A_503 = vector.shape_cast %get3A_502 : vector<16xi32> to vector<16xi32>
    %mul3A_504 = arith.constant 64 : i32
    %mul3A_505 = vector.broadcast %mul3A_504 : i32 to vector<16xi32>
    %mul3A_506 = arith.muli %get3A_503, %mul3A_505 : vector<16xi32>
    %get3A_507 = arith.constant 528 : index
    %get3A_508 = tpu.vector_load %arg7[%get3A_507] {strides = array<i32>} : memref<2048xi32, #tpu.memory_space<vmem>>, vector<16xi32>,
    %get3A_509 = vector.shape_cast %get3A_508 : vector<16xi32> to vector<16xi32>
    %add3A_510 = arith.addi %mul3A_506, %get3A_509 : vector<16xi32>
    %swap3A_511 = arith.constant 528 : index
    %swap3A_512 = tpu.vector_load %arg8[%swap3A_511] {strides = array<i32>} : memref<2048xi32, #tpu.memory_space<vmem>>, vector<16xi32>,
    %swap3A_513 = vector.shape_cast %swap3A_512 : vector<16xi32> to vector<16xi32>
    %swap3A_514 = vector.shape_cast %add3A_510 : vector<16xi32> to vector<16xi32>
    tpu.vector_store %arg8[%swap3A_511], %swap3A_514 {strides = array<i32>} : memref<2048xi32, #tpu.memory_space<vmem>>, vector<16xi32>,
    %get3A_515 = arith.constant 544 : index
    %get3A_516 = tpu.vector_load %arg6[%get3A_515] {strides = array<i32>} : memref<2048xi32, #tpu.memory_space<vmem>>, vector<16xi32>,
    %get3A_517 = vector.shape_cast %get3A_516 : vector<16xi32> to vector<16xi32>
    %mul3A_518 = arith.constant 64 : i32
    %mul3A_519 = vector.broadcast %mul3A_518 : i32 to vector<16xi32>
    %mul3A_520 = arith.muli %get3A_517, %mul3A_519 : vector<16xi32>
    %get3A_521 = arith.constant 544 : index
    %get3A_522 = tpu.vector_load %arg7[%get3A_521] {strides = array<i32>} : memref<2048xi32, #tpu.memory_space<vmem>>, vector<16xi32>,
    %get3A_523 = vector.shape_cast %get3A_522 : vector<16xi32> to vector<16xi32>
    %add3A_524 = arith.addi %mul3A_520, %get3A_523 : vector<16xi32>
    %swap3A_525 = arith.constant 544 : index
    %swap3A_526 = tpu.vector_load %arg8[%swap3A_525] {strides = array<i32>} : memref<2048xi32, #tpu.memory_space<vmem>>, vector<16xi32>,
    %swap3A_527 = vector.shape_cast %swap3A_526 : vector<16xi32> to vector<16xi32>
    %swap3A_528 = vector.shape_cast %add3A_524 : vector<16xi32> to vector<16xi32>
    tpu.vector_store %arg8[%swap3A_525], %swap3A_528 {strides = array<i32>} : memref<2048xi32, #tpu.memory_space<vmem>>, vector<16xi32>,
    %get3A_529 = arith.constant 560 : index
    %get3A_530 = tpu.vector_load %arg6[%get3A_529] {strides = array<i32>} : memref<2048xi32, #tpu.memory_space<vmem>>, vector<16xi32>,
    %get3A_531 = vector.shape_cast %get3A_530 : vector<16xi32> to vector<16xi32>
    %mul3A_532 = arith.constant 64 : i32
    %mul3A_533 = vector.broadcast %mul3A_532 : i32 to vector<16xi32>
    %mul3A_534 = arith.muli %get3A_531, %mul3A_533 : vector<16xi32>
    %get3A_535 = arith.constant 560 : index
    %get3A_536 = tpu.vector_load %arg7[%get3A_535] {strides = array<i32>} : memref<2048xi32, #tpu.memory_space<vmem>>, vector<16xi32>,
    %get3A_537 = vector.shape_cast %get3A_536 : vector<16xi32> to vector<16xi32>
    %add3A_538 = arith.addi %mul3A_534, %get3A_537 : vector<16xi32>
    %swap3A_539 = arith.constant 560 : index
    %swap3A_540 = tpu.vector_load %arg8[%swap3A_539] {strides = array<i32>} : memref<2048xi32, #tpu.memory_space<vmem>>, vector<16xi32>,
    %swap3A_541 = vector.shape_cast %swap3A_540 : vector<16xi32> to vector<16xi32>
    %swap3A_542 = vector.shape_cast %add3A_538 : vector<16xi32> to vector<16xi32>
    tpu.vector_store %arg8[%swap3A_539], %swap3A_542 {strides = array<i32>} : memref<2048xi32, #tpu.memory_space<vmem>>, vector<16xi32>,
    %get3A_543 = arith.constant 576 : index
    %get3A_544 = tpu.vector_load %arg6[%get3A_543] {strides = array<i32>} : memref<2048xi32, #tpu.memory_space<vmem>>, vector<16xi32>,
    %get3A_545 = vector.shape_cast %get3A_544 : vector<16xi32> to vector<16xi32>
    %mul3A_546 = arith.constant 64 : i32
    %mul3A_547 = vector.broadcast %mul3A_546 : i32 to vector<16xi32>
    %mul3A_548 = arith.muli %get3A_545, %mul3A_547 : vector<16xi32>
    %get3A_549 = arith.constant 576 : index
    %get3A_550 = tpu.vector_load %arg7[%get3A_549] {strides = array<i32>} : memref<2048xi32, #tpu.memory_space<vmem>>, vector<16xi32>,
    %get3A_551 = vector.shape_cast %get3A_550 : vector<16xi32> to vector<16xi32>
    %add3A_552 = arith.addi %mul3A_548, %get3A_551 : vector<16xi32>
    %swap3A_553 = arith.constant 576 : index
    %swap3A_554 = tpu.vector_load %arg8[%swap3A_553] {strides = array<i32>} : memref<2048xi32, #tpu.memory_space<vmem>>, vector<16xi32>,
    %swap3A_555 = vector.shape_cast %swap3A_554 : vector<16xi32> to vector<16xi32>
    %swap3A_556 = vector.shape_cast %add3A_552 : vector<16xi32> to vector<16xi32>
    tpu.vector_store %arg8[%swap3A_553], %swap3A_556 {strides = array<i32>} : memref<2048xi32, #tpu.memory_space<vmem>>, vector<16xi32>,
    %get3A_557 = arith.constant 592 : index
    %get3A_558 = tpu.vector_load %arg6[%get3A_557] {strides = array<i32>} : memref<2048xi32, #tpu.memory_space<vmem>>, vector<16xi32>,
    %get3A_559 = vector.shape_cast %get3A_558 : vector<16xi32> to vector<16xi32>
    %mul3A_560 = arith.constant 64 : i32
    %mul3A_561 = vector.broadcast %mul3A_560 : i32 to vector<16xi32>
    %mul3A_562 = arith.muli %get3A_559, %mul3A_561 : vector<16xi32>
    %get3A_563 = arith.constant 592 : index
    %get3A_564 = tpu.vector_load %arg7[%get3A_563] {strides = array<i32>} : memref<2048xi32, #tpu.memory_space<vmem>>, vector<16xi32>,
    %get3A_565 = vector.shape_cast %get3A_564 : vector<16xi32> to vector<16xi32>
    %add3A_566 = arith.addi %mul3A_562, %get3A_565 : vector<16xi32>
    %swap3A_567 = arith.constant 592 : index
    %swap3A_568 = tpu.vector_load %arg8[%swap3A_567] {strides = array<i32>} : memref<2048xi32, #tpu.memory_space<vmem>>, vector<16xi32>,
    %swap3A_569 = vector.shape_cast %swap3A_568 : vector<16xi32> to vector<16xi32>
    %swap3A_570 = vector.shape_cast %add3A_566 : vector<16xi32> to vector<16xi32>
    tpu.vector_store %arg8[%swap3A_567], %swap3A_570 {strides = array<i32>} : memref<2048xi32, #tpu.memory_space<vmem>>, vector<16xi32>,
    %get3A_571 = arith.constant 608 : index
    %get3A_572 = tpu.vector_load %arg6[%get3A_571] {strides = array<i32>} : memref<2048xi32, #tpu.memory_space<vmem>>, vector<16xi32>,
    %get3A_573 = vector.shape_cast %get3A_572 : vector<16xi32> to vector<16xi32>
    %mul3A_574 = arith.constant 64 : i32
    %mul3A_575 = vector.broadcast %mul3A_574 : i32 to vector<16xi32>
    %mul3A_576 = arith.muli %get3A_573, %mul3A_575 : vector<16xi32>
    %get3A_577 = arith.constant 608 : index
    %get3A_578 = tpu.vector_load %arg7[%get3A_577] {strides = array<i32>} : memref<2048xi32, #tpu.memory_space<vmem>>, vector<16xi32>,
    %get3A_579 = vector.shape_cast %get3A_578 : vector<16xi32> to vector<16xi32>
    %add3A_580 = arith.addi %mul3A_576, %get3A_579 : vector<16xi32>
    %swap3A_581 = arith.constant 608 : index
    %swap3A_582 = tpu.vector_load %arg8[%swap3A_581] {strides = array<i32>} : memref<2048xi32, #tpu.memory_space<vmem>>, vector<16xi32>,
    %swap3A_583 = vector.shape_cast %swap3A_582 : vector<16xi32> to vector<16xi32>
    %swap3A_584 = vector.shape_cast %add3A_580 : vector<16xi32> to vector<16xi32>
    tpu.vector_store %arg8[%swap3A_581], %swap3A_584 {strides = array<i32>} : memref<2048xi32, #tpu.memory_space<vmem>>, vector<16xi32>,
    %get3A_585 = arith.constant 624 : index
    %get3A_586 = tpu.vector_load %arg6[%get3A_585] {strides = array<i32>} : memref<2048xi32, #tpu.memory_space<vmem>>, vector<16xi32>,
    %get3A_587 = vector.shape_cast %get3A_586 : vector<16xi32> to vector<16xi32>
    %mul3A_588 = arith.constant 64 : i32
    %mul3A_589 = vector.broadcast %mul3A_588 : i32 to vector<16xi32>
    %mul3A_590 = arith.muli %get3A_587, %mul3A_589 : vector<16xi32>
    %get3A_591 = arith.constant 624 : index
    %get3A_592 = tpu.vector_load %arg7[%get3A_591] {strides = array<i32>} : memref<2048xi32, #tpu.memory_space<vmem>>, vector<16xi32>,
    %get3A_593 = vector.shape_cast %get3A_592 : vector<16xi32> to vector<16xi32>
    %add3A_594 = arith.addi %mul3A_590, %get3A_593 : vector<16xi32>
    %swap3A_595 = arith.constant 624 : index
    %swap3A_596 = tpu.vector_load %arg8[%swap3A_595] {strides = array<i32>} : memref<2048xi32, #tpu.memory_space<vmem>>, vector<16xi32>,
    %swap3A_597 = vector.shape_cast %swap3A_596 : vector<16xi32> to vector<16xi32>
    %swap3A_598 = vector.shape_cast %add3A_594 : vector<16xi32> to vector<16xi32>
    tpu.vector_store %arg8[%swap3A_595], %swap3A_598 {strides = array<i32>} : memref<2048xi32, #tpu.memory_space<vmem>>, vector<16xi32>,
    %dma_start3A_599 = arith.constant 512 : i32
    %dma_start3A_600 = arith.constant 0 : i32
    %dma_start3A_601 = tpu.memref_slice %arg9[%dma_start3A_599, %dma_start3A_600] : memref<2048x16xf32, #tpu.memory_space<vmem>> -> memref<128x16xf32, #tpu.memory_space<vmem>>
    %dma_start3A_602 = arith.constant 512 : i32
    %dma_start3A_603 = tpu.memref_slice %arg8[%dma_start3A_602] : memref<2048xi32, #tpu.memory_space<vmem>> -> memref<128xi32, #tpu.memory_space<vmem>>
    %dma_start3A_604 = arith.constant 0 : i32
    %dma_start3A_605 = arith.constant 0 : i32
    %dma_start3A_606 = tpu.memref_slice %arg2[%dma_start3A_604, %dma_start3A_605] : memref<640x16xf32, #tpu.memory_space<hbm>> -> memref<640x16xf32, #tpu.memory_space<hbm>>
    tpu.enqueue_indirect_dma source(%dma_start3A_606 : memref<640x16xf32, #tpu.memory_space<hbm>>) target(%dma_start3A_601 : memref<128x16xf32, #tpu.memory_space<vmem>>) offsets(%dma_start3A_603 : memref<128xi32, #tpu.memory_space<vmem>>) semaphore(%arg10 : memref<!tpu.dma_semaphore, #tpu.memory_space<semaphore_mem>>)
    %get3A_607 = arith.constant 640 : index
    %get3A_608 = tpu.vector_load %arg6[%get3A_607] {strides = array<i32>} : memref<2048xi32, #tpu.memory_space<vmem>>, vector<16xi32>,
    %get3A_609 = vector.shape_cast %get3A_608 : vector<16xi32> to vector<16xi32>
    %mul3A_610 = arith.constant 64 : i32
    %mul3A_611 = vector.broadcast %mul3A_610 : i32 to vector<16xi32>
    %mul3A_612 = arith.muli %get3A_609, %mul3A_611 : vector<16xi32>
    %get3A_613 = arith.constant 640 : index
    %get3A_614 = tpu.vector_load %arg7[%get3A_613] {strides = array<i32>} : memref<2048xi32, #tpu.memory_space<vmem>>, vector<16xi32>,
    %get3A_615 = vector.shape_cast %get3A_614 : vector<16xi32> to vector<16xi32>
    %add3A_616 = arith.addi %mul3A_612, %get3A_615 : vector<16xi32>
    %swap3A_617 = arith.constant 640 : index
    %swap3A_618 = tpu.vector_load %arg8[%swap3A_617] {strides = array<i32>} : memref<2048xi32, #tpu.memory_space<vmem>>, vector<16xi32>,
    %swap3A_619 = vector.shape_cast %swap3A_618 : vector<16xi32> to vector<16xi32>
    %swap3A_620 = vector.shape_cast %add3A_616 : vector<16xi32> to vector<16xi32>
    tpu.vector_store %arg8[%swap3A_617], %swap3A_620 {strides = array<i32>} : memref<2048xi32, #tpu.memory_space<vmem>>, vector<16xi32>,
    %get3A_621 = arith.constant 656 : index
    %get3A_622 = tpu.vector_load %arg6[%get3A_621] {strides = array<i32>} : memref<2048xi32, #tpu.memory_space<vmem>>, vector<16xi32>,
    %get3A_623 = vector.shape_cast %get3A_622 : vector<16xi32> to vector<16xi32>
    %mul3A_624 = arith.constant 64 : i32
    %mul3A_625 = vector.broadcast %mul3A_624 : i32 to vector<16xi32>
    %mul3A_626 = arith.muli %get3A_623, %mul3A_625 : vector<16xi32>
    %get3A_627 = arith.constant 656 : index
    %get3A_628 = tpu.vector_load %arg7[%get3A_627] {strides = array<i32>} : memref<2048xi32, #tpu.memory_space<vmem>>, vector<16xi32>,
    %get3A_629 = vector.shape_cast %get3A_628 : vector<16xi32> to vector<16xi32>
    %add3A_630 = arith.addi %mul3A_626, %get3A_629 : vector<16xi32>
    %swap3A_631 = arith.constant 656 : index
    %swap3A_632 = tpu.vector_load %arg8[%swap3A_631] {strides = array<i32>} : memref<2048xi32, #tpu.memory_space<vmem>>, vector<16xi32>,
    %swap3A_633 = vector.shape_cast %swap3A_632 : vector<16xi32> to vector<16xi32>
    %swap3A_634 = vector.shape_cast %add3A_630 : vector<16xi32> to vector<16xi32>
    tpu.vector_store %arg8[%swap3A_631], %swap3A_634 {strides = array<i32>} : memref<2048xi32, #tpu.memory_space<vmem>>, vector<16xi32>,
    %get3A_635 = arith.constant 672 : index
    %get3A_636 = tpu.vector_load %arg6[%get3A_635] {strides = array<i32>} : memref<2048xi32, #tpu.memory_space<vmem>>, vector<16xi32>,
    %get3A_637 = vector.shape_cast %get3A_636 : vector<16xi32> to vector<16xi32>
    %mul3A_638 = arith.constant 64 : i32
    %mul3A_639 = vector.broadcast %mul3A_638 : i32 to vector<16xi32>
    %mul3A_640 = arith.muli %get3A_637, %mul3A_639 : vector<16xi32>
    %get3A_641 = arith.constant 672 : index
    %get3A_642 = tpu.vector_load %arg7[%get3A_641] {strides = array<i32>} : memref<2048xi32, #tpu.memory_space<vmem>>, vector<16xi32>,
    %get3A_643 = vector.shape_cast %get3A_642 : vector<16xi32> to vector<16xi32>
    %add3A_644 = arith.addi %mul3A_640, %get3A_643 : vector<16xi32>
    %swap3A_645 = arith.constant 672 : index
    %swap3A_646 = tpu.vector_load %arg8[%swap3A_645] {strides = array<i32>} : memref<2048xi32, #tpu.memory_space<vmem>>, vector<16xi32>,
    %swap3A_647 = vector.shape_cast %swap3A_646 : vector<16xi32> to vector<16xi32>
    %swap3A_648 = vector.shape_cast %add3A_644 : vector<16xi32> to vector<16xi32>
    tpu.vector_store %arg8[%swap3A_645], %swap3A_648 {strides = array<i32>} : memref<2048xi32, #tpu.memory_space<vmem>>, vector<16xi32>,
    %get3A_649 = arith.constant 688 : index
    %get3A_650 = tpu.vector_load %arg6[%get3A_649] {strides = array<i32>} : memref<2048xi32, #tpu.memory_space<vmem>>, vector<16xi32>,
    %get3A_651 = vector.shape_cast %get3A_650 : vector<16xi32> to vector<16xi32>
    %mul3A_652 = arith.constant 64 : i32
    %mul3A_653 = vector.broadcast %mul3A_652 : i32 to vector<16xi32>
    %mul3A_654 = arith.muli %get3A_651, %mul3A_653 : vector<16xi32>
    %get3A_655 = arith.constant 688 : index
    %get3A_656 = tpu.vector_load %arg7[%get3A_655] {strides = array<i32>} : memref<2048xi32, #tpu.memory_space<vmem>>, vector<16xi32>,
    %get3A_657 = vector.shape_cast %get3A_656 : vector<16xi32> to vector<16xi32>
    %add3A_658 = arith.addi %mul3A_654, %get3A_657 : vector<16xi32>
    %swap3A_659 = arith.constant 688 : index
    %swap3A_660 = tpu.vector_load %arg8[%swap3A_659] {strides = array<i32>} : memref<2048xi32, #tpu.memory_space<vmem>>, vector<16xi32>,
    %swap3A_661 = vector.shape_cast %swap3A_660 : vector<16xi32> to vector<16xi32>
    %swap3A_662 = vector.shape_cast %add3A_658 : vector<16xi32> to vector<16xi32>
    tpu.vector_store %arg8[%swap3A_659], %swap3A_662 {strides = array<i32>} : memref<2048xi32, #tpu.memory_space<vmem>>, vector<16xi32>,
    %get3A_663 = arith.constant 704 : index
    %get3A_664 = tpu.vector_load %arg6[%get3A_663] {strides = array<i32>} : memref<2048xi32, #tpu.memory_space<vmem>>, vector<16xi32>,
    %get3A_665 = vector.shape_cast %get3A_664 : vector<16xi32> to vector<16xi32>
    %mul3A_666 = arith.constant 64 : i32
    %mul3A_667 = vector.broadcast %mul3A_666 : i32 to vector<16xi32>
    %mul3A_668 = arith.muli %get3A_665, %mul3A_667 : vector<16xi32>
    %get3A_669 = arith.constant 704 : index
    %get3A_670 = tpu.vector_load %arg7[%get3A_669] {strides = array<i32>} : memref<2048xi32, #tpu.memory_space<vmem>>, vector<16xi32>,
    %get3A_671 = vector.shape_cast %get3A_670 : vector<16xi32> to vector<16xi32>
    %add3A_672 = arith.addi %mul3A_668, %get3A_671 : vector<16xi32>
    %swap3A_673 = arith.constant 704 : index
    %swap3A_674 = tpu.vector_load %arg8[%swap3A_673] {strides = array<i32>} : memref<2048xi32, #tpu.memory_space<vmem>>, vector<16xi32>,
    %swap3A_675 = vector.shape_cast %swap3A_674 : vector<16xi32> to vector<16xi32>
    %swap3A_676 = vector.shape_cast %add3A_672 : vector<16xi32> to vector<16xi32>
    tpu.vector_store %arg8[%swap3A_673], %swap3A_676 {strides = array<i32>} : memref<2048xi32, #tpu.memory_space<vmem>>, vector<16xi32>,
    %get3A_677 = arith.constant 720 : index
    %get3A_678 = tpu.vector_load %arg6[%get3A_677] {strides = array<i32>} : memref<2048xi32, #tpu.memory_space<vmem>>, vector<16xi32>,
    %get3A_679 = vector.shape_cast %get3A_678 : vector<16xi32> to vector<16xi32>
    %mul3A_680 = arith.constant 64 : i32
    %mul3A_681 = vector.broadcast %mul3A_680 : i32 to vector<16xi32>
    %mul3A_682 = arith.muli %get3A_679, %mul3A_681 : vector<16xi32>
    %get3A_683 = arith.constant 720 : index
    %get3A_684 = tpu.vector_load %arg7[%get3A_683] {strides = array<i32>} : memref<2048xi32, #tpu.memory_space<vmem>>, vector<16xi32>,
    %get3A_685 = vector.shape_cast %get3A_684 : vector<16xi32> to vector<16xi32>
    %add3A_686 = arith.addi %mul3A_682, %get3A_685 : vector<16xi32>
    %swap3A_687 = arith.constant 720 : index
    %swap3A_688 = tpu.vector_load %arg8[%swap3A_687] {strides = array<i32>} : memref<2048xi32, #tpu.memory_space<vmem>>, vector<16xi32>,
    %swap3A_689 = vector.shape_cast %swap3A_688 : vector<16xi32> to vector<16xi32>
    %swap3A_690 = vector.shape_cast %add3A_686 : vector<16xi32> to vector<16xi32>
    tpu.vector_store %arg8[%swap3A_687], %swap3A_690 {strides = array<i32>} : memref<2048xi32, #tpu.memory_space<vmem>>, vector<16xi32>,
    %get3A_691 = arith.constant 736 : index
    %get3A_692 = tpu.vector_load %arg6[%get3A_691] {strides = array<i32>} : memref<2048xi32, #tpu.memory_space<vmem>>, vector<16xi32>,
    %get3A_693 = vector.shape_cast %get3A_692 : vector<16xi32> to vector<16xi32>
    %mul3A_694 = arith.constant 64 : i32
    %mul3A_695 = vector.broadcast %mul3A_694 : i32 to vector<16xi32>
    %mul3A_696 = arith.muli %get3A_693, %mul3A_695 : vector<16xi32>
    %get3A_697 = arith.constant 736 : index
    %get3A_698 = tpu.vector_load %arg7[%get3A_697] {strides = array<i32>} : memref<2048xi32, #tpu.memory_space<vmem>>, vector<16xi32>,
    %get3A_699 = vector.shape_cast %get3A_698 : vector<16xi32> to vector<16xi32>
    %add3A_700 = arith.addi %mul3A_696, %get3A_699 : vector<16xi32>
    %swap3A_701 = arith.constant 736 : index
    %swap3A_702 = tpu.vector_load %arg8[%swap3A_701] {strides = array<i32>} : memref<2048xi32, #tpu.memory_space<vmem>>, vector<16xi32>,
    %swap3A_703 = vector.shape_cast %swap3A_702 : vector<16xi32> to vector<16xi32>
    %swap3A_704 = vector.shape_cast %add3A_700 : vector<16xi32> to vector<16xi32>
    tpu.vector_store %arg8[%swap3A_701], %swap3A_704 {strides = array<i32>} : memref<2048xi32, #tpu.memory_space<vmem>>, vector<16xi32>,
    %get3A_705 = arith.constant 752 : index
    %get3A_706 = tpu.vector_load %arg6[%get3A_705] {strides = array<i32>} : memref<2048xi32, #tpu.memory_space<vmem>>, vector<16xi32>,
    %get3A_707 = vector.shape_cast %get3A_706 : vector<16xi32> to vector<16xi32>
    %mul3A_708 = arith.constant 64 : i32
    %mul3A_709 = vector.broadcast %mul3A_708 : i32 to vector<16xi32>
    %mul3A_710 = arith.muli %get3A_707, %mul3A_709 : vector<16xi32>
    %get3A_711 = arith.constant 752 : index
    %get3A_712 = tpu.vector_load %arg7[%get3A_711] {strides = array<i32>} : memref<2048xi32, #tpu.memory_space<vmem>>, vector<16xi32>,
    %get3A_713 = vector.shape_cast %get3A_712 : vector<16xi32> to vector<16xi32>
    %add3A_714 = arith.addi %mul3A_710, %get3A_713 : vector<16xi32>
    %swap3A_715 = arith.constant 752 : index
    %swap3A_716 = tpu.vector_load %arg8[%swap3A_715] {strides = array<i32>} : memref<2048xi32, #tpu.memory_space<vmem>>, vector<16xi32>,
    %swap3A_717 = vector.shape_cast %swap3A_716 : vector<16xi32> to vector<16xi32>
    %swap3A_718 = vector.shape_cast %add3A_714 : vector<16xi32> to vector<16xi32>
    tpu.vector_store %arg8[%swap3A_715], %swap3A_718 {strides = array<i32>} : memref<2048xi32, #tpu.memory_space<vmem>>, vector<16xi32>,
    %dma_start3A_719 = arith.constant 640 : i32
    %dma_start3A_720 = arith.constant 0 : i32
    %dma_start3A_721 = tpu.memref_slice %arg9[%dma_start3A_719, %dma_start3A_720] : memref<2048x16xf32, #tpu.memory_space<vmem>> -> memref<128x16xf32, #tpu.memory_space<vmem>>
    %dma_start3A_722 = arith.constant 640 : i32
    %dma_start3A_723 = tpu.memref_slice %arg8[%dma_start3A_722] : memref<2048xi32, #tpu.memory_space<vmem>> -> memref<128xi32, #tpu.memory_space<vmem>>
    %dma_start3A_724 = arith.constant 0 : i32
    %dma_start3A_725 = arith.constant 0 : i32
    %dma_start3A_726 = tpu.memref_slice %arg2[%dma_start3A_724, %dma_start3A_725] : memref<640x16xf32, #tpu.memory_space<hbm>> -> memref<640x16xf32, #tpu.memory_space<hbm>>
    tpu.enqueue_indirect_dma source(%dma_start3A_726 : memref<640x16xf32, #tpu.memory_space<hbm>>) target(%dma_start3A_721 : memref<128x16xf32, #tpu.memory_space<vmem>>) offsets(%dma_start3A_723 : memref<128xi32, #tpu.memory_space<vmem>>) semaphore(%arg10 : memref<!tpu.dma_semaphore, #tpu.memory_space<semaphore_mem>>)
    %get3A_727 = arith.constant 768 : index
    %get3A_728 = tpu.vector_load %arg6[%get3A_727] {strides = array<i32>} : memref<2048xi32, #tpu.memory_space<vmem>>, vector<16xi32>,
    %get3A_729 = vector.shape_cast %get3A_728 : vector<16xi32> to vector<16xi32>
    %mul3A_730 = arith.constant 64 : i32
    %mul3A_731 = vector.broadcast %mul3A_730 : i32 to vector<16xi32>
    %mul3A_732 = arith.muli %get3A_729, %mul3A_731 : vector<16xi32>
    %get3A_733 = arith.constant 768 : index
    %get3A_734 = tpu.vector_load %arg7[%get3A_733] {strides = array<i32>} : memref<2048xi32, #tpu.memory_space<vmem>>, vector<16xi32>,
    %get3A_735 = vector.shape_cast %get3A_734 : vector<16xi32> to vector<16xi32>
    %add3A_736 = arith.addi %mul3A_732, %get3A_735 : vector<16xi32>
    %swap3A_737 = arith.constant 768 : index
    %swap3A_738 = tpu.vector_load %arg8[%swap3A_737] {strides = array<i32>} : memref<2048xi32, #tpu.memory_space<vmem>>, vector<16xi32>,
    %swap3A_739 = vector.shape_cast %swap3A_738 : vector<16xi32> to vector<16xi32>
    %swap3A_740 = vector.shape_cast %add3A_736 : vector<16xi32> to vector<16xi32>
    tpu.vector_store %arg8[%swap3A_737], %swap3A_740 {strides = array<i32>} : memref<2048xi32, #tpu.memory_space<vmem>>, vector<16xi32>,
    %get3A_741 = arith.constant 784 : index
    %get3A_742 = tpu.vector_load %arg6[%get3A_741] {strides = array<i32>} : memref<2048xi32, #tpu.memory_space<vmem>>, vector<16xi32>,
    %get3A_743 = vector.shape_cast %get3A_742 : vector<16xi32> to vector<16xi32>
    %mul3A_744 = arith.constant 64 : i32
    %mul3A_745 = vector.broadcast %mul3A_744 : i32 to vector<16xi32>
    %mul3A_746 = arith.muli %get3A_743, %mul3A_745 : vector<16xi32>
    %get3A_747 = arith.constant 784 : index
    %get3A_748 = tpu.vector_load %arg7[%get3A_747] {strides = array<i32>} : memref<2048xi32, #tpu.memory_space<vmem>>, vector<16xi32>,
    %get3A_749 = vector.shape_cast %get3A_748 : vector<16xi32> to vector<16xi32>
    %add3A_750 = arith.addi %mul3A_746, %get3A_749 : vector<16xi32>
    %swap3A_751 = arith.constant 784 : index
    %swap3A_752 = tpu.vector_load %arg8[%swap3A_751] {strides = array<i32>} : memref<2048xi32, #tpu.memory_space<vmem>>, vector<16xi32>,
    %swap3A_753 = vector.shape_cast %swap3A_752 : vector<16xi32> to vector<16xi32>
    %swap3A_754 = vector.shape_cast %add3A_750 : vector<16xi32> to vector<16xi32>
    tpu.vector_store %arg8[%swap3A_751], %swap3A_754 {strides = array<i32>} : memref<2048xi32, #tpu.memory_space<vmem>>, vector<16xi32>,
    %get3A_755 = arith.constant 800 : index
    %get3A_756 = tpu.vector_load %arg6[%get3A_755] {strides = array<i32>} : memref<2048xi32, #tpu.memory_space<vmem>>, vector<16xi32>,
    %get3A_757 = vector.shape_cast %get3A_756 : vector<16xi32> to vector<16xi32>
    %mul3A_758 = arith.constant 64 : i32
    %mul3A_759 = vector.broadcast %mul3A_758 : i32 to vector<16xi32>
    %mul3A_760 = arith.muli %get3A_757, %mul3A_759 : vector<16xi32>
    %get3A_761 = arith.constant 800 : index
    %get3A_762 = tpu.vector_load %arg7[%get3A_761] {strides = array<i32>} : memref<2048xi32, #tpu.memory_space<vmem>>, vector<16xi32>,
    %get3A_763 = vector.shape_cast %get3A_762 : vector<16xi32> to vector<16xi32>
    %add3A_764 = arith.addi %mul3A_760, %get3A_763 : vector<16xi32>
    %swap3A_765 = arith.constant 800 : index
    %swap3A_766 = tpu.vector_load %arg8[%swap3A_765] {strides = array<i32>} : memref<2048xi32, #tpu.memory_space<vmem>>, vector<16xi32>,
    %swap3A_767 = vector.shape_cast %swap3A_766 : vector<16xi32> to vector<16xi32>
    %swap3A_768 = vector.shape_cast %add3A_764 : vector<16xi32> to vector<16xi32>
    tpu.vector_store %arg8[%swap3A_765], %swap3A_768 {strides = array<i32>} : memref<2048xi32, #tpu.memory_space<vmem>>, vector<16xi32>,
    %get3A_769 = arith.constant 816 : index
    %get3A_770 = tpu.vector_load %arg6[%get3A_769] {strides = array<i32>} : memref<2048xi32, #tpu.memory_space<vmem>>, vector<16xi32>,
    %get3A_771 = vector.shape_cast %get3A_770 : vector<16xi32> to vector<16xi32>
    %mul3A_772 = arith.constant 64 : i32
    %mul3A_773 = vector.broadcast %mul3A_772 : i32 to vector<16xi32>
    %mul3A_774 = arith.muli %get3A_771, %mul3A_773 : vector<16xi32>
    %get3A_775 = arith.constant 816 : index
    %get3A_776 = tpu.vector_load %arg7[%get3A_775] {strides = array<i32>} : memref<2048xi32, #tpu.memory_space<vmem>>, vector<16xi32>,
    %get3A_777 = vector.shape_cast %get3A_776 : vector<16xi32> to vector<16xi32>
    %add3A_778 = arith.addi %mul3A_774, %get3A_777 : vector<16xi32>
    %swap3A_779 = arith.constant 816 : index
    %swap3A_780 = tpu.vector_load %arg8[%swap3A_779] {strides = array<i32>} : memref<2048xi32, #tpu.memory_space<vmem>>, vector<16xi32>,
    %swap3A_781 = vector.shape_cast %swap3A_780 : vector<16xi32> to vector<16xi32>
    %swap3A_782 = vector.shape_cast %add3A_778 : vector<16xi32> to vector<16xi32>
    tpu.vector_store %arg8[%swap3A_779], %swap3A_782 {strides = array<i32>} : memref<2048xi32, #tpu.memory_space<vmem>>, vector<16xi32>,
    %get3A_783 = arith.constant 832 : index
    %get3A_784 = tpu.vector_load %arg6[%get3A_783] {strides = array<i32>} : memref<2048xi32, #tpu.memory_space<vmem>>, vector<16xi32>,
    %get3A_785 = vector.shape_cast %get3A_784 : vector<16xi32> to vector<16xi32>
    %mul3A_786 = arith.constant 64 : i32
    %mul3A_787 = vector.broadcast %mul3A_786 : i32 to vector<16xi32>
    %mul3A_788 = arith.muli %get3A_785, %mul3A_787 : vector<16xi32>
    %get3A_789 = arith.constant 832 : index
    %get3A_790 = tpu.vector_load %arg7[%get3A_789] {strides = array<i32>} : memref<2048xi32, #tpu.memory_space<vmem>>, vector<16xi32>,
    %get3A_791 = vector.shape_cast %get3A_790 : vector<16xi32> to vector<16xi32>
    %add3A_792 = arith.addi %mul3A_788, %get3A_791 : vector<16xi32>
    %swap3A_793 = arith.constant 832 : index
    %swap3A_794 = tpu.vector_load %arg8[%swap3A_793] {strides = array<i32>} : memref<2048xi32, #tpu.memory_space<vmem>>, vector<16xi32>,
    %swap3A_795 = vector.shape_cast %swap3A_794 : vector<16xi32> to vector<16xi32>
    %swap3A_796 = vector.shape_cast %add3A_792 : vector<16xi32> to vector<16xi32>
    tpu.vector_store %arg8[%swap3A_793], %swap3A_796 {strides = array<i32>} : memref<2048xi32, #tpu.memory_space<vmem>>, vector<16xi32>,
    %get3A_797 = arith.constant 848 : index
    %get3A_798 = tpu.vector_load %arg6[%get3A_797] {strides = array<i32>} : memref<2048xi32, #tpu.memory_space<vmem>>, vector<16xi32>,
    %get3A_799 = vector.shape_cast %get3A_798 : vector<16xi32> to vector<16xi32>
    %mul3A_800 = arith.constant 64 : i32
    %mul3A_801 = vector.broadcast %mul3A_800 : i32 to vector<16xi32>
    %mul3A_802 = arith.muli %get3A_799, %mul3A_801 : vector<16xi32>
    %get3A_803 = arith.constant 848 : index
    %get3A_804 = tpu.vector_load %arg7[%get3A_803] {strides = array<i32>} : memref<2048xi32, #tpu.memory_space<vmem>>, vector<16xi32>,
    %get3A_805 = vector.shape_cast %get3A_804 : vector<16xi32> to vector<16xi32>
    %add3A_806 = arith.addi %mul3A_802, %get3A_805 : vector<16xi32>
    %swap3A_807 = arith.constant 848 : index
    %swap3A_808 = tpu.vector_load %arg8[%swap3A_807] {strides = array<i32>} : memref<2048xi32, #tpu.memory_space<vmem>>, vector<16xi32>,
    %swap3A_809 = vector.shape_cast %swap3A_808 : vector<16xi32> to vector<16xi32>
    %swap3A_810 = vector.shape_cast %add3A_806 : vector<16xi32> to vector<16xi32>
    tpu.vector_store %arg8[%swap3A_807], %swap3A_810 {strides = array<i32>} : memref<2048xi32, #tpu.memory_space<vmem>>, vector<16xi32>,
    %get3A_811 = arith.constant 864 : index
    %get3A_812 = tpu.vector_load %arg6[%get3A_811] {strides = array<i32>} : memref<2048xi32, #tpu.memory_space<vmem>>, vector<16xi32>,
    %get3A_813 = vector.shape_cast %get3A_812 : vector<16xi32> to vector<16xi32>
    %mul3A_814 = arith.constant 64 : i32
    %mul3A_815 = vector.broadcast %mul3A_814 : i32 to vector<16xi32>
    %mul3A_816 = arith.muli %get3A_813, %mul3A_815 : vector<16xi32>
    %get3A_817 = arith.constant 864 : index
    %get3A_818 = tpu.vector_load %arg7[%get3A_817] {strides = array<i32>} : memref<2048xi32, #tpu.memory_space<vmem>>, vector<16xi32>,
    %get3A_819 = vector.shape_cast %get3A_818 : vector<16xi32> to vector<16xi32>
    %add3A_820 = arith.addi %mul3A_816, %get3A_819 : vector<16xi32>
    %swap3A_821 = arith.constant 864 : index
    %swap3A_822 = tpu.vector_load %arg8[%swap3A_821] {strides = array<i32>} : memref<2048xi32, #tpu.memory_space<vmem>>, vector<16xi32>,
    %swap3A_823 = vector.shape_cast %swap3A_822 : vector<16xi32> to vector<16xi32>
    %swap3A_824 = vector.shape_cast %add3A_820 : vector<16xi32> to vector<16xi32>
    tpu.vector_store %arg8[%swap3A_821], %swap3A_824 {strides = array<i32>} : memref<2048xi32, #tpu.memory_space<vmem>>, vector<16xi32>,
    %get3A_825 = arith.constant 880 : index
    %get3A_826 = tpu.vector_load %arg6[%get3A_825] {strides = array<i32>} : memref<2048xi32, #tpu.memory_space<vmem>>, vector<16xi32>,
    %get3A_827 = vector.shape_cast %get3A_826 : vector<16xi32> to vector<16xi32>
    %mul3A_828 = arith.constant 64 : i32
    %mul3A_829 = vector.broadcast %mul3A_828 : i32 to vector<16xi32>
    %mul3A_830 = arith.muli %get3A_827, %mul3A_829 : vector<16xi32>
    %get3A_831 = arith.constant 880 : index
    %get3A_832 = tpu.vector_load %arg7[%get3A_831] {strides = array<i32>} : memref<2048xi32, #tpu.memory_space<vmem>>, vector<16xi32>,
    %get3A_833 = vector.shape_cast %get3A_832 : vector<16xi32> to vector<16xi32>
    %add3A_834 = arith.addi %mul3A_830, %get3A_833 : vector<16xi32>
    %swap3A_835 = arith.constant 880 : index
    %swap3A_836 = tpu.vector_load %arg8[%swap3A_835] {strides = array<i32>} : memref<2048xi32, #tpu.memory_space<vmem>>, vector<16xi32>,
    %swap3A_837 = vector.shape_cast %swap3A_836 : vector<16xi32> to vector<16xi32>
    %swap3A_838 = vector.shape_cast %add3A_834 : vector<16xi32> to vector<16xi32>
    tpu.vector_store %arg8[%swap3A_835], %swap3A_838 {strides = array<i32>} : memref<2048xi32, #tpu.memory_space<vmem>>, vector<16xi32>,
    %dma_start3A_839 = arith.constant 768 : i32
    %dma_start3A_840 = arith.constant 0 : i32
    %dma_start3A_841 = tpu.memref_slice %arg9[%dma_start3A_839, %dma_start3A_840] : memref<2048x16xf32, #tpu.memory_space<vmem>> -> memref<128x16xf32, #tpu.memory_space<vmem>>
    %dma_start3A_842 = arith.constant 768 : i32
    %dma_start3A_843 = tpu.memref_slice %arg8[%dma_start3A_842] : memref<2048xi32, #tpu.memory_space<vmem>> -> memref<128xi32, #tpu.memory_space<vmem>>
    %dma_start3A_844 = arith.constant 0 : i32
    %dma_start3A_845 = arith.constant 0 : i32
    %dma_start3A_846 = tpu.memref_slice %arg2[%dma_start3A_844, %dma_start3A_845] : memref<640x16xf32, #tpu.memory_space<hbm>> -> memref<640x16xf32, #tpu.memory_space<hbm>>
    tpu.enqueue_indirect_dma source(%dma_start3A_846 : memref<640x16xf32, #tpu.memory_space<hbm>>) target(%dma_start3A_841 : memref<128x16xf32, #tpu.memory_space<vmem>>) offsets(%dma_start3A_843 : memref<128xi32, #tpu.memory_space<vmem>>) semaphore(%arg10 : memref<!tpu.dma_semaphore, #tpu.memory_space<semaphore_mem>>)
    %get3A_847 = arith.constant 896 : index
    %get3A_848 = tpu.vector_load %arg6[%get3A_847] {strides = array<i32>} : memref<2048xi32, #tpu.memory_space<vmem>>, vector<16xi32>,
    %get3A_849 = vector.shape_cast %get3A_848 : vector<16xi32> to vector<16xi32>
    %mul3A_850 = arith.constant 64 : i32
    %mul3A_851 = vector.broadcast %mul3A_850 : i32 to vector<16xi32>
    %mul3A_852 = arith.muli %get3A_849, %mul3A_851 : vector<16xi32>
    %get3A_853 = arith.constant 896 : index
    %get3A_854 = tpu.vector_load %arg7[%get3A_853] {strides = array<i32>} : memref<2048xi32, #tpu.memory_space<vmem>>, vector<16xi32>,
    %get3A_855 = vector.shape_cast %get3A_854 : vector<16xi32> to vector<16xi32>
    %add3A_856 = arith.addi %mul3A_852, %get3A_855 : vector<16xi32>
    %swap3A_857 = arith.constant 896 : index
    %swap3A_858 = tpu.vector_load %arg8[%swap3A_857] {strides = array<i32>} : memref<2048xi32, #tpu.memory_space<vmem>>, vector<16xi32>,
    %swap3A_859 = vector.shape_cast %swap3A_858 : vector<16xi32> to vector<16xi32>
    %swap3A_860 = vector.shape_cast %add3A_856 : vector<16xi32> to vector<16xi32>
    tpu.vector_store %arg8[%swap3A_857], %swap3A_860 {strides = array<i32>} : memref<2048xi32, #tpu.memory_space<vmem>>, vector<16xi32>,
    %get3A_861 = arith.constant 912 : index
    %get3A_862 = tpu.vector_load %arg6[%get3A_861] {strides = array<i32>} : memref<2048xi32, #tpu.memory_space<vmem>>, vector<16xi32>,
    %get3A_863 = vector.shape_cast %get3A_862 : vector<16xi32> to vector<16xi32>
    %mul3A_864 = arith.constant 64 : i32
    %mul3A_865 = vector.broadcast %mul3A_864 : i32 to vector<16xi32>
    %mul3A_866 = arith.muli %get3A_863, %mul3A_865 : vector<16xi32>
    %get3A_867 = arith.constant 912 : index
    %get3A_868 = tpu.vector_load %arg7[%get3A_867] {strides = array<i32>} : memref<2048xi32, #tpu.memory_space<vmem>>, vector<16xi32>,
    %get3A_869 = vector.shape_cast %get3A_868 : vector<16xi32> to vector<16xi32>
    %add3A_870 = arith.addi %mul3A_866, %get3A_869 : vector<16xi32>
    %swap3A_871 = arith.constant 912 : index
    %swap3A_872 = tpu.vector_load %arg8[%swap3A_871] {strides = array<i32>} : memref<2048xi32, #tpu.memory_space<vmem>>, vector<16xi32>,
    %swap3A_873 = vector.shape_cast %swap3A_872 : vector<16xi32> to vector<16xi32>
    %swap3A_874 = vector.shape_cast %add3A_870 : vector<16xi32> to vector<16xi32>
    tpu.vector_store %arg8[%swap3A_871], %swap3A_874 {strides = array<i32>} : memref<2048xi32, #tpu.memory_space<vmem>>, vector<16xi32>,
    %get3A_875 = arith.constant 928 : index
    %get3A_876 = tpu.vector_load %arg6[%get3A_875] {strides = array<i32>} : memref<2048xi32, #tpu.memory_space<vmem>>, vector<16xi32>,
    %get3A_877 = vector.shape_cast %get3A_876 : vector<16xi32> to vector<16xi32>
    %mul3A_878 = arith.constant 64 : i32
    %mul3A_879 = vector.broadcast %mul3A_878 : i32 to vector<16xi32>
    %mul3A_880 = arith.muli %get3A_877, %mul3A_879 : vector<16xi32>
    %get3A_881 = arith.constant 928 : index
    %get3A_882 = tpu.vector_load %arg7[%get3A_881] {strides = array<i32>} : memref<2048xi32, #tpu.memory_space<vmem>>, vector<16xi32>,
    %get3A_883 = vector.shape_cast %get3A_882 : vector<16xi32> to vector<16xi32>
    %add3A_884 = arith.addi %mul3A_880, %get3A_883 : vector<16xi32>
    %swap3A_885 = arith.constant 928 : index
    %swap3A_886 = tpu.vector_load %arg8[%swap3A_885] {strides = array<i32>} : memref<2048xi32, #tpu.memory_space<vmem>>, vector<16xi32>,
    %swap3A_887 = vector.shape_cast %swap3A_886 : vector<16xi32> to vector<16xi32>
    %swap3A_888 = vector.shape_cast %add3A_884 : vector<16xi32> to vector<16xi32>
    tpu.vector_store %arg8[%swap3A_885], %swap3A_888 {strides = array<i32>} : memref<2048xi32, #tpu.memory_space<vmem>>, vector<16xi32>,
    %get3A_889 = arith.constant 944 : index
    %get3A_890 = tpu.vector_load %arg6[%get3A_889] {strides = array<i32>} : memref<2048xi32, #tpu.memory_space<vmem>>, vector<16xi32>,
    %get3A_891 = vector.shape_cast %get3A_890 : vector<16xi32> to vector<16xi32>
    %mul3A_892 = arith.constant 64 : i32
    %mul3A_893 = vector.broadcast %mul3A_892 : i32 to vector<16xi32>
    %mul3A_894 = arith.muli %get3A_891, %mul3A_893 : vector<16xi32>
    %get3A_895 = arith.constant 944 : index
    %get3A_896 = tpu.vector_load %arg7[%get3A_895] {strides = array<i32>} : memref<2048xi32, #tpu.memory_space<vmem>>, vector<16xi32>,
    %get3A_897 = vector.shape_cast %get3A_896 : vector<16xi32> to vector<16xi32>
    %add3A_898 = arith.addi %mul3A_894, %get3A_897 : vector<16xi32>
    %swap3A_899 = arith.constant 944 : index
    %swap3A_900 = tpu.vector_load %arg8[%swap3A_899] {strides = array<i32>} : memref<2048xi32, #tpu.memory_space<vmem>>, vector<16xi32>,
    %swap3A_901 = vector.shape_cast %swap3A_900 : vector<16xi32> to vector<16xi32>
    %swap3A_902 = vector.shape_cast %add3A_898 : vector<16xi32> to vector<16xi32>
    tpu.vector_store %arg8[%swap3A_899], %swap3A_902 {strides = array<i32>} : memref<2048xi32, #tpu.memory_space<vmem>>, vector<16xi32>,
    %get3A_903 = arith.constant 960 : index
    %get3A_904 = tpu.vector_load %arg6[%get3A_903] {strides = array<i32>} : memref<2048xi32, #tpu.memory_space<vmem>>, vector<16xi32>,
    %get3A_905 = vector.shape_cast %get3A_904 : vector<16xi32> to vector<16xi32>
    %mul3A_906 = arith.constant 64 : i32
    %mul3A_907 = vector.broadcast %mul3A_906 : i32 to vector<16xi32>
    %mul3A_908 = arith.muli %get3A_905, %mul3A_907 : vector<16xi32>
    %get3A_909 = arith.constant 960 : index
    %get3A_910 = tpu.vector_load %arg7[%get3A_909] {strides = array<i32>} : memref<2048xi32, #tpu.memory_space<vmem>>, vector<16xi32>,
    %get3A_911 = vector.shape_cast %get3A_910 : vector<16xi32> to vector<16xi32>
    %add3A_912 = arith.addi %mul3A_908, %get3A_911 : vector<16xi32>
    %swap3A_913 = arith.constant 960 : index
    %swap3A_914 = tpu.vector_load %arg8[%swap3A_913] {strides = array<i32>} : memref<2048xi32, #tpu.memory_space<vmem>>, vector<16xi32>,
    %swap3A_915 = vector.shape_cast %swap3A_914 : vector<16xi32> to vector<16xi32>
    %swap3A_916 = vector.shape_cast %add3A_912 : vector<16xi32> to vector<16xi32>
    tpu.vector_store %arg8[%swap3A_913], %swap3A_916 {strides = array<i32>} : memref<2048xi32, #tpu.memory_space<vmem>>, vector<16xi32>,
    %get3A_917 = arith.constant 976 : index
    %get3A_918 = tpu.vector_load %arg6[%get3A_917] {strides = array<i32>} : memref<2048xi32, #tpu.memory_space<vmem>>, vector<16xi32>,
    %get3A_919 = vector.shape_cast %get3A_918 : vector<16xi32> to vector<16xi32>
    %mul3A_920 = arith.constant 64 : i32
    %mul3A_921 = vector.broadcast %mul3A_920 : i32 to vector<16xi32>
    %mul3A_922 = arith.muli %get3A_919, %mul3A_921 : vector<16xi32>
    %get3A_923 = arith.constant 976 : index
    %get3A_924 = tpu.vector_load %arg7[%get3A_923] {strides = array<i32>} : memref<2048xi32, #tpu.memory_space<vmem>>, vector<16xi32>,
    %get3A_925 = vector.shape_cast %get3A_924 : vector<16xi32> to vector<16xi32>
    %add3A_926 = arith.addi %mul3A_922, %get3A_925 : vector<16xi32>
    %swap3A_927 = arith.constant 976 : index
    %swap3A_928 = tpu.vector_load %arg8[%swap3A_927] {strides = array<i32>} : memref<2048xi32, #tpu.memory_space<vmem>>, vector<16xi32>,
    %swap3A_929 = vector.shape_cast %swap3A_928 : vector<16xi32> to vector<16xi32>
    %swap3A_930 = vector.shape_cast %add3A_926 : vector<16xi32> to vector<16xi32>
    tpu.vector_store %arg8[%swap3A_927], %swap3A_930 {strides = array<i32>} : memref<2048xi32, #tpu.memory_space<vmem>>, vector<16xi32>,
    %get3A_931 = arith.constant 992 : index
    %get3A_932 = tpu.vector_load %arg6[%get3A_931] {strides = array<i32>} : memref<2048xi32, #tpu.memory_space<vmem>>, vector<16xi32>,
    %get3A_933 = vector.shape_cast %get3A_932 : vector<16xi32> to vector<16xi32>
    %mul3A_934 = arith.constant 64 : i32
    %mul3A_935 = vector.broadcast %mul3A_934 : i32 to vector<16xi32>
    %mul3A_936 = arith.muli %get3A_933, %mul3A_935 : vector<16xi32>
    %get3A_937 = arith.constant 992 : index
    %get3A_938 = tpu.vector_load %arg7[%get3A_937] {strides = array<i32>} : memref<2048xi32, #tpu.memory_space<vmem>>, vector<16xi32>,
    %get3A_939 = vector.shape_cast %get3A_938 : vector<16xi32> to vector<16xi32>
    %add3A_940 = arith.addi %mul3A_936, %get3A_939 : vector<16xi32>
    %swap3A_941 = arith.constant 992 : index
    %swap3A_942 = tpu.vector_load %arg8[%swap3A_941] {strides = array<i32>} : memref<2048xi32, #tpu.memory_space<vmem>>, vector<16xi32>,
    %swap3A_943 = vector.shape_cast %swap3A_942 : vector<16xi32> to vector<16xi32>
    %swap3A_944 = vector.shape_cast %add3A_940 : vector<16xi32> to vector<16xi32>
    tpu.vector_store %arg8[%swap3A_941], %swap3A_944 {strides = array<i32>} : memref<2048xi32, #tpu.memory_space<vmem>>, vector<16xi32>,
    %get3A_945 = arith.constant 1008 : index
    %get3A_946 = tpu.vector_load %arg6[%get3A_945] {strides = array<i32>} : memref<2048xi32, #tpu.memory_space<vmem>>, vector<16xi32>,
    %get3A_947 = vector.shape_cast %get3A_946 : vector<16xi32> to vector<16xi32>
    %mul3A_948 = arith.constant 64 : i32
    %mul3A_949 = vector.broadcast %mul3A_948 : i32 to vector<16xi32>
    %mul3A_950 = arith.muli %get3A_947, %mul3A_949 : vector<16xi32>
    %get3A_951 = arith.constant 1008 : index
    %get3A_952 = tpu.vector_load %arg7[%get3A_951] {strides = array<i32>} : memref<2048xi32, #tpu.memory_space<vmem>>, vector<16xi32>,
    %get3A_953 = vector.shape_cast %get3A_952 : vector<16xi32> to vector<16xi32>
    %add3A_954 = arith.addi %mul3A_950, %get3A_953 : vector<16xi32>
    %swap3A_955 = arith.constant 1008 : index
    %swap3A_956 = tpu.vector_load %arg8[%swap3A_955] {strides = array<i32>} : memref<2048xi32, #tpu.memory_space<vmem>>, vector<16xi32>,
    %swap3A_957 = vector.shape_cast %swap3A_956 : vector<16xi32> to vector<16xi32>
    %swap3A_958 = vector.shape_cast %add3A_954 : vector<16xi32> to vector<16xi32>
    tpu.vector_store %arg8[%swap3A_955], %swap3A_958 {strides = array<i32>} : memref<2048xi32, #tpu.memory_space<vmem>>, vector<16xi32>,
    %dma_start3A_959 = arith.constant 896 : i32
    %dma_start3A_960 = arith.constant 0 : i32
    %dma_start3A_961 = tpu.memref_slice %arg9[%dma_start3A_959, %dma_start3A_960] : memref<2048x16xf32, #tpu.memory_space<vmem>> -> memref<128x16xf32, #tpu.memory_space<vmem>>
    %dma_start3A_962 = arith.constant 896 : i32
    %dma_start3A_963 = tpu.memref_slice %arg8[%dma_start3A_962] : memref<2048xi32, #tpu.memory_space<vmem>> -> memref<128xi32, #tpu.memory_space<vmem>>
    %dma_start3A_964 = arith.constant 0 : i32
    %dma_start3A_965 = arith.constant 0 : i32
    %dma_start3A_966 = tpu.memref_slice %arg2[%dma_start3A_964, %dma_start3A_965] : memref<640x16xf32, #tpu.memory_space<hbm>> -> memref<640x16xf32, #tpu.memory_space<hbm>>
    tpu.enqueue_indirect_dma source(%dma_start3A_966 : memref<640x16xf32, #tpu.memory_space<hbm>>) target(%dma_start3A_961 : memref<128x16xf32, #tpu.memory_space<vmem>>) offsets(%dma_start3A_963 : memref<128xi32, #tpu.memory_space<vmem>>) semaphore(%arg10 : memref<!tpu.dma_semaphore, #tpu.memory_space<semaphore_mem>>)
    %get3A_967 = arith.constant 1024 : index
    %get3A_968 = tpu.vector_load %arg6[%get3A_967] {strides = array<i32>} : memref<2048xi32, #tpu.memory_space<vmem>>, vector<16xi32>,
    %get3A_969 = vector.shape_cast %get3A_968 : vector<16xi32> to vector<16xi32>
    %mul3A_970 = arith.constant 64 : i32
    %mul3A_971 = vector.broadcast %mul3A_970 : i32 to vector<16xi32>
    %mul3A_972 = arith.muli %get3A_969, %mul3A_971 : vector<16xi32>
    %get3A_973 = arith.constant 1024 : index
    %get3A_974 = tpu.vector_load %arg7[%get3A_973] {strides = array<i32>} : memref<2048xi32, #tpu.memory_space<vmem>>, vector<16xi32>,
    %get3A_975 = vector.shape_cast %get3A_974 : vector<16xi32> to vector<16xi32>
    %add3A_976 = arith.addi %mul3A_972, %get3A_975 : vector<16xi32>
    %swap3A_977 = arith.constant 1024 : index
    %swap3A_978 = tpu.vector_load %arg8[%swap3A_977] {strides = array<i32>} : memref<2048xi32, #tpu.memory_space<vmem>>, vector<16xi32>,
    %swap3A_979 = vector.shape_cast %swap3A_978 : vector<16xi32> to vector<16xi32>
    %swap3A_980 = vector.shape_cast %add3A_976 : vector<16xi32> to vector<16xi32>
    tpu.vector_store %arg8[%swap3A_977], %swap3A_980 {strides = array<i32>} : memref<2048xi32, #tpu.memory_space<vmem>>, vector<16xi32>,
    %get3A_981 = arith.constant 1040 : index
    %get3A_982 = tpu.vector_load %arg6[%get3A_981] {strides = array<i32>} : memref<2048xi32, #tpu.memory_space<vmem>>, vector<16xi32>,
    %get3A_983 = vector.shape_cast %get3A_982 : vector<16xi32> to vector<16xi32>
    %mul3A_984 = arith.constant 64 : i32
    %mul3A_985 = vector.broadcast %mul3A_984 : i32 to vector<16xi32>
    %mul3A_986 = arith.muli %get3A_983, %mul3A_985 : vector<16xi32>
    %get3A_987 = arith.constant 1040 : index
    %get3A_988 = tpu.vector_load %arg7[%get3A_987] {strides = array<i32>} : memref<2048xi32, #tpu.memory_space<vmem>>, vector<16xi32>,
    %get3A_989 = vector.shape_cast %get3A_988 : vector<16xi32> to vector<16xi32>
    %add3A_990 = arith.addi %mul3A_986, %get3A_989 : vector<16xi32>
    %swap3A_991 = arith.constant 1040 : index
    %swap3A_992 = tpu.vector_load %arg8[%swap3A_991] {strides = array<i32>} : memref<2048xi32, #tpu.memory_space<vmem>>, vector<16xi32>,
    %swap3A_993 = vector.shape_cast %swap3A_992 : vector<16xi32> to vector<16xi32>
    %swap3A_994 = vector.shape_cast %add3A_990 : vector<16xi32> to vector<16xi32>
    tpu.vector_store %arg8[%swap3A_991], %swap3A_994 {strides = array<i32>} : memref<2048xi32, #tpu.memory_space<vmem>>, vector<16xi32>,
    %get3A_995 = arith.constant 1056 : index
    %get3A_996 = tpu.vector_load %arg6[%get3A_995] {strides = array<i32>} : memref<2048xi32, #tpu.memory_space<vmem>>, vector<16xi32>,
    %get3A_997 = vector.shape_cast %get3A_996 : vector<16xi32> to vector<16xi32>
    %mul3A_998 = arith.constant 64 : i32
    %mul3A_999 = vector.broadcast %mul3A_998 : i32 to vector<16xi32>
    %mul3A_1000 = arith.muli %get3A_997, %mul3A_999 : vector<16xi32>
    %get3A_1001 = arith.constant 1056 : index
    %get3A_1002 = tpu.vector_load %arg7[%get3A_1001] {strides = array<i32>} : memref<2048xi32, #tpu.memory_space<vmem>>, vector<16xi32>,
    %get3A_1003 = vector.shape_cast %get3A_1002 : vector<16xi32> to vector<16xi32>
    %add3A_1004 = arith.addi %mul3A_1000, %get3A_1003 : vector<16xi32>
    %swap3A_1005 = arith.constant 1056 : index
    %swap3A_1006 = tpu.vector_load %arg8[%swap3A_1005] {strides = array<i32>} : memref<2048xi32, #tpu.memory_space<vmem>>, vector<16xi32>,
    %swap3A_1007 = vector.shape_cast %swap3A_1006 : vector<16xi32> to vector<16xi32>
    %swap3A_1008 = vector.shape_cast %add3A_1004 : vector<16xi32> to vector<16xi32>
    tpu.vector_store %arg8[%swap3A_1005], %swap3A_1008 {strides = array<i32>} : memref<2048xi32, #tpu.memory_space<vmem>>, vector<16xi32>,
    %get3A_1009 = arith.constant 1072 : index
    %get3A_1010 = tpu.vector_load %arg6[%get3A_1009] {strides = array<i32>} : memref<2048xi32, #tpu.memory_space<vmem>>, vector<16xi32>,
    %get3A_1011 = vector.shape_cast %get3A_1010 : vector<16xi32> to vector<16xi32>
    %mul3A_1012 = arith.constant 64 : i32
    %mul3A_1013 = vector.broadcast %mul3A_1012 : i32 to vector<16xi32>
    %mul3A_1014 = arith.muli %get3A_1011, %mul3A_1013 : vector<16xi32>
    %get3A_1015 = arith.constant 1072 : index
    %get3A_1016 = tpu.vector_load %arg7[%get3A_1015] {strides = array<i32>} : memref<2048xi32, #tpu.memory_space<vmem>>, vector<16xi32>,
    %get3A_1017 = vector.shape_cast %get3A_1016 : vector<16xi32> to vector<16xi32>
    %add3A_1018 = arith.addi %mul3A_1014, %get3A_1017 : vector<16xi32>
    %swap3A_1019 = arith.constant 1072 : index
    %swap3A_1020 = tpu.vector_load %arg8[%swap3A_1019] {strides = array<i32>} : memref<2048xi32, #tpu.memory_space<vmem>>, vector<16xi32>,
    %swap3A_1021 = vector.shape_cast %swap3A_1020 : vector<16xi32> to vector<16xi32>
    %swap3A_1022 = vector.shape_cast %add3A_1018 : vector<16xi32> to vector<16xi32>
    tpu.vector_store %arg8[%swap3A_1019], %swap3A_1022 {strides = array<i32>} : memref<2048xi32, #tpu.memory_space<vmem>>, vector<16xi32>,
    %get3A_1023 = arith.constant 1088 : index
    %get3A_1024 = tpu.vector_load %arg6[%get3A_1023] {strides = array<i32>} : memref<2048xi32, #tpu.memory_space<vmem>>, vector<16xi32>,
    %get3A_1025 = vector.shape_cast %get3A_1024 : vector<16xi32> to vector<16xi32>
    %mul3A_1026 = arith.constant 64 : i32
    %mul3A_1027 = vector.broadcast %mul3A_1026 : i32 to vector<16xi32>
    %mul3A_1028 = arith.muli %get3A_1025, %mul3A_1027 : vector<16xi32>
    %get3A_1029 = arith.constant 1088 : index
    %get3A_1030 = tpu.vector_load %arg7[%get3A_1029] {strides = array<i32>} : memref<2048xi32, #tpu.memory_space<vmem>>, vector<16xi32>,
    %get3A_1031 = vector.shape_cast %get3A_1030 : vector<16xi32> to vector<16xi32>
    %add3A_1032 = arith.addi %mul3A_1028, %get3A_1031 : vector<16xi32>
    %swap3A_1033 = arith.constant 1088 : index
    %swap3A_1034 = tpu.vector_load %arg8[%swap3A_1033] {strides = array<i32>} : memref<2048xi32, #tpu.memory_space<vmem>>, vector<16xi32>,
    %swap3A_1035 = vector.shape_cast %swap3A_1034 : vector<16xi32> to vector<16xi32>
    %swap3A_1036 = vector.shape_cast %add3A_1032 : vector<16xi32> to vector<16xi32>
    tpu.vector_store %arg8[%swap3A_1033], %swap3A_1036 {strides = array<i32>} : memref<2048xi32, #tpu.memory_space<vmem>>, vector<16xi32>,
    %get3A_1037 = arith.constant 1104 : index
    %get3A_1038 = tpu.vector_load %arg6[%get3A_1037] {strides = array<i32>} : memref<2048xi32, #tpu.memory_space<vmem>>, vector<16xi32>,
    %get3A_1039 = vector.shape_cast %get3A_1038 : vector<16xi32> to vector<16xi32>
    %mul3A_1040 = arith.constant 64 : i32
    %mul3A_1041 = vector.broadcast %mul3A_1040 : i32 to vector<16xi32>
    %mul3A_1042 = arith.muli %get3A_1039, %mul3A_1041 : vector<16xi32>
    %get3A_1043 = arith.constant 1104 : index
    %get3A_1044 = tpu.vector_load %arg7[%get3A_1043] {strides = array<i32>} : memref<2048xi32, #tpu.memory_space<vmem>>, vector<16xi32>,
    %get3A_1045 = vector.shape_cast %get3A_1044 : vector<16xi32> to vector<16xi32>
    %add3A_1046 = arith.addi %mul3A_1042, %get3A_1045 : vector<16xi32>
    %swap3A_1047 = arith.constant 1104 : index
    %swap3A_1048 = tpu.vector_load %arg8[%swap3A_1047] {strides = array<i32>} : memref<2048xi32, #tpu.memory_space<vmem>>, vector<16xi32>,
    %swap3A_1049 = vector.shape_cast %swap3A_1048 : vector<16xi32> to vector<16xi32>
    %swap3A_1050 = vector.shape_cast %add3A_1046 : vector<16xi32> to vector<16xi32>
    tpu.vector_store %arg8[%swap3A_1047], %swap3A_1050 {strides = array<i32>} : memref<2048xi32, #tpu.memory_space<vmem>>, vector<16xi32>,
    %get3A_1051 = arith.constant 1120 : index
    %get3A_1052 = tpu.vector_load %arg6[%get3A_1051] {strides = array<i32>} : memref<2048xi32, #tpu.memory_space<vmem>>, vector<16xi32>,
    %get3A_1053 = vector.shape_cast %get3A_1052 : vector<16xi32> to vector<16xi32>
    %mul3A_1054 = arith.constant 64 : i32
    %mul3A_1055 = vector.broadcast %mul3A_1054 : i32 to vector<16xi32>
    %mul3A_1056 = arith.muli %get3A_1053, %mul3A_1055 : vector<16xi32>
    %get3A_1057 = arith.constant 1120 : index
    %get3A_1058 = tpu.vector_load %arg7[%get3A_1057] {strides = array<i32>} : memref<2048xi32, #tpu.memory_space<vmem>>, vector<16xi32>,
    %get3A_1059 = vector.shape_cast %get3A_1058 : vector<16xi32> to vector<16xi32>
    %add3A_1060 = arith.addi %mul3A_1056, %get3A_1059 : vector<16xi32>
    %swap3A_1061 = arith.constant 1120 : index
    %swap3A_1062 = tpu.vector_load %arg8[%swap3A_1061] {strides = array<i32>} : memref<2048xi32, #tpu.memory_space<vmem>>, vector<16xi32>,
    %swap3A_1063 = vector.shape_cast %swap3A_1062 : vector<16xi32> to vector<16xi32>
    %swap3A_1064 = vector.shape_cast %add3A_1060 : vector<16xi32> to vector<16xi32>
    tpu.vector_store %arg8[%swap3A_1061], %swap3A_1064 {strides = array<i32>} : memref<2048xi32, #tpu.memory_space<vmem>>, vector<16xi32>,
    %get3A_1065 = arith.constant 1136 : index
    %get3A_1066 = tpu.vector_load %arg6[%get3A_1065] {strides = array<i32>} : memref<2048xi32, #tpu.memory_space<vmem>>, vector<16xi32>,
    %get3A_1067 = vector.shape_cast %get3A_1066 : vector<16xi32> to vector<16xi32>
    %mul3A_1068 = arith.constant 64 : i32
    %mul3A_1069 = vector.broadcast %mul3A_1068 : i32 to vector<16xi32>
    %mul3A_1070 = arith.muli %get3A_1067, %mul3A_1069 : vector<16xi32>
    %get3A_1071 = arith.constant 1136 : index
    %get3A_1072 = tpu.vector_load %arg7[%get3A_1071] {strides = array<i32>} : memref<2048xi32, #tpu.memory_space<vmem>>, vector<16xi32>,
    %get3A_1073 = vector.shape_cast %get3A_1072 : vector<16xi32> to vector<16xi32>
    %add3A_1074 = arith.addi %mul3A_1070, %get3A_1073 : vector<16xi32>
    %swap3A_1075 = arith.constant 1136 : index
    %swap3A_1076 = tpu.vector_load %arg8[%swap3A_1075] {strides = array<i32>} : memref<2048xi32, #tpu.memory_space<vmem>>, vector<16xi32>,
    %swap3A_1077 = vector.shape_cast %swap3A_1076 : vector<16xi32> to vector<16xi32>
    %swap3A_1078 = vector.shape_cast %add3A_1074 : vector<16xi32> to vector<16xi32>
    tpu.vector_store %arg8[%swap3A_1075], %swap3A_1078 {strides = array<i32>} : memref<2048xi32, #tpu.memory_space<vmem>>, vector<16xi32>,
    %dma_start3A_1079 = arith.constant 1024 : i32
    %dma_start3A_1080 = arith.constant 0 : i32
    %dma_start3A_1081 = tpu.memref_slice %arg9[%dma_start3A_1079, %dma_start3A_1080] : memref<2048x16xf32, #tpu.memory_space<vmem>> -> memref<128x16xf32, #tpu.memory_space<vmem>>
    %dma_start3A_1082 = arith.constant 1024 : i32
    %dma_start3A_1083 = tpu.memref_slice %arg8[%dma_start3A_1082] : memref<2048xi32, #tpu.memory_space<vmem>> -> memref<128xi32, #tpu.memory_space<vmem>>
    %dma_start3A_1084 = arith.constant 0 : i32
    %dma_start3A_1085 = arith.constant 0 : i32
    %dma_start3A_1086 = tpu.memref_slice %arg2[%dma_start3A_1084, %dma_start3A_1085] : memref<640x16xf32, #tpu.memory_space<hbm>> -> memref<640x16xf32, #tpu.memory_space<hbm>>
    tpu.enqueue_indirect_dma source(%dma_start3A_1086 : memref<640x16xf32, #tpu.memory_space<hbm>>) target(%dma_start3A_1081 : memref<128x16xf32, #tpu.memory_space<vmem>>) offsets(%dma_start3A_1083 : memref<128xi32, #tpu.memory_space<vmem>>) semaphore(%arg10 : memref<!tpu.dma_semaphore, #tpu.memory_space<semaphore_mem>>)
    %get3A_1087 = arith.constant 1152 : index
    %get3A_1088 = tpu.vector_load %arg6[%get3A_1087] {strides = array<i32>} : memref<2048xi32, #tpu.memory_space<vmem>>, vector<16xi32>,
    %get3A_1089 = vector.shape_cast %get3A_1088 : vector<16xi32> to vector<16xi32>
    %mul3A_1090 = arith.constant 64 : i32
    %mul3A_1091 = vector.broadcast %mul3A_1090 : i32 to vector<16xi32>
    %mul3A_1092 = arith.muli %get3A_1089, %mul3A_1091 : vector<16xi32>
    %get3A_1093 = arith.constant 1152 : index
    %get3A_1094 = tpu.vector_load %arg7[%get3A_1093] {strides = array<i32>} : memref<2048xi32, #tpu.memory_space<vmem>>, vector<16xi32>,
    %get3A_1095 = vector.shape_cast %get3A_1094 : vector<16xi32> to vector<16xi32>
    %add3A_1096 = arith.addi %mul3A_1092, %get3A_1095 : vector<16xi32>
    %swap3A_1097 = arith.constant 1152 : index
    %swap3A_1098 = tpu.vector_load %arg8[%swap3A_1097] {strides = array<i32>} : memref<2048xi32, #tpu.memory_space<vmem>>, vector<16xi32>,
    %swap3A_1099 = vector.shape_cast %swap3A_1098 : vector<16xi32> to vector<16xi32>
    %swap3A_1100 = vector.shape_cast %add3A_1096 : vector<16xi32> to vector<16xi32>
    tpu.vector_store %arg8[%swap3A_1097], %swap3A_1100 {strides = array<i32>} : memref<2048xi32, #tpu.memory_space<vmem>>, vector<16xi32>,
    %get3A_1101 = arith.constant 1168 : index
    %get3A_1102 = tpu.vector_load %arg6[%get3A_1101] {strides = array<i32>} : memref<2048xi32, #tpu.memory_space<vmem>>, vector<16xi32>,
    %get3A_1103 = vector.shape_cast %get3A_1102 : vector<16xi32> to vector<16xi32>
    %mul3A_1104 = arith.constant 64 : i32
    %mul3A_1105 = vector.broadcast %mul3A_1104 : i32 to vector<16xi32>
    %mul3A_1106 = arith.muli %get3A_1103, %mul3A_1105 : vector<16xi32>
    %get3A_1107 = arith.constant 1168 : index
    %get3A_1108 = tpu.vector_load %arg7[%get3A_1107] {strides = array<i32>} : memref<2048xi32, #tpu.memory_space<vmem>>, vector<16xi32>,
    %get3A_1109 = vector.shape_cast %get3A_1108 : vector<16xi32> to vector<16xi32>
    %add3A_1110 = arith.addi %mul3A_1106, %get3A_1109 : vector<16xi32>
    %swap3A_1111 = arith.constant 1168 : index
    %swap3A_1112 = tpu.vector_load %arg8[%swap3A_1111] {strides = array<i32>} : memref<2048xi32, #tpu.memory_space<vmem>>, vector<16xi32>,
    %swap3A_1113 = vector.shape_cast %swap3A_1112 : vector<16xi32> to vector<16xi32>
    %swap3A_1114 = vector.shape_cast %add3A_1110 : vector<16xi32> to vector<16xi32>
    tpu.vector_store %arg8[%swap3A_1111], %swap3A_1114 {strides = array<i32>} : memref<2048xi32, #tpu.memory_space<vmem>>, vector<16xi32>,
    %get3A_1115 = arith.constant 1184 : index
    %get3A_1116 = tpu.vector_load %arg6[%get3A_1115] {strides = array<i32>} : memref<2048xi32, #tpu.memory_space<vmem>>, vector<16xi32>,
    %get3A_1117 = vector.shape_cast %get3A_1116 : vector<16xi32> to vector<16xi32>
    %mul3A_1118 = arith.constant 64 : i32
    %mul3A_1119 = vector.broadcast %mul3A_1118 : i32 to vector<16xi32>
    %mul3A_1120 = arith.muli %get3A_1117, %mul3A_1119 : vector<16xi32>
    %get3A_1121 = arith.constant 1184 : index
    %get3A_1122 = tpu.vector_load %arg7[%get3A_1121] {strides = array<i32>} : memref<2048xi32, #tpu.memory_space<vmem>>, vector<16xi32>,
    %get3A_1123 = vector.shape_cast %get3A_1122 : vector<16xi32> to vector<16xi32>
    %add3A_1124 = arith.addi %mul3A_1120, %get3A_1123 : vector<16xi32>
    %swap3A_1125 = arith.constant 1184 : index
    %swap3A_1126 = tpu.vector_load %arg8[%swap3A_1125] {strides = array<i32>} : memref<2048xi32, #tpu.memory_space<vmem>>, vector<16xi32>,
    %swap3A_1127 = vector.shape_cast %swap3A_1126 : vector<16xi32> to vector<16xi32>
    %swap3A_1128 = vector.shape_cast %add3A_1124 : vector<16xi32> to vector<16xi32>
    tpu.vector_store %arg8[%swap3A_1125], %swap3A_1128 {strides = array<i32>} : memref<2048xi32, #tpu.memory_space<vmem>>, vector<16xi32>,
    %get3A_1129 = arith.constant 1200 : index
    %get3A_1130 = tpu.vector_load %arg6[%get3A_1129] {strides = array<i32>} : memref<2048xi32, #tpu.memory_space<vmem>>, vector<16xi32>,
    %get3A_1131 = vector.shape_cast %get3A_1130 : vector<16xi32> to vector<16xi32>
    %mul3A_1132 = arith.constant 64 : i32
    %mul3A_1133 = vector.broadcast %mul3A_1132 : i32 to vector<16xi32>
    %mul3A_1134 = arith.muli %get3A_1131, %mul3A_1133 : vector<16xi32>
    %get3A_1135 = arith.constant 1200 : index
    %get3A_1136 = tpu.vector_load %arg7[%get3A_1135] {strides = array<i32>} : memref<2048xi32, #tpu.memory_space<vmem>>, vector<16xi32>,
    %get3A_1137 = vector.shape_cast %get3A_1136 : vector<16xi32> to vector<16xi32>
    %add3A_1138 = arith.addi %mul3A_1134, %get3A_1137 : vector<16xi32>
    %swap3A_1139 = arith.constant 1200 : index
    %swap3A_1140 = tpu.vector_load %arg8[%swap3A_1139] {strides = array<i32>} : memref<2048xi32, #tpu.memory_space<vmem>>, vector<16xi32>,
    %swap3A_1141 = vector.shape_cast %swap3A_1140 : vector<16xi32> to vector<16xi32>
    %swap3A_1142 = vector.shape_cast %add3A_1138 : vector<16xi32> to vector<16xi32>
    tpu.vector_store %arg8[%swap3A_1139], %swap3A_1142 {strides = array<i32>} : memref<2048xi32, #tpu.memory_space<vmem>>, vector<16xi32>,
    %get3A_1143 = arith.constant 1216 : index
    %get3A_1144 = tpu.vector_load %arg6[%get3A_1143] {strides = array<i32>} : memref<2048xi32, #tpu.memory_space<vmem>>, vector<16xi32>,
    %get3A_1145 = vector.shape_cast %get3A_1144 : vector<16xi32> to vector<16xi32>
    %mul3A_1146 = arith.constant 64 : i32
    %mul3A_1147 = vector.broadcast %mul3A_1146 : i32 to vector<16xi32>
    %mul3A_1148 = arith.muli %get3A_1145, %mul3A_1147 : vector<16xi32>
    %get3A_1149 = arith.constant 1216 : index
    %get3A_1150 = tpu.vector_load %arg7[%get3A_1149] {strides = array<i32>} : memref<2048xi32, #tpu.memory_space<vmem>>, vector<16xi32>,
    %get3A_1151 = vector.shape_cast %get3A_1150 : vector<16xi32> to vector<16xi32>
    %add3A_1152 = arith.addi %mul3A_1148, %get3A_1151 : vector<16xi32>
    %swap3A_1153 = arith.constant 1216 : index
    %swap3A_1154 = tpu.vector_load %arg8[%swap3A_1153] {strides = array<i32>} : memref<2048xi32, #tpu.memory_space<vmem>>, vector<16xi32>,
    %swap3A_1155 = vector.shape_cast %swap3A_1154 : vector<16xi32> to vector<16xi32>
    %swap3A_1156 = vector.shape_cast %add3A_1152 : vector<16xi32> to vector<16xi32>
    tpu.vector_store %arg8[%swap3A_1153], %swap3A_1156 {strides = array<i32>} : memref<2048xi32, #tpu.memory_space<vmem>>, vector<16xi32>,
    %get3A_1157 = arith.constant 1232 : index
    %get3A_1158 = tpu.vector_load %arg6[%get3A_1157] {strides = array<i32>} : memref<2048xi32, #tpu.memory_space<vmem>>, vector<16xi32>,
    %get3A_1159 = vector.shape_cast %get3A_1158 : vector<16xi32> to vector<16xi32>
    %mul3A_1160 = arith.constant 64 : i32
    %mul3A_1161 = vector.broadcast %mul3A_1160 : i32 to vector<16xi32>
    %mul3A_1162 = arith.muli %get3A_1159, %mul3A_1161 : vector<16xi32>
    %get3A_1163 = arith.constant 1232 : index
    %get3A_1164 = tpu.vector_load %arg7[%get3A_1163] {strides = array<i32>} : memref<2048xi32, #tpu.memory_space<vmem>>, vector<16xi32>,
    %get3A_1165 = vector.shape_cast %get3A_1164 : vector<16xi32> to vector<16xi32>
    %add3A_1166 = arith.addi %mul3A_1162, %get3A_1165 : vector<16xi32>
    %swap3A_1167 = arith.constant 1232 : index
    %swap3A_1168 = tpu.vector_load %arg8[%swap3A_1167] {strides = array<i32>} : memref<2048xi32, #tpu.memory_space<vmem>>, vector<16xi32>,
    %swap3A_1169 = vector.shape_cast %swap3A_1168 : vector<16xi32> to vector<16xi32>
    %swap3A_1170 = vector.shape_cast %add3A_1166 : vector<16xi32> to vector<16xi32>
    tpu.vector_store %arg8[%swap3A_1167], %swap3A_1170 {strides = array<i32>} : memref<2048xi32, #tpu.memory_space<vmem>>, vector<16xi32>,
    %get3A_1171 = arith.constant 1248 : index
    %get3A_1172 = tpu.vector_load %arg6[%get3A_1171] {strides = array<i32>} : memref<2048xi32, #tpu.memory_space<vmem>>, vector<16xi32>,
    %get3A_1173 = vector.shape_cast %get3A_1172 : vector<16xi32> to vector<16xi32>
    %mul3A_1174 = arith.constant 64 : i32
    %mul3A_1175 = vector.broadcast %mul3A_1174 : i32 to vector<16xi32>
    %mul3A_1176 = arith.muli %get3A_1173, %mul3A_1175 : vector<16xi32>
    %get3A_1177 = arith.constant 1248 : index
    %get3A_1178 = tpu.vector_load %arg7[%get3A_1177] {strides = array<i32>} : memref<2048xi32, #tpu.memory_space<vmem>>, vector<16xi32>,
    %get3A_1179 = vector.shape_cast %get3A_1178 : vector<16xi32> to vector<16xi32>
    %add3A_1180 = arith.addi %mul3A_1176, %get3A_1179 : vector<16xi32>
    %swap3A_1181 = arith.constant 1248 : index
    %swap3A_1182 = tpu.vector_load %arg8[%swap3A_1181] {strides = array<i32>} : memref<2048xi32, #tpu.memory_space<vmem>>, vector<16xi32>,
    %swap3A_1183 = vector.shape_cast %swap3A_1182 : vector<16xi32> to vector<16xi32>
    %swap3A_1184 = vector.shape_cast %add3A_1180 : vector<16xi32> to vector<16xi32>
    tpu.vector_store %arg8[%swap3A_1181], %swap3A_1184 {strides = array<i32>} : memref<2048xi32, #tpu.memory_space<vmem>>, vector<16xi32>,
    %get3A_1185 = arith.constant 1264 : index
    %get3A_1186 = tpu.vector_load %arg6[%get3A_1185] {strides = array<i32>} : memref<2048xi32, #tpu.memory_space<vmem>>, vector<16xi32>,
    %get3A_1187 = vector.shape_cast %get3A_1186 : vector<16xi32> to vector<16xi32>
    %mul3A_1188 = arith.constant 64 : i32
    %mul3A_1189 = vector.broadcast %mul3A_1188 : i32 to vector<16xi32>
    %mul3A_1190 = arith.muli %get3A_1187, %mul3A_1189 : vector<16xi32>
    %get3A_1191 = arith.constant 1264 : index
    %get3A_1192 = tpu.vector_load %arg7[%get3A_1191] {strides = array<i32>} : memref<2048xi32, #tpu.memory_space<vmem>>, vector<16xi32>,
    %get3A_1193 = vector.shape_cast %get3A_1192 : vector<16xi32> to vector<16xi32>
    %add3A_1194 = arith.addi %mul3A_1190, %get3A_1193 : vector<16xi32>
    %swap3A_1195 = arith.constant 1264 : index
    %swap3A_1196 = tpu.vector_load %arg8[%swap3A_1195] {strides = array<i32>} : memref<2048xi32, #tpu.memory_space<vmem>>, vector<16xi32>,
    %swap3A_1197 = vector.shape_cast %swap3A_1196 : vector<16xi32> to vector<16xi32>
    %swap3A_1198 = vector.shape_cast %add3A_1194 : vector<16xi32> to vector<16xi32>
    tpu.vector_store %arg8[%swap3A_1195], %swap3A_1198 {strides = array<i32>} : memref<2048xi32, #tpu.memory_space<vmem>>, vector<16xi32>,
    %dma_start3A_1199 = arith.constant 1152 : i32
    %dma_start3A_1200 = arith.constant 0 : i32
    %dma_start3A_1201 = tpu.memref_slice %arg9[%dma_start3A_1199, %dma_start3A_1200] : memref<2048x16xf32, #tpu.memory_space<vmem>> -> memref<128x16xf32, #tpu.memory_space<vmem>>
    %dma_start3A_1202 = arith.constant 1152 : i32
    %dma_start3A_1203 = tpu.memref_slice %arg8[%dma_start3A_1202] : memref<2048xi32, #tpu.memory_space<vmem>> -> memref<128xi32, #tpu.memory_space<vmem>>
    %dma_start3A_1204 = arith.constant 0 : i32
    %dma_start3A_1205 = arith.constant 0 : i32
    %dma_start3A_1206 = tpu.memref_slice %arg2[%dma_start3A_1204, %dma_start3A_1205] : memref<640x16xf32, #tpu.memory_space<hbm>> -> memref<640x16xf32, #tpu.memory_space<hbm>>
    tpu.enqueue_indirect_dma source(%dma_start3A_1206 : memref<640x16xf32, #tpu.memory_space<hbm>>) target(%dma_start3A_1201 : memref<128x16xf32, #tpu.memory_space<vmem>>) offsets(%dma_start3A_1203 : memref<128xi32, #tpu.memory_space<vmem>>) semaphore(%arg10 : memref<!tpu.dma_semaphore, #tpu.memory_space<semaphore_mem>>)
    %get3A_1207 = arith.constant 1280 : index
    %get3A_1208 = tpu.vector_load %arg6[%get3A_1207] {strides = array<i32>} : memref<2048xi32, #tpu.memory_space<vmem>>, vector<16xi32>,
    %get3A_1209 = vector.shape_cast %get3A_1208 : vector<16xi32> to vector<16xi32>
    %mul3A_1210 = arith.constant 64 : i32
    %mul3A_1211 = vector.broadcast %mul3A_1210 : i32 to vector<16xi32>
    %mul3A_1212 = arith.muli %get3A_1209, %mul3A_1211 : vector<16xi32>
    %get3A_1213 = arith.constant 1280 : index
    %get3A_1214 = tpu.vector_load %arg7[%get3A_1213] {strides = array<i32>} : memref<2048xi32, #tpu.memory_space<vmem>>, vector<16xi32>,
    %get3A_1215 = vector.shape_cast %get3A_1214 : vector<16xi32> to vector<16xi32>
    %add3A_1216 = arith.addi %mul3A_1212, %get3A_1215 : vector<16xi32>
    %swap3A_1217 = arith.constant 1280 : index
    %swap3A_1218 = tpu.vector_load %arg8[%swap3A_1217] {strides = array<i32>} : memref<2048xi32, #tpu.memory_space<vmem>>, vector<16xi32>,
    %swap3A_1219 = vector.shape_cast %swap3A_1218 : vector<16xi32> to vector<16xi32>
    %swap3A_1220 = vector.shape_cast %add3A_1216 : vector<16xi32> to vector<16xi32>
    tpu.vector_store %arg8[%swap3A_1217], %swap3A_1220 {strides = array<i32>} : memref<2048xi32, #tpu.memory_space<vmem>>, vector<16xi32>,
    %get3A_1221 = arith.constant 1296 : index
    %get3A_1222 = tpu.vector_load %arg6[%get3A_1221] {strides = array<i32>} : memref<2048xi32, #tpu.memory_space<vmem>>, vector<16xi32>,
    %get3A_1223 = vector.shape_cast %get3A_1222 : vector<16xi32> to vector<16xi32>
    %mul3A_1224 = arith.constant 64 : i32
    %mul3A_1225 = vector.broadcast %mul3A_1224 : i32 to vector<16xi32>
    %mul3A_1226 = arith.muli %get3A_1223, %mul3A_1225 : vector<16xi32>
    %get3A_1227 = arith.constant 1296 : index
    %get3A_1228 = tpu.vector_load %arg7[%get3A_1227] {strides = array<i32>} : memref<2048xi32, #tpu.memory_space<vmem>>, vector<16xi32>,
    %get3A_1229 = vector.shape_cast %get3A_1228 : vector<16xi32> to vector<16xi32>
    %add3A_1230 = arith.addi %mul3A_1226, %get3A_1229 : vector<16xi32>
    %swap3A_1231 = arith.constant 1296 : index
    %swap3A_1232 = tpu.vector_load %arg8[%swap3A_1231] {strides = array<i32>} : memref<2048xi32, #tpu.memory_space<vmem>>, vector<16xi32>,
    %swap3A_1233 = vector.shape_cast %swap3A_1232 : vector<16xi32> to vector<16xi32>
    %swap3A_1234 = vector.shape_cast %add3A_1230 : vector<16xi32> to vector<16xi32>
    tpu.vector_store %arg8[%swap3A_1231], %swap3A_1234 {strides = array<i32>} : memref<2048xi32, #tpu.memory_space<vmem>>, vector<16xi32>,
    %get3A_1235 = arith.constant 1312 : index
    %get3A_1236 = tpu.vector_load %arg6[%get3A_1235] {strides = array<i32>} : memref<2048xi32, #tpu.memory_space<vmem>>, vector<16xi32>,
    %get3A_1237 = vector.shape_cast %get3A_1236 : vector<16xi32> to vector<16xi32>
    %mul3A_1238 = arith.constant 64 : i32
    %mul3A_1239 = vector.broadcast %mul3A_1238 : i32 to vector<16xi32>
    %mul3A_1240 = arith.muli %get3A_1237, %mul3A_1239 : vector<16xi32>
    %get3A_1241 = arith.constant 1312 : index
    %get3A_1242 = tpu.vector_load %arg7[%get3A_1241] {strides = array<i32>} : memref<2048xi32, #tpu.memory_space<vmem>>, vector<16xi32>,
    %get3A_1243 = vector.shape_cast %get3A_1242 : vector<16xi32> to vector<16xi32>
    %add3A_1244 = arith.addi %mul3A_1240, %get3A_1243 : vector<16xi32>
    %swap3A_1245 = arith.constant 1312 : index
    %swap3A_1246 = tpu.vector_load %arg8[%swap3A_1245] {strides = array<i32>} : memref<2048xi32, #tpu.memory_space<vmem>>, vector<16xi32>,
    %swap3A_1247 = vector.shape_cast %swap3A_1246 : vector<16xi32> to vector<16xi32>
    %swap3A_1248 = vector.shape_cast %add3A_1244 : vector<16xi32> to vector<16xi32>
    tpu.vector_store %arg8[%swap3A_1245], %swap3A_1248 {strides = array<i32>} : memref<2048xi32, #tpu.memory_space<vmem>>, vector<16xi32>,
    %get3A_1249 = arith.constant 1328 : index
    %get3A_1250 = tpu.vector_load %arg6[%get3A_1249] {strides = array<i32>} : memref<2048xi32, #tpu.memory_space<vmem>>, vector<16xi32>,
    %get3A_1251 = vector.shape_cast %get3A_1250 : vector<16xi32> to vector<16xi32>
    %mul3A_1252 = arith.constant 64 : i32
    %mul3A_1253 = vector.broadcast %mul3A_1252 : i32 to vector<16xi32>
    %mul3A_1254 = arith.muli %get3A_1251, %mul3A_1253 : vector<16xi32>
    %get3A_1255 = arith.constant 1328 : index
    %get3A_1256 = tpu.vector_load %arg7[%get3A_1255] {strides = array<i32>} : memref<2048xi32, #tpu.memory_space<vmem>>, vector<16xi32>,
    %get3A_1257 = vector.shape_cast %get3A_1256 : vector<16xi32> to vector<16xi32>
    %add3A_1258 = arith.addi %mul3A_1254, %get3A_1257 : vector<16xi32>
    %swap3A_1259 = arith.constant 1328 : index
    %swap3A_1260 = tpu.vector_load %arg8[%swap3A_1259] {strides = array<i32>} : memref<2048xi32, #tpu.memory_space<vmem>>, vector<16xi32>,
    %swap3A_1261 = vector.shape_cast %swap3A_1260 : vector<16xi32> to vector<16xi32>
    %swap3A_1262 = vector.shape_cast %add3A_1258 : vector<16xi32> to vector<16xi32>
    tpu.vector_store %arg8[%swap3A_1259], %swap3A_1262 {strides = array<i32>} : memref<2048xi32, #tpu.memory_space<vmem>>, vector<16xi32>,
    %get3A_1263 = arith.constant 1344 : index
    %get3A_1264 = tpu.vector_load %arg6[%get3A_1263] {strides = array<i32>} : memref<2048xi32, #tpu.memory_space<vmem>>, vector<16xi32>,
    %get3A_1265 = vector.shape_cast %get3A_1264 : vector<16xi32> to vector<16xi32>
    %mul3A_1266 = arith.constant 64 : i32
    %mul3A_1267 = vector.broadcast %mul3A_1266 : i32 to vector<16xi32>
    %mul3A_1268 = arith.muli %get3A_1265, %mul3A_1267 : vector<16xi32>
    %get3A_1269 = arith.constant 1344 : index
    %get3A_1270 = tpu.vector_load %arg7[%get3A_1269] {strides = array<i32>} : memref<2048xi32, #tpu.memory_space<vmem>>, vector<16xi32>,
    %get3A_1271 = vector.shape_cast %get3A_1270 : vector<16xi32> to vector<16xi32>
    %add3A_1272 = arith.addi %mul3A_1268, %get3A_1271 : vector<16xi32>
    %swap3A_1273 = arith.constant 1344 : index
    %swap3A_1274 = tpu.vector_load %arg8[%swap3A_1273] {strides = array<i32>} : memref<2048xi32, #tpu.memory_space<vmem>>, vector<16xi32>,
    %swap3A_1275 = vector.shape_cast %swap3A_1274 : vector<16xi32> to vector<16xi32>
    %swap3A_1276 = vector.shape_cast %add3A_1272 : vector<16xi32> to vector<16xi32>
    tpu.vector_store %arg8[%swap3A_1273], %swap3A_1276 {strides = array<i32>} : memref<2048xi32, #tpu.memory_space<vmem>>, vector<16xi32>,
    %get3A_1277 = arith.constant 1360 : index
    %get3A_1278 = tpu.vector_load %arg6[%get3A_1277] {strides = array<i32>} : memref<2048xi32, #tpu.memory_space<vmem>>, vector<16xi32>,
    %get3A_1279 = vector.shape_cast %get3A_1278 : vector<16xi32> to vector<16xi32>
    %mul3A_1280 = arith.constant 64 : i32
    %mul3A_1281 = vector.broadcast %mul3A_1280 : i32 to vector<16xi32>
    %mul3A_1282 = arith.muli %get3A_1279, %mul3A_1281 : vector<16xi32>
    %get3A_1283 = arith.constant 1360 : index
    %get3A_1284 = tpu.vector_load %arg7[%get3A_1283] {strides = array<i32>} : memref<2048xi32, #tpu.memory_space<vmem>>, vector<16xi32>,
    %get3A_1285 = vector.shape_cast %get3A_1284 : vector<16xi32> to vector<16xi32>
    %add3A_1286 = arith.addi %mul3A_1282, %get3A_1285 : vector<16xi32>
    %swap3A_1287 = arith.constant 1360 : index
    %swap3A_1288 = tpu.vector_load %arg8[%swap3A_1287] {strides = array<i32>} : memref<2048xi32, #tpu.memory_space<vmem>>, vector<16xi32>,
    %swap3A_1289 = vector.shape_cast %swap3A_1288 : vector<16xi32> to vector<16xi32>
    %swap3A_1290 = vector.shape_cast %add3A_1286 : vector<16xi32> to vector<16xi32>
    tpu.vector_store %arg8[%swap3A_1287], %swap3A_1290 {strides = array<i32>} : memref<2048xi32, #tpu.memory_space<vmem>>, vector<16xi32>,
    %get3A_1291 = arith.constant 1376 : index
    %get3A_1292 = tpu.vector_load %arg6[%get3A_1291] {strides = array<i32>} : memref<2048xi32, #tpu.memory_space<vmem>>, vector<16xi32>,
    %get3A_1293 = vector.shape_cast %get3A_1292 : vector<16xi32> to vector<16xi32>
    %mul3A_1294 = arith.constant 64 : i32
    %mul3A_1295 = vector.broadcast %mul3A_1294 : i32 to vector<16xi32>
    %mul3A_1296 = arith.muli %get3A_1293, %mul3A_1295 : vector<16xi32>
    %get3A_1297 = arith.constant 1376 : index
    %get3A_1298 = tpu.vector_load %arg7[%get3A_1297] {strides = array<i32>} : memref<2048xi32, #tpu.memory_space<vmem>>, vector<16xi32>,
    %get3A_1299 = vector.shape_cast %get3A_1298 : vector<16xi32> to vector<16xi32>
    %add3A_1300 = arith.addi %mul3A_1296, %get3A_1299 : vector<16xi32>
    %swap3A_1301 = arith.constant 1376 : index
    %swap3A_1302 = tpu.vector_load %arg8[%swap3A_1301] {strides = array<i32>} : memref<2048xi32, #tpu.memory_space<vmem>>, vector<16xi32>,
    %swap3A_1303 = vector.shape_cast %swap3A_1302 : vector<16xi32> to vector<16xi32>
    %swap3A_1304 = vector.shape_cast %add3A_1300 : vector<16xi32> to vector<16xi32>
    tpu.vector_store %arg8[%swap3A_1301], %swap3A_1304 {strides = array<i32>} : memref<2048xi32, #tpu.memory_space<vmem>>, vector<16xi32>,
    %get3A_1305 = arith.constant 1392 : index
    %get3A_1306 = tpu.vector_load %arg6[%get3A_1305] {strides = array<i32>} : memref<2048xi32, #tpu.memory_space<vmem>>, vector<16xi32>,
    %get3A_1307 = vector.shape_cast %get3A_1306 : vector<16xi32> to vector<16xi32>
    %mul3A_1308 = arith.constant 64 : i32
    %mul3A_1309 = vector.broadcast %mul3A_1308 : i32 to vector<16xi32>
    %mul3A_1310 = arith.muli %get3A_1307, %mul3A_1309 : vector<16xi32>
    %get3A_1311 = arith.constant 1392 : index
    %get3A_1312 = tpu.vector_load %arg7[%get3A_1311] {strides = array<i32>} : memref<2048xi32, #tpu.memory_space<vmem>>, vector<16xi32>,
    %get3A_1313 = vector.shape_cast %get3A_1312 : vector<16xi32> to vector<16xi32>
    %add3A_1314 = arith.addi %mul3A_1310, %get3A_1313 : vector<16xi32>
    %swap3A_1315 = arith.constant 1392 : index
    %swap3A_1316 = tpu.vector_load %arg8[%swap3A_1315] {strides = array<i32>} : memref<2048xi32, #tpu.memory_space<vmem>>, vector<16xi32>,
    %swap3A_1317 = vector.shape_cast %swap3A_1316 : vector<16xi32> to vector<16xi32>
    %swap3A_1318 = vector.shape_cast %add3A_1314 : vector<16xi32> to vector<16xi32>
    tpu.vector_store %arg8[%swap3A_1315], %swap3A_1318 {strides = array<i32>} : memref<2048xi32, #tpu.memory_space<vmem>>, vector<16xi32>,
    %dma_start3A_1319 = arith.constant 1280 : i32
    %dma_start3A_1320 = arith.constant 0 : i32
    %dma_start3A_1321 = tpu.memref_slice %arg9[%dma_start3A_1319, %dma_start3A_1320] : memref<2048x16xf32, #tpu.memory_space<vmem>> -> memref<128x16xf32, #tpu.memory_space<vmem>>
    %dma_start3A_1322 = arith.constant 1280 : i32
    %dma_start3A_1323 = tpu.memref_slice %arg8[%dma_start3A_1322] : memref<2048xi32, #tpu.memory_space<vmem>> -> memref<128xi32, #tpu.memory_space<vmem>>
    %dma_start3A_1324 = arith.constant 0 : i32
    %dma_start3A_1325 = arith.constant 0 : i32
    %dma_start3A_1326 = tpu.memref_slice %arg2[%dma_start3A_1324, %dma_start3A_1325] : memref<640x16xf32, #tpu.memory_space<hbm>> -> memref<640x16xf32, #tpu.memory_space<hbm>>
    tpu.enqueue_indirect_dma source(%dma_start3A_1326 : memref<640x16xf32, #tpu.memory_space<hbm>>) target(%dma_start3A_1321 : memref<128x16xf32, #tpu.memory_space<vmem>>) offsets(%dma_start3A_1323 : memref<128xi32, #tpu.memory_space<vmem>>) semaphore(%arg10 : memref<!tpu.dma_semaphore, #tpu.memory_space<semaphore_mem>>)
    %get3A_1327 = arith.constant 1408 : index
    %get3A_1328 = tpu.vector_load %arg6[%get3A_1327] {strides = array<i32>} : memref<2048xi32, #tpu.memory_space<vmem>>, vector<16xi32>,
    %get3A_1329 = vector.shape_cast %get3A_1328 : vector<16xi32> to vector<16xi32>
    %mul3A_1330 = arith.constant 64 : i32
    %mul3A_1331 = vector.broadcast %mul3A_1330 : i32 to vector<16xi32>
    %mul3A_1332 = arith.muli %get3A_1329, %mul3A_1331 : vector<16xi32>
    %get3A_1333 = arith.constant 1408 : index
    %get3A_1334 = tpu.vector_load %arg7[%get3A_1333] {strides = array<i32>} : memref<2048xi32, #tpu.memory_space<vmem>>, vector<16xi32>,
    %get3A_1335 = vector.shape_cast %get3A_1334 : vector<16xi32> to vector<16xi32>
    %add3A_1336 = arith.addi %mul3A_1332, %get3A_1335 : vector<16xi32>
    %swap3A_1337 = arith.constant 1408 : index
    %swap3A_1338 = tpu.vector_load %arg8[%swap3A_1337] {strides = array<i32>} : memref<2048xi32, #tpu.memory_space<vmem>>, vector<16xi32>,
    %swap3A_1339 = vector.shape_cast %swap3A_1338 : vector<16xi32> to vector<16xi32>
    %swap3A_1340 = vector.shape_cast %add3A_1336 : vector<16xi32> to vector<16xi32>
    tpu.vector_store %arg8[%swap3A_1337], %swap3A_1340 {strides = array<i32>} : memref<2048xi32, #tpu.memory_space<vmem>>, vector<16xi32>,
    %get3A_1341 = arith.constant 1424 : index
    %get3A_1342 = tpu.vector_load %arg6[%get3A_1341] {strides = array<i32>} : memref<2048xi32, #tpu.memory_space<vmem>>, vector<16xi32>,
    %get3A_1343 = vector.shape_cast %get3A_1342 : vector<16xi32> to vector<16xi32>
    %mul3A_1344 = arith.constant 64 : i32
    %mul3A_1345 = vector.broadcast %mul3A_1344 : i32 to vector<16xi32>
    %mul3A_1346 = arith.muli %get3A_1343, %mul3A_1345 : vector<16xi32>
    %get3A_1347 = arith.constant 1424 : index
    %get3A_1348 = tpu.vector_load %arg7[%get3A_1347] {strides = array<i32>} : memref<2048xi32, #tpu.memory_space<vmem>>, vector<16xi32>,
    %get3A_1349 = vector.shape_cast %get3A_1348 : vector<16xi32> to vector<16xi32>
    %add3A_1350 = arith.addi %mul3A_1346, %get3A_1349 : vector<16xi32>
    %swap3A_1351 = arith.constant 1424 : index
    %swap3A_1352 = tpu.vector_load %arg8[%swap3A_1351] {strides = array<i32>} : memref<2048xi32, #tpu.memory_space<vmem>>, vector<16xi32>,
    %swap3A_1353 = vector.shape_cast %swap3A_1352 : vector<16xi32> to vector<16xi32>
    %swap3A_1354 = vector.shape_cast %add3A_1350 : vector<16xi32> to vector<16xi32>
    tpu.vector_store %arg8[%swap3A_1351], %swap3A_1354 {strides = array<i32>} : memref<2048xi32, #tpu.memory_space<vmem>>, vector<16xi32>,
    %get3A_1355 = arith.constant 1440 : index
    %get3A_1356 = tpu.vector_load %arg6[%get3A_1355] {strides = array<i32>} : memref<2048xi32, #tpu.memory_space<vmem>>, vector<16xi32>,
    %get3A_1357 = vector.shape_cast %get3A_1356 : vector<16xi32> to vector<16xi32>
    %mul3A_1358 = arith.constant 64 : i32
    %mul3A_1359 = vector.broadcast %mul3A_1358 : i32 to vector<16xi32>
    %mul3A_1360 = arith.muli %get3A_1357, %mul3A_1359 : vector<16xi32>
    %get3A_1361 = arith.constant 1440 : index
    %get3A_1362 = tpu.vector_load %arg7[%get3A_1361] {strides = array<i32>} : memref<2048xi32, #tpu.memory_space<vmem>>, vector<16xi32>,
    %get3A_1363 = vector.shape_cast %get3A_1362 : vector<16xi32> to vector<16xi32>
    %add3A_1364 = arith.addi %mul3A_1360, %get3A_1363 : vector<16xi32>
    %swap3A_1365 = arith.constant 1440 : index
    %swap3A_1366 = tpu.vector_load %arg8[%swap3A_1365] {strides = array<i32>} : memref<2048xi32, #tpu.memory_space<vmem>>, vector<16xi32>,
    %swap3A_1367 = vector.shape_cast %swap3A_1366 : vector<16xi32> to vector<16xi32>
    %swap3A_1368 = vector.shape_cast %add3A_1364 : vector<16xi32> to vector<16xi32>
    tpu.vector_store %arg8[%swap3A_1365], %swap3A_1368 {strides = array<i32>} : memref<2048xi32, #tpu.memory_space<vmem>>, vector<16xi32>,
    %get3A_1369 = arith.constant 1456 : index
    %get3A_1370 = tpu.vector_load %arg6[%get3A_1369] {strides = array<i32>} : memref<2048xi32, #tpu.memory_space<vmem>>, vector<16xi32>,
    %get3A_1371 = vector.shape_cast %get3A_1370 : vector<16xi32> to vector<16xi32>
    %mul3A_1372 = arith.constant 64 : i32
    %mul3A_1373 = vector.broadcast %mul3A_1372 : i32 to vector<16xi32>
    %mul3A_1374 = arith.muli %get3A_1371, %mul3A_1373 : vector<16xi32>
    %get3A_1375 = arith.constant 1456 : index
    %get3A_1376 = tpu.vector_load %arg7[%get3A_1375] {strides = array<i32>} : memref<2048xi32, #tpu.memory_space<vmem>>, vector<16xi32>,
    %get3A_1377 = vector.shape_cast %get3A_1376 : vector<16xi32> to vector<16xi32>
    %add3A_1378 = arith.addi %mul3A_1374, %get3A_1377 : vector<16xi32>
    %swap3A_1379 = arith.constant 1456 : index
    %swap3A_1380 = tpu.vector_load %arg8[%swap3A_1379] {strides = array<i32>} : memref<2048xi32, #tpu.memory_space<vmem>>, vector<16xi32>,
    %swap3A_1381 = vector.shape_cast %swap3A_1380 : vector<16xi32> to vector<16xi32>
    %swap3A_1382 = vector.shape_cast %add3A_1378 : vector<16xi32> to vector<16xi32>
    tpu.vector_store %arg8[%swap3A_1379], %swap3A_1382 {strides = array<i32>} : memref<2048xi32, #tpu.memory_space<vmem>>, vector<16xi32>,
    %get3A_1383 = arith.constant 1472 : index
    %get3A_1384 = tpu.vector_load %arg6[%get3A_1383] {strides = array<i32>} : memref<2048xi32, #tpu.memory_space<vmem>>, vector<16xi32>,
    %get3A_1385 = vector.shape_cast %get3A_1384 : vector<16xi32> to vector<16xi32>
    %mul3A_1386 = arith.constant 64 : i32
    %mul3A_1387 = vector.broadcast %mul3A_1386 : i32 to vector<16xi32>
    %mul3A_1388 = arith.muli %get3A_1385, %mul3A_1387 : vector<16xi32>
    %get3A_1389 = arith.constant 1472 : index
    %get3A_1390 = tpu.vector_load %arg7[%get3A_1389] {strides = array<i32>} : memref<2048xi32, #tpu.memory_space<vmem>>, vector<16xi32>,
    %get3A_1391 = vector.shape_cast %get3A_1390 : vector<16xi32> to vector<16xi32>
    %add3A_1392 = arith.addi %mul3A_1388, %get3A_1391 : vector<16xi32>
    %swap3A_1393 = arith.constant 1472 : index
    %swap3A_1394 = tpu.vector_load %arg8[%swap3A_1393] {strides = array<i32>} : memref<2048xi32, #tpu.memory_space<vmem>>, vector<16xi32>,
    %swap3A_1395 = vector.shape_cast %swap3A_1394 : vector<16xi32> to vector<16xi32>
    %swap3A_1396 = vector.shape_cast %add3A_1392 : vector<16xi32> to vector<16xi32>
    tpu.vector_store %arg8[%swap3A_1393], %swap3A_1396 {strides = array<i32>} : memref<2048xi32, #tpu.memory_space<vmem>>, vector<16xi32>,
    %get3A_1397 = arith.constant 1488 : index
    %get3A_1398 = tpu.vector_load %arg6[%get3A_1397] {strides = array<i32>} : memref<2048xi32, #tpu.memory_space<vmem>>, vector<16xi32>,
    %get3A_1399 = vector.shape_cast %get3A_1398 : vector<16xi32> to vector<16xi32>
    %mul3A_1400 = arith.constant 64 : i32
    %mul3A_1401 = vector.broadcast %mul3A_1400 : i32 to vector<16xi32>
    %mul3A_1402 = arith.muli %get3A_1399, %mul3A_1401 : vector<16xi32>
    %get3A_1403 = arith.constant 1488 : index
    %get3A_1404 = tpu.vector_load %arg7[%get3A_1403] {strides = array<i32>} : memref<2048xi32, #tpu.memory_space<vmem>>, vector<16xi32>,
    %get3A_1405 = vector.shape_cast %get3A_1404 : vector<16xi32> to vector<16xi32>
    %add3A_1406 = arith.addi %mul3A_1402, %get3A_1405 : vector<16xi32>
    %swap3A_1407 = arith.constant 1488 : index
    %swap3A_1408 = tpu.vector_load %arg8[%swap3A_1407] {strides = array<i32>} : memref<2048xi32, #tpu.memory_space<vmem>>, vector<16xi32>,
    %swap3A_1409 = vector.shape_cast %swap3A_1408 : vector<16xi32> to vector<16xi32>
    %swap3A_1410 = vector.shape_cast %add3A_1406 : vector<16xi32> to vector<16xi32>
    tpu.vector_store %arg8[%swap3A_1407], %swap3A_1410 {strides = array<i32>} : memref<2048xi32, #tpu.memory_space<vmem>>, vector<16xi32>,
    %get3A_1411 = arith.constant 1504 : index
    %get3A_1412 = tpu.vector_load %arg6[%get3A_1411] {strides = array<i32>} : memref<2048xi32, #tpu.memory_space<vmem>>, vector<16xi32>,
    %get3A_1413 = vector.shape_cast %get3A_1412 : vector<16xi32> to vector<16xi32>
    %mul3A_1414 = arith.constant 64 : i32
    %mul3A_1415 = vector.broadcast %mul3A_1414 : i32 to vector<16xi32>
    %mul3A_1416 = arith.muli %get3A_1413, %mul3A_1415 : vector<16xi32>
    %get3A_1417 = arith.constant 1504 : index
    %get3A_1418 = tpu.vector_load %arg7[%get3A_1417] {strides = array<i32>} : memref<2048xi32, #tpu.memory_space<vmem>>, vector<16xi32>,
    %get3A_1419 = vector.shape_cast %get3A_1418 : vector<16xi32> to vector<16xi32>
    %add3A_1420 = arith.addi %mul3A_1416, %get3A_1419 : vector<16xi32>
    %swap3A_1421 = arith.constant 1504 : index
    %swap3A_1422 = tpu.vector_load %arg8[%swap3A_1421] {strides = array<i32>} : memref<2048xi32, #tpu.memory_space<vmem>>, vector<16xi32>,
    %swap3A_1423 = vector.shape_cast %swap3A_1422 : vector<16xi32> to vector<16xi32>
    %swap3A_1424 = vector.shape_cast %add3A_1420 : vector<16xi32> to vector<16xi32>
    tpu.vector_store %arg8[%swap3A_1421], %swap3A_1424 {strides = array<i32>} : memref<2048xi32, #tpu.memory_space<vmem>>, vector<16xi32>,
    %get3A_1425 = arith.constant 1520 : index
    %get3A_1426 = tpu.vector_load %arg6[%get3A_1425] {strides = array<i32>} : memref<2048xi32, #tpu.memory_space<vmem>>, vector<16xi32>,
    %get3A_1427 = vector.shape_cast %get3A_1426 : vector<16xi32> to vector<16xi32>
    %mul3A_1428 = arith.constant 64 : i32
    %mul3A_1429 = vector.broadcast %mul3A_1428 : i32 to vector<16xi32>
    %mul3A_1430 = arith.muli %get3A_1427, %mul3A_1429 : vector<16xi32>
    %get3A_1431 = arith.constant 1520 : index
    %get3A_1432 = tpu.vector_load %arg7[%get3A_1431] {strides = array<i32>} : memref<2048xi32, #tpu.memory_space<vmem>>, vector<16xi32>,
    %get3A_1433 = vector.shape_cast %get3A_1432 : vector<16xi32> to vector<16xi32>
    %add3A_1434 = arith.addi %mul3A_1430, %get3A_1433 : vector<16xi32>
    %swap3A_1435 = arith.constant 1520 : index
    %swap3A_1436 = tpu.vector_load %arg8[%swap3A_1435] {strides = array<i32>} : memref<2048xi32, #tpu.memory_space<vmem>>, vector<16xi32>,
    %swap3A_1437 = vector.shape_cast %swap3A_1436 : vector<16xi32> to vector<16xi32>
    %swap3A_1438 = vector.shape_cast %add3A_1434 : vector<16xi32> to vector<16xi32>
    tpu.vector_store %arg8[%swap3A_1435], %swap3A_1438 {strides = array<i32>} : memref<2048xi32, #tpu.memory_space<vmem>>, vector<16xi32>,
    %dma_start3A_1439 = arith.constant 1408 : i32
    %dma_start3A_1440 = arith.constant 0 : i32
    %dma_start3A_1441 = tpu.memref_slice %arg9[%dma_start3A_1439, %dma_start3A_1440] : memref<2048x16xf32, #tpu.memory_space<vmem>> -> memref<128x16xf32, #tpu.memory_space<vmem>>
    %dma_start3A_1442 = arith.constant 1408 : i32
    %dma_start3A_1443 = tpu.memref_slice %arg8[%dma_start3A_1442] : memref<2048xi32, #tpu.memory_space<vmem>> -> memref<128xi32, #tpu.memory_space<vmem>>
    %dma_start3A_1444 = arith.constant 0 : i32
    %dma_start3A_1445 = arith.constant 0 : i32
    %dma_start3A_1446 = tpu.memref_slice %arg2[%dma_start3A_1444, %dma_start3A_1445] : memref<640x16xf32, #tpu.memory_space<hbm>> -> memref<640x16xf32, #tpu.memory_space<hbm>>
    tpu.enqueue_indirect_dma source(%dma_start3A_1446 : memref<640x16xf32, #tpu.memory_space<hbm>>) target(%dma_start3A_1441 : memref<128x16xf32, #tpu.memory_space<vmem>>) offsets(%dma_start3A_1443 : memref<128xi32, #tpu.memory_space<vmem>>) semaphore(%arg10 : memref<!tpu.dma_semaphore, #tpu.memory_space<semaphore_mem>>)
    %get3A_1447 = arith.constant 1536 : index
    %get3A_1448 = tpu.vector_load %arg6[%get3A_1447] {strides = array<i32>} : memref<2048xi32, #tpu.memory_space<vmem>>, vector<16xi32>,
    %get3A_1449 = vector.shape_cast %get3A_1448 : vector<16xi32> to vector<16xi32>
    %mul3A_1450 = arith.constant 64 : i32
    %mul3A_1451 = vector.broadcast %mul3A_1450 : i32 to vector<16xi32>
    %mul3A_1452 = arith.muli %get3A_1449, %mul3A_1451 : vector<16xi32>
    %get3A_1453 = arith.constant 1536 : index
    %get3A_1454 = tpu.vector_load %arg7[%get3A_1453] {strides = array<i32>} : memref<2048xi32, #tpu.memory_space<vmem>>, vector<16xi32>,
    %get3A_1455 = vector.shape_cast %get3A_1454 : vector<16xi32> to vector<16xi32>
    %add3A_1456 = arith.addi %mul3A_1452, %get3A_1455 : vector<16xi32>
    %swap3A_1457 = arith.constant 1536 : index
    %swap3A_1458 = tpu.vector_load %arg8[%swap3A_1457] {strides = array<i32>} : memref<2048xi32, #tpu.memory_space<vmem>>, vector<16xi32>,
    %swap3A_1459 = vector.shape_cast %swap3A_1458 : vector<16xi32> to vector<16xi32>
    %swap3A_1460 = vector.shape_cast %add3A_1456 : vector<16xi32> to vector<16xi32>
    tpu.vector_store %arg8[%swap3A_1457], %swap3A_1460 {strides = array<i32>} : memref<2048xi32, #tpu.memory_space<vmem>>, vector<16xi32>,
    %get3A_1461 = arith.constant 1552 : index
    %get3A_1462 = tpu.vector_load %arg6[%get3A_1461] {strides = array<i32>} : memref<2048xi32, #tpu.memory_space<vmem>>, vector<16xi32>,
    %get3A_1463 = vector.shape_cast %get3A_1462 : vector<16xi32> to vector<16xi32>
    %mul3A_1464 = arith.constant 64 : i32
    %mul3A_1465 = vector.broadcast %mul3A_1464 : i32 to vector<16xi32>
    %mul3A_1466 = arith.muli %get3A_1463, %mul3A_1465 : vector<16xi32>
    %get3A_1467 = arith.constant 1552 : index
    %get3A_1468 = tpu.vector_load %arg7[%get3A_1467] {strides = array<i32>} : memref<2048xi32, #tpu.memory_space<vmem>>, vector<16xi32>,
    %get3A_1469 = vector.shape_cast %get3A_1468 : vector<16xi32> to vector<16xi32>
    %add3A_1470 = arith.addi %mul3A_1466, %get3A_1469 : vector<16xi32>
    %swap3A_1471 = arith.constant 1552 : index
    %swap3A_1472 = tpu.vector_load %arg8[%swap3A_1471] {strides = array<i32>} : memref<2048xi32, #tpu.memory_space<vmem>>, vector<16xi32>,
    %swap3A_1473 = vector.shape_cast %swap3A_1472 : vector<16xi32> to vector<16xi32>
    %swap3A_1474 = vector.shape_cast %add3A_1470 : vector<16xi32> to vector<16xi32>
    tpu.vector_store %arg8[%swap3A_1471], %swap3A_1474 {strides = array<i32>} : memref<2048xi32, #tpu.memory_space<vmem>>, vector<16xi32>,
    %get3A_1475 = arith.constant 1568 : index
    %get3A_1476 = tpu.vector_load %arg6[%get3A_1475] {strides = array<i32>} : memref<2048xi32, #tpu.memory_space<vmem>>, vector<16xi32>,
    %get3A_1477 = vector.shape_cast %get3A_1476 : vector<16xi32> to vector<16xi32>
    %mul3A_1478 = arith.constant 64 : i32
    %mul3A_1479 = vector.broadcast %mul3A_1478 : i32 to vector<16xi32>
    %mul3A_1480 = arith.muli %get3A_1477, %mul3A_1479 : vector<16xi32>
    %get3A_1481 = arith.constant 1568 : index
    %get3A_1482 = tpu.vector_load %arg7[%get3A_1481] {strides = array<i32>} : memref<2048xi32, #tpu.memory_space<vmem>>, vector<16xi32>,
    %get3A_1483 = vector.shape_cast %get3A_1482 : vector<16xi32> to vector<16xi32>
    %add3A_1484 = arith.addi %mul3A_1480, %get3A_1483 : vector<16xi32>
    %swap3A_1485 = arith.constant 1568 : index
    %swap3A_1486 = tpu.vector_load %arg8[%swap3A_1485] {strides = array<i32>} : memref<2048xi32, #tpu.memory_space<vmem>>, vector<16xi32>,
    %swap3A_1487 = vector.shape_cast %swap3A_1486 : vector<16xi32> to vector<16xi32>
    %swap3A_1488 = vector.shape_cast %add3A_1484 : vector<16xi32> to vector<16xi32>
    tpu.vector_store %arg8[%swap3A_1485], %swap3A_1488 {strides = array<i32>} : memref<2048xi32, #tpu.memory_space<vmem>>, vector<16xi32>,
    %get3A_1489 = arith.constant 1584 : index
    %get3A_1490 = tpu.vector_load %arg6[%get3A_1489] {strides = array<i32>} : memref<2048xi32, #tpu.memory_space<vmem>>, vector<16xi32>,
    %get3A_1491 = vector.shape_cast %get3A_1490 : vector<16xi32> to vector<16xi32>
    %mul3A_1492 = arith.constant 64 : i32
    %mul3A_1493 = vector.broadcast %mul3A_1492 : i32 to vector<16xi32>
    %mul3A_1494 = arith.muli %get3A_1491, %mul3A_1493 : vector<16xi32>
    %get3A_1495 = arith.constant 1584 : index
    %get3A_1496 = tpu.vector_load %arg7[%get3A_1495] {strides = array<i32>} : memref<2048xi32, #tpu.memory_space<vmem>>, vector<16xi32>,
    %get3A_1497 = vector.shape_cast %get3A_1496 : vector<16xi32> to vector<16xi32>
    %add3A_1498 = arith.addi %mul3A_1494, %get3A_1497 : vector<16xi32>
    %swap3A_1499 = arith.constant 1584 : index
    %swap3A_1500 = tpu.vector_load %arg8[%swap3A_1499] {strides = array<i32>} : memref<2048xi32, #tpu.memory_space<vmem>>, vector<16xi32>,
    %swap3A_1501 = vector.shape_cast %swap3A_1500 : vector<16xi32> to vector<16xi32>
    %swap3A_1502 = vector.shape_cast %add3A_1498 : vector<16xi32> to vector<16xi32>
    tpu.vector_store %arg8[%swap3A_1499], %swap3A_1502 {strides = array<i32>} : memref<2048xi32, #tpu.memory_space<vmem>>, vector<16xi32>,
    %get3A_1503 = arith.constant 1600 : index
    %get3A_1504 = tpu.vector_load %arg6[%get3A_1503] {strides = array<i32>} : memref<2048xi32, #tpu.memory_space<vmem>>, vector<16xi32>,
    %get3A_1505 = vector.shape_cast %get3A_1504 : vector<16xi32> to vector<16xi32>
    %mul3A_1506 = arith.constant 64 : i32
    %mul3A_1507 = vector.broadcast %mul3A_1506 : i32 to vector<16xi32>
    %mul3A_1508 = arith.muli %get3A_1505, %mul3A_1507 : vector<16xi32>
    %get3A_1509 = arith.constant 1600 : index
    %get3A_1510 = tpu.vector_load %arg7[%get3A_1509] {strides = array<i32>} : memref<2048xi32, #tpu.memory_space<vmem>>, vector<16xi32>,
    %get3A_1511 = vector.shape_cast %get3A_1510 : vector<16xi32> to vector<16xi32>
    %add3A_1512 = arith.addi %mul3A_1508, %get3A_1511 : vector<16xi32>
    %swap3A_1513 = arith.constant 1600 : index
    %swap3A_1514 = tpu.vector_load %arg8[%swap3A_1513] {strides = array<i32>} : memref<2048xi32, #tpu.memory_space<vmem>>, vector<16xi32>,
    %swap3A_1515 = vector.shape_cast %swap3A_1514 : vector<16xi32> to vector<16xi32>
    %swap3A_1516 = vector.shape_cast %add3A_1512 : vector<16xi32> to vector<16xi32>
    tpu.vector_store %arg8[%swap3A_1513], %swap3A_1516 {strides = array<i32>} : memref<2048xi32, #tpu.memory_space<vmem>>, vector<16xi32>,
    %get3A_1517 = arith.constant 1616 : index
    %get3A_1518 = tpu.vector_load %arg6[%get3A_1517] {strides = array<i32>} : memref<2048xi32, #tpu.memory_space<vmem>>, vector<16xi32>,
    %get3A_1519 = vector.shape_cast %get3A_1518 : vector<16xi32> to vector<16xi32>
    %mul3A_1520 = arith.constant 64 : i32
    %mul3A_1521 = vector.broadcast %mul3A_1520 : i32 to vector<16xi32>
    %mul3A_1522 = arith.muli %get3A_1519, %mul3A_1521 : vector<16xi32>
    %get3A_1523 = arith.constant 1616 : index
    %get3A_1524 = tpu.vector_load %arg7[%get3A_1523] {strides = array<i32>} : memref<2048xi32, #tpu.memory_space<vmem>>, vector<16xi32>,
    %get3A_1525 = vector.shape_cast %get3A_1524 : vector<16xi32> to vector<16xi32>
    %add3A_1526 = arith.addi %mul3A_1522, %get3A_1525 : vector<16xi32>
    %swap3A_1527 = arith.constant 1616 : index
    %swap3A_1528 = tpu.vector_load %arg8[%swap3A_1527] {strides = array<i32>} : memref<2048xi32, #tpu.memory_space<vmem>>, vector<16xi32>,
    %swap3A_1529 = vector.shape_cast %swap3A_1528 : vector<16xi32> to vector<16xi32>
    %swap3A_1530 = vector.shape_cast %add3A_1526 : vector<16xi32> to vector<16xi32>
    tpu.vector_store %arg8[%swap3A_1527], %swap3A_1530 {strides = array<i32>} : memref<2048xi32, #tpu.memory_space<vmem>>, vector<16xi32>,
    %get3A_1531 = arith.constant 1632 : index
    %get3A_1532 = tpu.vector_load %arg6[%get3A_1531] {strides = array<i32>} : memref<2048xi32, #tpu.memory_space<vmem>>, vector<16xi32>,
    %get3A_1533 = vector.shape_cast %get3A_1532 : vector<16xi32> to vector<16xi32>
    %mul3A_1534 = arith.constant 64 : i32
    %mul3A_1535 = vector.broadcast %mul3A_1534 : i32 to vector<16xi32>
    %mul3A_1536 = arith.muli %get3A_1533, %mul3A_1535 : vector<16xi32>
    %get3A_1537 = arith.constant 1632 : index
    %get3A_1538 = tpu.vector_load %arg7[%get3A_1537] {strides = array<i32>} : memref<2048xi32, #tpu.memory_space<vmem>>, vector<16xi32>,
    %get3A_1539 = vector.shape_cast %get3A_1538 : vector<16xi32> to vector<16xi32>
    %add3A_1540 = arith.addi %mul3A_1536, %get3A_1539 : vector<16xi32>
    %swap3A_1541 = arith.constant 1632 : index
    %swap3A_1542 = tpu.vector_load %arg8[%swap3A_1541] {strides = array<i32>} : memref<2048xi32, #tpu.memory_space<vmem>>, vector<16xi32>,
    %swap3A_1543 = vector.shape_cast %swap3A_1542 : vector<16xi32> to vector<16xi32>
    %swap3A_1544 = vector.shape_cast %add3A_1540 : vector<16xi32> to vector<16xi32>
    tpu.vector_store %arg8[%swap3A_1541], %swap3A_1544 {strides = array<i32>} : memref<2048xi32, #tpu.memory_space<vmem>>, vector<16xi32>,
    %get3A_1545 = arith.constant 1648 : index
    %get3A_1546 = tpu.vector_load %arg6[%get3A_1545] {strides = array<i32>} : memref<2048xi32, #tpu.memory_space<vmem>>, vector<16xi32>,
    %get3A_1547 = vector.shape_cast %get3A_1546 : vector<16xi32> to vector<16xi32>
    %mul3A_1548 = arith.constant 64 : i32
    %mul3A_1549 = vector.broadcast %mul3A_1548 : i32 to vector<16xi32>
    %mul3A_1550 = arith.muli %get3A_1547, %mul3A_1549 : vector<16xi32>
    %get3A_1551 = arith.constant 1648 : index
    %get3A_1552 = tpu.vector_load %arg7[%get3A_1551] {strides = array<i32>} : memref<2048xi32, #tpu.memory_space<vmem>>, vector<16xi32>,
    %get3A_1553 = vector.shape_cast %get3A_1552 : vector<16xi32> to vector<16xi32>
    %add3A_1554 = arith.addi %mul3A_1550, %get3A_1553 : vector<16xi32>
    %swap3A_1555 = arith.constant 1648 : index
    %swap3A_1556 = tpu.vector_load %arg8[%swap3A_1555] {strides = array<i32>} : memref<2048xi32, #tpu.memory_space<vmem>>, vector<16xi32>,
    %swap3A_1557 = vector.shape_cast %swap3A_1556 : vector<16xi32> to vector<16xi32>
    %swap3A_1558 = vector.shape_cast %add3A_1554 : vector<16xi32> to vector<16xi32>
    tpu.vector_store %arg8[%swap3A_1555], %swap3A_1558 {strides = array<i32>} : memref<2048xi32, #tpu.memory_space<vmem>>, vector<16xi32>,
    %dma_start3A_1559 = arith.constant 1536 : i32
    %dma_start3A_1560 = arith.constant 0 : i32
    %dma_start3A_1561 = tpu.memref_slice %arg9[%dma_start3A_1559, %dma_start3A_1560] : memref<2048x16xf32, #tpu.memory_space<vmem>> -> memref<128x16xf32, #tpu.memory_space<vmem>>
    %dma_start3A_1562 = arith.constant 1536 : i32
    %dma_start3A_1563 = tpu.memref_slice %arg8[%dma_start3A_1562] : memref<2048xi32, #tpu.memory_space<vmem>> -> memref<128xi32, #tpu.memory_space<vmem>>
    %dma_start3A_1564 = arith.constant 0 : i32
    %dma_start3A_1565 = arith.constant 0 : i32
    %dma_start3A_1566 = tpu.memref_slice %arg2[%dma_start3A_1564, %dma_start3A_1565] : memref<640x16xf32, #tpu.memory_space<hbm>> -> memref<640x16xf32, #tpu.memory_space<hbm>>
    tpu.enqueue_indirect_dma source(%dma_start3A_1566 : memref<640x16xf32, #tpu.memory_space<hbm>>) target(%dma_start3A_1561 : memref<128x16xf32, #tpu.memory_space<vmem>>) offsets(%dma_start3A_1563 : memref<128xi32, #tpu.memory_space<vmem>>) semaphore(%arg10 : memref<!tpu.dma_semaphore, #tpu.memory_space<semaphore_mem>>)
    %get3A_1567 = arith.constant 1664 : index
    %get3A_1568 = tpu.vector_load %arg6[%get3A_1567] {strides = array<i32>} : memref<2048xi32, #tpu.memory_space<vmem>>, vector<16xi32>,
    %get3A_1569 = vector.shape_cast %get3A_1568 : vector<16xi32> to vector<16xi32>
    %mul3A_1570 = arith.constant 64 : i32
    %mul3A_1571 = vector.broadcast %mul3A_1570 : i32 to vector<16xi32>
    %mul3A_1572 = arith.muli %get3A_1569, %mul3A_1571 : vector<16xi32>
    %get3A_1573 = arith.constant 1664 : index
    %get3A_1574 = tpu.vector_load %arg7[%get3A_1573] {strides = array<i32>} : memref<2048xi32, #tpu.memory_space<vmem>>, vector<16xi32>,
    %get3A_1575 = vector.shape_cast %get3A_1574 : vector<16xi32> to vector<16xi32>
    %add3A_1576 = arith.addi %mul3A_1572, %get3A_1575 : vector<16xi32>
    %swap3A_1577 = arith.constant 1664 : index
    %swap3A_1578 = tpu.vector_load %arg8[%swap3A_1577] {strides = array<i32>} : memref<2048xi32, #tpu.memory_space<vmem>>, vector<16xi32>,
    %swap3A_1579 = vector.shape_cast %swap3A_1578 : vector<16xi32> to vector<16xi32>
    %swap3A_1580 = vector.shape_cast %add3A_1576 : vector<16xi32> to vector<16xi32>
    tpu.vector_store %arg8[%swap3A_1577], %swap3A_1580 {strides = array<i32>} : memref<2048xi32, #tpu.memory_space<vmem>>, vector<16xi32>,
    %get3A_1581 = arith.constant 1680 : index
    %get3A_1582 = tpu.vector_load %arg6[%get3A_1581] {strides = array<i32>} : memref<2048xi32, #tpu.memory_space<vmem>>, vector<16xi32>,
    %get3A_1583 = vector.shape_cast %get3A_1582 : vector<16xi32> to vector<16xi32>
    %mul3A_1584 = arith.constant 64 : i32
    %mul3A_1585 = vector.broadcast %mul3A_1584 : i32 to vector<16xi32>
    %mul3A_1586 = arith.muli %get3A_1583, %mul3A_1585 : vector<16xi32>
    %get3A_1587 = arith.constant 1680 : index
    %get3A_1588 = tpu.vector_load %arg7[%get3A_1587] {strides = array<i32>} : memref<2048xi32, #tpu.memory_space<vmem>>, vector<16xi32>,
    %get3A_1589 = vector.shape_cast %get3A_1588 : vector<16xi32> to vector<16xi32>
    %add3A_1590 = arith.addi %mul3A_1586, %get3A_1589 : vector<16xi32>
    %swap3A_1591 = arith.constant 1680 : index
    %swap3A_1592 = tpu.vector_load %arg8[%swap3A_1591] {strides = array<i32>} : memref<2048xi32, #tpu.memory_space<vmem>>, vector<16xi32>,
    %swap3A_1593 = vector.shape_cast %swap3A_1592 : vector<16xi32> to vector<16xi32>
    %swap3A_1594 = vector.shape_cast %add3A_1590 : vector<16xi32> to vector<16xi32>
    tpu.vector_store %arg8[%swap3A_1591], %swap3A_1594 {strides = array<i32>} : memref<2048xi32, #tpu.memory_space<vmem>>, vector<16xi32>,
    %get3A_1595 = arith.constant 1696 : index
    %get3A_1596 = tpu.vector_load %arg6[%get3A_1595] {strides = array<i32>} : memref<2048xi32, #tpu.memory_space<vmem>>, vector<16xi32>,
    %get3A_1597 = vector.shape_cast %get3A_1596 : vector<16xi32> to vector<16xi32>
    %mul3A_1598 = arith.constant 64 : i32
    %mul3A_1599 = vector.broadcast %mul3A_1598 : i32 to vector<16xi32>
    %mul3A_1600 = arith.muli %get3A_1597, %mul3A_1599 : vector<16xi32>
    %get3A_1601 = arith.constant 1696 : index
    %get3A_1602 = tpu.vector_load %arg7[%get3A_1601] {strides = array<i32>} : memref<2048xi32, #tpu.memory_space<vmem>>, vector<16xi32>,
    %get3A_1603 = vector.shape_cast %get3A_1602 : vector<16xi32> to vector<16xi32>
    %add3A_1604 = arith.addi %mul3A_1600, %get3A_1603 : vector<16xi32>
    %swap3A_1605 = arith.constant 1696 : index
    %swap3A_1606 = tpu.vector_load %arg8[%swap3A_1605] {strides = array<i32>} : memref<2048xi32, #tpu.memory_space<vmem>>, vector<16xi32>,
    %swap3A_1607 = vector.shape_cast %swap3A_1606 : vector<16xi32> to vector<16xi32>
    %swap3A_1608 = vector.shape_cast %add3A_1604 : vector<16xi32> to vector<16xi32>
    tpu.vector_store %arg8[%swap3A_1605], %swap3A_1608 {strides = array<i32>} : memref<2048xi32, #tpu.memory_space<vmem>>, vector<16xi32>,
    %get3A_1609 = arith.constant 1712 : index
    %get3A_1610 = tpu.vector_load %arg6[%get3A_1609] {strides = array<i32>} : memref<2048xi32, #tpu.memory_space<vmem>>, vector<16xi32>,
    %get3A_1611 = vector.shape_cast %get3A_1610 : vector<16xi32> to vector<16xi32>
    %mul3A_1612 = arith.constant 64 : i32
    %mul3A_1613 = vector.broadcast %mul3A_1612 : i32 to vector<16xi32>
    %mul3A_1614 = arith.muli %get3A_1611, %mul3A_1613 : vector<16xi32>
    %get3A_1615 = arith.constant 1712 : index
    %get3A_1616 = tpu.vector_load %arg7[%get3A_1615] {strides = array<i32>} : memref<2048xi32, #tpu.memory_space<vmem>>, vector<16xi32>,
    %get3A_1617 = vector.shape_cast %get3A_1616 : vector<16xi32> to vector<16xi32>
    %add3A_1618 = arith.addi %mul3A_1614, %get3A_1617 : vector<16xi32>
    %swap3A_1619 = arith.constant 1712 : index
    %swap3A_1620 = tpu.vector_load %arg8[%swap3A_1619] {strides = array<i32>} : memref<2048xi32, #tpu.memory_space<vmem>>, vector<16xi32>,
    %swap3A_1621 = vector.shape_cast %swap3A_1620 : vector<16xi32> to vector<16xi32>
    %swap3A_1622 = vector.shape_cast %add3A_1618 : vector<16xi32> to vector<16xi32>
    tpu.vector_store %arg8[%swap3A_1619], %swap3A_1622 {strides = array<i32>} : memref<2048xi32, #tpu.memory_space<vmem>>, vector<16xi32>,
    %get3A_1623 = arith.constant 1728 : index
    %get3A_1624 = tpu.vector_load %arg6[%get3A_1623] {strides = array<i32>} : memref<2048xi32, #tpu.memory_space<vmem>>, vector<16xi32>,
    %get3A_1625 = vector.shape_cast %get3A_1624 : vector<16xi32> to vector<16xi32>
    %mul3A_1626 = arith.constant 64 : i32
    %mul3A_1627 = vector.broadcast %mul3A_1626 : i32 to vector<16xi32>
    %mul3A_1628 = arith.muli %get3A_1625, %mul3A_1627 : vector<16xi32>
    %get3A_1629 = arith.constant 1728 : index
    %get3A_1630 = tpu.vector_load %arg7[%get3A_1629] {strides = array<i32>} : memref<2048xi32, #tpu.memory_space<vmem>>, vector<16xi32>,
    %get3A_1631 = vector.shape_cast %get3A_1630 : vector<16xi32> to vector<16xi32>
    %add3A_1632 = arith.addi %mul3A_1628, %get3A_1631 : vector<16xi32>
    %swap3A_1633 = arith.constant 1728 : index
    %swap3A_1634 = tpu.vector_load %arg8[%swap3A_1633] {strides = array<i32>} : memref<2048xi32, #tpu.memory_space<vmem>>, vector<16xi32>,
    %swap3A_1635 = vector.shape_cast %swap3A_1634 : vector<16xi32> to vector<16xi32>
    %swap3A_1636 = vector.shape_cast %add3A_1632 : vector<16xi32> to vector<16xi32>
    tpu.vector_store %arg8[%swap3A_1633], %swap3A_1636 {strides = array<i32>} : memref<2048xi32, #tpu.memory_space<vmem>>, vector<16xi32>,
    %get3A_1637 = arith.constant 1744 : index
    %get3A_1638 = tpu.vector_load %arg6[%get3A_1637] {strides = array<i32>} : memref<2048xi32, #tpu.memory_space<vmem>>, vector<16xi32>,
    %get3A_1639 = vector.shape_cast %get3A_1638 : vector<16xi32> to vector<16xi32>
    %mul3A_1640 = arith.constant 64 : i32
    %mul3A_1641 = vector.broadcast %mul3A_1640 : i32 to vector<16xi32>
    %mul3A_1642 = arith.muli %get3A_1639, %mul3A_1641 : vector<16xi32>
    %get3A_1643 = arith.constant 1744 : index
    %get3A_1644 = tpu.vector_load %arg7[%get3A_1643] {strides = array<i32>} : memref<2048xi32, #tpu.memory_space<vmem>>, vector<16xi32>,
    %get3A_1645 = vector.shape_cast %get3A_1644 : vector<16xi32> to vector<16xi32>
    %add3A_1646 = arith.addi %mul3A_1642, %get3A_1645 : vector<16xi32>
    %swap3A_1647 = arith.constant 1744 : index
    %swap3A_1648 = tpu.vector_load %arg8[%swap3A_1647] {strides = array<i32>} : memref<2048xi32, #tpu.memory_space<vmem>>, vector<16xi32>,
    %swap3A_1649 = vector.shape_cast %swap3A_1648 : vector<16xi32> to vector<16xi32>
    %swap3A_1650 = vector.shape_cast %add3A_1646 : vector<16xi32> to vector<16xi32>
    tpu.vector_store %arg8[%swap3A_1647], %swap3A_1650 {strides = array<i32>} : memref<2048xi32, #tpu.memory_space<vmem>>, vector<16xi32>,
    %get3A_1651 = arith.constant 1760 : index
    %get3A_1652 = tpu.vector_load %arg6[%get3A_1651] {strides = array<i32>} : memref<2048xi32, #tpu.memory_space<vmem>>, vector<16xi32>,
    %get3A_1653 = vector.shape_cast %get3A_1652 : vector<16xi32> to vector<16xi32>
    %mul3A_1654 = arith.constant 64 : i32
    %mul3A_1655 = vector.broadcast %mul3A_1654 : i32 to vector<16xi32>
    %mul3A_1656 = arith.muli %get3A_1653, %mul3A_1655 : vector<16xi32>
    %get3A_1657 = arith.constant 1760 : index
    %get3A_1658 = tpu.vector_load %arg7[%get3A_1657] {strides = array<i32>} : memref<2048xi32, #tpu.memory_space<vmem>>, vector<16xi32>,
    %get3A_1659 = vector.shape_cast %get3A_1658 : vector<16xi32> to vector<16xi32>
    %add3A_1660 = arith.addi %mul3A_1656, %get3A_1659 : vector<16xi32>
    %swap3A_1661 = arith.constant 1760 : index
    %swap3A_1662 = tpu.vector_load %arg8[%swap3A_1661] {strides = array<i32>} : memref<2048xi32, #tpu.memory_space<vmem>>, vector<16xi32>,
    %swap3A_1663 = vector.shape_cast %swap3A_1662 : vector<16xi32> to vector<16xi32>
    %swap3A_1664 = vector.shape_cast %add3A_1660 : vector<16xi32> to vector<16xi32>
    tpu.vector_store %arg8[%swap3A_1661], %swap3A_1664 {strides = array<i32>} : memref<2048xi32, #tpu.memory_space<vmem>>, vector<16xi32>,
    %get3A_1665 = arith.constant 1776 : index
    %get3A_1666 = tpu.vector_load %arg6[%get3A_1665] {strides = array<i32>} : memref<2048xi32, #tpu.memory_space<vmem>>, vector<16xi32>,
    %get3A_1667 = vector.shape_cast %get3A_1666 : vector<16xi32> to vector<16xi32>
    %mul3A_1668 = arith.constant 64 : i32
    %mul3A_1669 = vector.broadcast %mul3A_1668 : i32 to vector<16xi32>
    %mul3A_1670 = arith.muli %get3A_1667, %mul3A_1669 : vector<16xi32>
    %get3A_1671 = arith.constant 1776 : index
    %get3A_1672 = tpu.vector_load %arg7[%get3A_1671] {strides = array<i32>} : memref<2048xi32, #tpu.memory_space<vmem>>, vector<16xi32>,
    %get3A_1673 = vector.shape_cast %get3A_1672 : vector<16xi32> to vector<16xi32>
    %add3A_1674 = arith.addi %mul3A_1670, %get3A_1673 : vector<16xi32>
    %swap3A_1675 = arith.constant 1776 : index
    %swap3A_1676 = tpu.vector_load %arg8[%swap3A_1675] {strides = array<i32>} : memref<2048xi32, #tpu.memory_space<vmem>>, vector<16xi32>,
    %swap3A_1677 = vector.shape_cast %swap3A_1676 : vector<16xi32> to vector<16xi32>
    %swap3A_1678 = vector.shape_cast %add3A_1674 : vector<16xi32> to vector<16xi32>
    tpu.vector_store %arg8[%swap3A_1675], %swap3A_1678 {strides = array<i32>} : memref<2048xi32, #tpu.memory_space<vmem>>, vector<16xi32>,
    %dma_start3A_1679 = arith.constant 1664 : i32
    %dma_start3A_1680 = arith.constant 0 : i32
    %dma_start3A_1681 = tpu.memref_slice %arg9[%dma_start3A_1679, %dma_start3A_1680] : memref<2048x16xf32, #tpu.memory_space<vmem>> -> memref<128x16xf32, #tpu.memory_space<vmem>>
    %dma_start3A_1682 = arith.constant 1664 : i32
    %dma_start3A_1683 = tpu.memref_slice %arg8[%dma_start3A_1682] : memref<2048xi32, #tpu.memory_space<vmem>> -> memref<128xi32, #tpu.memory_space<vmem>>
    %dma_start3A_1684 = arith.constant 0 : i32
    %dma_start3A_1685 = arith.constant 0 : i32
    %dma_start3A_1686 = tpu.memref_slice %arg2[%dma_start3A_1684, %dma_start3A_1685] : memref<640x16xf32, #tpu.memory_space<hbm>> -> memref<640x16xf32, #tpu.memory_space<hbm>>
    tpu.enqueue_indirect_dma source(%dma_start3A_1686 : memref<640x16xf32, #tpu.memory_space<hbm>>) target(%dma_start3A_1681 : memref<128x16xf32, #tpu.memory_space<vmem>>) offsets(%dma_start3A_1683 : memref<128xi32, #tpu.memory_space<vmem>>) semaphore(%arg10 : memref<!tpu.dma_semaphore, #tpu.memory_space<semaphore_mem>>)
    %get3A_1687 = arith.constant 1792 : index
    %get3A_1688 = tpu.vector_load %arg6[%get3A_1687] {strides = array<i32>} : memref<2048xi32, #tpu.memory_space<vmem>>, vector<16xi32>,
    %get3A_1689 = vector.shape_cast %get3A_1688 : vector<16xi32> to vector<16xi32>
    %mul3A_1690 = arith.constant 64 : i32
    %mul3A_1691 = vector.broadcast %mul3A_1690 : i32 to vector<16xi32>
    %mul3A_1692 = arith.muli %get3A_1689, %mul3A_1691 : vector<16xi32>
    %get3A_1693 = arith.constant 1792 : index
    %get3A_1694 = tpu.vector_load %arg7[%get3A_1693] {strides = array<i32>} : memref<2048xi32, #tpu.memory_space<vmem>>, vector<16xi32>,
    %get3A_1695 = vector.shape_cast %get3A_1694 : vector<16xi32> to vector<16xi32>
    %add3A_1696 = arith.addi %mul3A_1692, %get3A_1695 : vector<16xi32>
    %swap3A_1697 = arith.constant 1792 : index
    %swap3A_1698 = tpu.vector_load %arg8[%swap3A_1697] {strides = array<i32>} : memref<2048xi32, #tpu.memory_space<vmem>>, vector<16xi32>,
    %swap3A_1699 = vector.shape_cast %swap3A_1698 : vector<16xi32> to vector<16xi32>
    %swap3A_1700 = vector.shape_cast %add3A_1696 : vector<16xi32> to vector<16xi32>
    tpu.vector_store %arg8[%swap3A_1697], %swap3A_1700 {strides = array<i32>} : memref<2048xi32, #tpu.memory_space<vmem>>, vector<16xi32>,
    %get3A_1701 = arith.constant 1808 : index
    %get3A_1702 = tpu.vector_load %arg6[%get3A_1701] {strides = array<i32>} : memref<2048xi32, #tpu.memory_space<vmem>>, vector<16xi32>,
    %get3A_1703 = vector.shape_cast %get3A_1702 : vector<16xi32> to vector<16xi32>
    %mul3A_1704 = arith.constant 64 : i32
    %mul3A_1705 = vector.broadcast %mul3A_1704 : i32 to vector<16xi32>
    %mul3A_1706 = arith.muli %get3A_1703, %mul3A_1705 : vector<16xi32>
    %get3A_1707 = arith.constant 1808 : index
    %get3A_1708 = tpu.vector_load %arg7[%get3A_1707] {strides = array<i32>} : memref<2048xi32, #tpu.memory_space<vmem>>, vector<16xi32>,
    %get3A_1709 = vector.shape_cast %get3A_1708 : vector<16xi32> to vector<16xi32>
    %add3A_1710 = arith.addi %mul3A_1706, %get3A_1709 : vector<16xi32>
    %swap3A_1711 = arith.constant 1808 : index
    %swap3A_1712 = tpu.vector_load %arg8[%swap3A_1711] {strides = array<i32>} : memref<2048xi32, #tpu.memory_space<vmem>>, vector<16xi32>,
    %swap3A_1713 = vector.shape_cast %swap3A_1712 : vector<16xi32> to vector<16xi32>
    %swap3A_1714 = vector.shape_cast %add3A_1710 : vector<16xi32> to vector<16xi32>
    tpu.vector_store %arg8[%swap3A_1711], %swap3A_1714 {strides = array<i32>} : memref<2048xi32, #tpu.memory_space<vmem>>, vector<16xi32>,
    %get3A_1715 = arith.constant 1824 : index
    %get3A_1716 = tpu.vector_load %arg6[%get3A_1715] {strides = array<i32>} : memref<2048xi32, #tpu.memory_space<vmem>>, vector<16xi32>,
    %get3A_1717 = vector.shape_cast %get3A_1716 : vector<16xi32> to vector<16xi32>
    %mul3A_1718 = arith.constant 64 : i32
    %mul3A_1719 = vector.broadcast %mul3A_1718 : i32 to vector<16xi32>
    %mul3A_1720 = arith.muli %get3A_1717, %mul3A_1719 : vector<16xi32>
    %get3A_1721 = arith.constant 1824 : index
    %get3A_1722 = tpu.vector_load %arg7[%get3A_1721] {strides = array<i32>} : memref<2048xi32, #tpu.memory_space<vmem>>, vector<16xi32>,
    %get3A_1723 = vector.shape_cast %get3A_1722 : vector<16xi32> to vector<16xi32>
    %add3A_1724 = arith.addi %mul3A_1720, %get3A_1723 : vector<16xi32>
    %swap3A_1725 = arith.constant 1824 : index
    %swap3A_1726 = tpu.vector_load %arg8[%swap3A_1725] {strides = array<i32>} : memref<2048xi32, #tpu.memory_space<vmem>>, vector<16xi32>,
    %swap3A_1727 = vector.shape_cast %swap3A_1726 : vector<16xi32> to vector<16xi32>
    %swap3A_1728 = vector.shape_cast %add3A_1724 : vector<16xi32> to vector<16xi32>
    tpu.vector_store %arg8[%swap3A_1725], %swap3A_1728 {strides = array<i32>} : memref<2048xi32, #tpu.memory_space<vmem>>, vector<16xi32>,
    %get3A_1729 = arith.constant 1840 : index
    %get3A_1730 = tpu.vector_load %arg6[%get3A_1729] {strides = array<i32>} : memref<2048xi32, #tpu.memory_space<vmem>>, vector<16xi32>,
    %get3A_1731 = vector.shape_cast %get3A_1730 : vector<16xi32> to vector<16xi32>
    %mul3A_1732 = arith.constant 64 : i32
    %mul3A_1733 = vector.broadcast %mul3A_1732 : i32 to vector<16xi32>
    %mul3A_1734 = arith.muli %get3A_1731, %mul3A_1733 : vector<16xi32>
    %get3A_1735 = arith.constant 1840 : index
    %get3A_1736 = tpu.vector_load %arg7[%get3A_1735] {strides = array<i32>} : memref<2048xi32, #tpu.memory_space<vmem>>, vector<16xi32>,
    %get3A_1737 = vector.shape_cast %get3A_1736 : vector<16xi32> to vector<16xi32>
    %add3A_1738 = arith.addi %mul3A_1734, %get3A_1737 : vector<16xi32>
    %swap3A_1739 = arith.constant 1840 : index
    %swap3A_1740 = tpu.vector_load %arg8[%swap3A_1739] {strides = array<i32>} : memref<2048xi32, #tpu.memory_space<vmem>>, vector<16xi32>,
    %swap3A_1741 = vector.shape_cast %swap3A_1740 : vector<16xi32> to vector<16xi32>
    %swap3A_1742 = vector.shape_cast %add3A_1738 : vector<16xi32> to vector<16xi32>
    tpu.vector_store %arg8[%swap3A_1739], %swap3A_1742 {strides = array<i32>} : memref<2048xi32, #tpu.memory_space<vmem>>, vector<16xi32>,
    %get3A_1743 = arith.constant 1856 : index
    %get3A_1744 = tpu.vector_load %arg6[%get3A_1743] {strides = array<i32>} : memref<2048xi32, #tpu.memory_space<vmem>>, vector<16xi32>,
    %get3A_1745 = vector.shape_cast %get3A_1744 : vector<16xi32> to vector<16xi32>
    %mul3A_1746 = arith.constant 64 : i32
    %mul3A_1747 = vector.broadcast %mul3A_1746 : i32 to vector<16xi32>
    %mul3A_1748 = arith.muli %get3A_1745, %mul3A_1747 : vector<16xi32>
    %get3A_1749 = arith.constant 1856 : index
    %get3A_1750 = tpu.vector_load %arg7[%get3A_1749] {strides = array<i32>} : memref<2048xi32, #tpu.memory_space<vmem>>, vector<16xi32>,
    %get3A_1751 = vector.shape_cast %get3A_1750 : vector<16xi32> to vector<16xi32>
    %add3A_1752 = arith.addi %mul3A_1748, %get3A_1751 : vector<16xi32>
    %swap3A_1753 = arith.constant 1856 : index
    %swap3A_1754 = tpu.vector_load %arg8[%swap3A_1753] {strides = array<i32>} : memref<2048xi32, #tpu.memory_space<vmem>>, vector<16xi32>,
    %swap3A_1755 = vector.shape_cast %swap3A_1754 : vector<16xi32> to vector<16xi32>
    %swap3A_1756 = vector.shape_cast %add3A_1752 : vector<16xi32> to vector<16xi32>
    tpu.vector_store %arg8[%swap3A_1753], %swap3A_1756 {strides = array<i32>} : memref<2048xi32, #tpu.memory_space<vmem>>, vector<16xi32>,
    %get3A_1757 = arith.constant 1872 : index
    %get3A_1758 = tpu.vector_load %arg6[%get3A_1757] {strides = array<i32>} : memref<2048xi32, #tpu.memory_space<vmem>>, vector<16xi32>,
    %get3A_1759 = vector.shape_cast %get3A_1758 : vector<16xi32> to vector<16xi32>
    %mul3A_1760 = arith.constant 64 : i32
    %mul3A_1761 = vector.broadcast %mul3A_1760 : i32 to vector<16xi32>
    %mul3A_1762 = arith.muli %get3A_1759, %mul3A_1761 : vector<16xi32>
    %get3A_1763 = arith.constant 1872 : index
    %get3A_1764 = tpu.vector_load %arg7[%get3A_1763] {strides = array<i32>} : memref<2048xi32, #tpu.memory_space<vmem>>, vector<16xi32>,
    %get3A_1765 = vector.shape_cast %get3A_1764 : vector<16xi32> to vector<16xi32>
    %add3A_1766 = arith.addi %mul3A_1762, %get3A_1765 : vector<16xi32>
    %swap3A_1767 = arith.constant 1872 : index
    %swap3A_1768 = tpu.vector_load %arg8[%swap3A_1767] {strides = array<i32>} : memref<2048xi32, #tpu.memory_space<vmem>>, vector<16xi32>,
    %swap3A_1769 = vector.shape_cast %swap3A_1768 : vector<16xi32> to vector<16xi32>
    %swap3A_1770 = vector.shape_cast %add3A_1766 : vector<16xi32> to vector<16xi32>
    tpu.vector_store %arg8[%swap3A_1767], %swap3A_1770 {strides = array<i32>} : memref<2048xi32, #tpu.memory_space<vmem>>, vector<16xi32>,
    %get3A_1771 = arith.constant 1888 : index
    %get3A_1772 = tpu.vector_load %arg6[%get3A_1771] {strides = array<i32>} : memref<2048xi32, #tpu.memory_space<vmem>>, vector<16xi32>,
    %get3A_1773 = vector.shape_cast %get3A_1772 : vector<16xi32> to vector<16xi32>
    %mul3A_1774 = arith.constant 64 : i32
    %mul3A_1775 = vector.broadcast %mul3A_1774 : i32 to vector<16xi32>
    %mul3A_1776 = arith.muli %get3A_1773, %mul3A_1775 : vector<16xi32>
    %get3A_1777 = arith.constant 1888 : index
    %get3A_1778 = tpu.vector_load %arg7[%get3A_1777] {strides = array<i32>} : memref<2048xi32, #tpu.memory_space<vmem>>, vector<16xi32>,
    %get3A_1779 = vector.shape_cast %get3A_1778 : vector<16xi32> to vector<16xi32>
    %add3A_1780 = arith.addi %mul3A_1776, %get3A_1779 : vector<16xi32>
    %swap3A_1781 = arith.constant 1888 : index
    %swap3A_1782 = tpu.vector_load %arg8[%swap3A_1781] {strides = array<i32>} : memref<2048xi32, #tpu.memory_space<vmem>>, vector<16xi32>,
    %swap3A_1783 = vector.shape_cast %swap3A_1782 : vector<16xi32> to vector<16xi32>
    %swap3A_1784 = vector.shape_cast %add3A_1780 : vector<16xi32> to vector<16xi32>
    tpu.vector_store %arg8[%swap3A_1781], %swap3A_1784 {strides = array<i32>} : memref<2048xi32, #tpu.memory_space<vmem>>, vector<16xi32>,
    %get3A_1785 = arith.constant 1904 : index
    %get3A_1786 = tpu.vector_load %arg6[%get3A_1785] {strides = array<i32>} : memref<2048xi32, #tpu.memory_space<vmem>>, vector<16xi32>,
    %get3A_1787 = vector.shape_cast %get3A_1786 : vector<16xi32> to vector<16xi32>
    %mul3A_1788 = arith.constant 64 : i32
    %mul3A_1789 = vector.broadcast %mul3A_1788 : i32 to vector<16xi32>
    %mul3A_1790 = arith.muli %get3A_1787, %mul3A_1789 : vector<16xi32>
    %get3A_1791 = arith.constant 1904 : index
    %get3A_1792 = tpu.vector_load %arg7[%get3A_1791] {strides = array<i32>} : memref<2048xi32, #tpu.memory_space<vmem>>, vector<16xi32>,
    %get3A_1793 = vector.shape_cast %get3A_1792 : vector<16xi32> to vector<16xi32>
    %add3A_1794 = arith.addi %mul3A_1790, %get3A_1793 : vector<16xi32>
    %swap3A_1795 = arith.constant 1904 : index
    %swap3A_1796 = tpu.vector_load %arg8[%swap3A_1795] {strides = array<i32>} : memref<2048xi32, #tpu.memory_space<vmem>>, vector<16xi32>,
    %swap3A_1797 = vector.shape_cast %swap3A_1796 : vector<16xi32> to vector<16xi32>
    %swap3A_1798 = vector.shape_cast %add3A_1794 : vector<16xi32> to vector<16xi32>
    tpu.vector_store %arg8[%swap3A_1795], %swap3A_1798 {strides = array<i32>} : memref<2048xi32, #tpu.memory_space<vmem>>, vector<16xi32>,
    %dma_start3A_1799 = arith.constant 1792 : i32
    %dma_start3A_1800 = arith.constant 0 : i32
    %dma_start3A_1801 = tpu.memref_slice %arg9[%dma_start3A_1799, %dma_start3A_1800] : memref<2048x16xf32, #tpu.memory_space<vmem>> -> memref<128x16xf32, #tpu.memory_space<vmem>>
    %dma_start3A_1802 = arith.constant 1792 : i32
    %dma_start3A_1803 = tpu.memref_slice %arg8[%dma_start3A_1802] : memref<2048xi32, #tpu.memory_space<vmem>> -> memref<128xi32, #tpu.memory_space<vmem>>
    %dma_start3A_1804 = arith.constant 0 : i32
    %dma_start3A_1805 = arith.constant 0 : i32
    %dma_start3A_1806 = tpu.memref_slice %arg2[%dma_start3A_1804, %dma_start3A_1805] : memref<640x16xf32, #tpu.memory_space<hbm>> -> memref<640x16xf32, #tpu.memory_space<hbm>>
    tpu.enqueue_indirect_dma source(%dma_start3A_1806 : memref<640x16xf32, #tpu.memory_space<hbm>>) target(%dma_start3A_1801 : memref<128x16xf32, #tpu.memory_space<vmem>>) offsets(%dma_start3A_1803 : memref<128xi32, #tpu.memory_space<vmem>>) semaphore(%arg10 : memref<!tpu.dma_semaphore, #tpu.memory_space<semaphore_mem>>)
    %get3A_1807 = arith.constant 1920 : index
    %get3A_1808 = tpu.vector_load %arg6[%get3A_1807] {strides = array<i32>} : memref<2048xi32, #tpu.memory_space<vmem>>, vector<16xi32>,
    %get3A_1809 = vector.shape_cast %get3A_1808 : vector<16xi32> to vector<16xi32>
    %mul3A_1810 = arith.constant 64 : i32
    %mul3A_1811 = vector.broadcast %mul3A_1810 : i32 to vector<16xi32>
    %mul3A_1812 = arith.muli %get3A_1809, %mul3A_1811 : vector<16xi32>
    %get3A_1813 = arith.constant 1920 : index
    %get3A_1814 = tpu.vector_load %arg7[%get3A_1813] {strides = array<i32>} : memref<2048xi32, #tpu.memory_space<vmem>>, vector<16xi32>,
    %get3A_1815 = vector.shape_cast %get3A_1814 : vector<16xi32> to vector<16xi32>
    %add3A_1816 = arith.addi %mul3A_1812, %get3A_1815 : vector<16xi32>
    %swap3A_1817 = arith.constant 1920 : index
    %swap3A_1818 = tpu.vector_load %arg8[%swap3A_1817] {strides = array<i32>} : memref<2048xi32, #tpu.memory_space<vmem>>, vector<16xi32>,
    %swap3A_1819 = vector.shape_cast %swap3A_1818 : vector<16xi32> to vector<16xi32>
    %swap3A_1820 = vector.shape_cast %add3A_1816 : vector<16xi32> to vector<16xi32>
    tpu.vector_store %arg8[%swap3A_1817], %swap3A_1820 {strides = array<i32>} : memref<2048xi32, #tpu.memory_space<vmem>>, vector<16xi32>,
    %get3A_1821 = arith.constant 1936 : index
    %get3A_1822 = tpu.vector_load %arg6[%get3A_1821] {strides = array<i32>} : memref<2048xi32, #tpu.memory_space<vmem>>, vector<16xi32>,
    %get3A_1823 = vector.shape_cast %get3A_1822 : vector<16xi32> to vector<16xi32>
    %mul3A_1824 = arith.constant 64 : i32
    %mul3A_1825 = vector.broadcast %mul3A_1824 : i32 to vector<16xi32>
    %mul3A_1826 = arith.muli %get3A_1823, %mul3A_1825 : vector<16xi32>
    %get3A_1827 = arith.constant 1936 : index
    %get3A_1828 = tpu.vector_load %arg7[%get3A_1827] {strides = array<i32>} : memref<2048xi32, #tpu.memory_space<vmem>>, vector<16xi32>,
    %get3A_1829 = vector.shape_cast %get3A_1828 : vector<16xi32> to vector<16xi32>
    %add3A_1830 = arith.addi %mul3A_1826, %get3A_1829 : vector<16xi32>
    %swap3A_1831 = arith.constant 1936 : index
    %swap3A_1832 = tpu.vector_load %arg8[%swap3A_1831] {strides = array<i32>} : memref<2048xi32, #tpu.memory_space<vmem>>, vector<16xi32>,
    %swap3A_1833 = vector.shape_cast %swap3A_1832 : vector<16xi32> to vector<16xi32>
    %swap3A_1834 = vector.shape_cast %add3A_1830 : vector<16xi32> to vector<16xi32>
    tpu.vector_store %arg8[%swap3A_1831], %swap3A_1834 {strides = array<i32>} : memref<2048xi32, #tpu.memory_space<vmem>>, vector<16xi32>,
    %get3A_1835 = arith.constant 1952 : index
    %get3A_1836 = tpu.vector_load %arg6[%get3A_1835] {strides = array<i32>} : memref<2048xi32, #tpu.memory_space<vmem>>, vector<16xi32>,
    %get3A_1837 = vector.shape_cast %get3A_1836 : vector<16xi32> to vector<16xi32>
    %mul3A_1838 = arith.constant 64 : i32
    %mul3A_1839 = vector.broadcast %mul3A_1838 : i32 to vector<16xi32>
    %mul3A_1840 = arith.muli %get3A_1837, %mul3A_1839 : vector<16xi32>
    %get3A_1841 = arith.constant 1952 : index
    %get3A_1842 = tpu.vector_load %arg7[%get3A_1841] {strides = array<i32>} : memref<2048xi32, #tpu.memory_space<vmem>>, vector<16xi32>,
    %get3A_1843 = vector.shape_cast %get3A_1842 : vector<16xi32> to vector<16xi32>
    %add3A_1844 = arith.addi %mul3A_1840, %get3A_1843 : vector<16xi32>
    %swap3A_1845 = arith.constant 1952 : index
    %swap3A_1846 = tpu.vector_load %arg8[%swap3A_1845] {strides = array<i32>} : memref<2048xi32, #tpu.memory_space<vmem>>, vector<16xi32>,
    %swap3A_1847 = vector.shape_cast %swap3A_1846 : vector<16xi32> to vector<16xi32>
    %swap3A_1848 = vector.shape_cast %add3A_1844 : vector<16xi32> to vector<16xi32>
    tpu.vector_store %arg8[%swap3A_1845], %swap3A_1848 {strides = array<i32>} : memref<2048xi32, #tpu.memory_space<vmem>>, vector<16xi32>,
    %get3A_1849 = arith.constant 1968 : index
    %get3A_1850 = tpu.vector_load %arg6[%get3A_1849] {strides = array<i32>} : memref<2048xi32, #tpu.memory_space<vmem>>, vector<16xi32>,
    %get3A_1851 = vector.shape_cast %get3A_1850 : vector<16xi32> to vector<16xi32>
    %mul3A_1852 = arith.constant 64 : i32
    %mul3A_1853 = vector.broadcast %mul3A_1852 : i32 to vector<16xi32>
    %mul3A_1854 = arith.muli %get3A_1851, %mul3A_1853 : vector<16xi32>
    %get3A_1855 = arith.constant 1968 : index
    %get3A_1856 = tpu.vector_load %arg7[%get3A_1855] {strides = array<i32>} : memref<2048xi32, #tpu.memory_space<vmem>>, vector<16xi32>,
    %get3A_1857 = vector.shape_cast %get3A_1856 : vector<16xi32> to vector<16xi32>
    %add3A_1858 = arith.addi %mul3A_1854, %get3A_1857 : vector<16xi32>
    %swap3A_1859 = arith.constant 1968 : index
    %swap3A_1860 = tpu.vector_load %arg8[%swap3A_1859] {strides = array<i32>} : memref<2048xi32, #tpu.memory_space<vmem>>, vector<16xi32>,
    %swap3A_1861 = vector.shape_cast %swap3A_1860 : vector<16xi32> to vector<16xi32>
    %swap3A_1862 = vector.shape_cast %add3A_1858 : vector<16xi32> to vector<16xi32>
    tpu.vector_store %arg8[%swap3A_1859], %swap3A_1862 {strides = array<i32>} : memref<2048xi32, #tpu.memory_space<vmem>>, vector<16xi32>,
    %get3A_1863 = arith.constant 1984 : index
    %get3A_1864 = tpu.vector_load %arg6[%get3A_1863] {strides = array<i32>} : memref<2048xi32, #tpu.memory_space<vmem>>, vector<16xi32>,
    %get3A_1865 = vector.shape_cast %get3A_1864 : vector<16xi32> to vector<16xi32>
    %mul3A_1866 = arith.constant 64 : i32
    %mul3A_1867 = vector.broadcast %mul3A_1866 : i32 to vector<16xi32>
    %mul3A_1868 = arith.muli %get3A_1865, %mul3A_1867 : vector<16xi32>
    %get3A_1869 = arith.constant 1984 : index
    %get3A_1870 = tpu.vector_load %arg7[%get3A_1869] {strides = array<i32>} : memref<2048xi32, #tpu.memory_space<vmem>>, vector<16xi32>,
    %get3A_1871 = vector.shape_cast %get3A_1870 : vector<16xi32> to vector<16xi32>
    %add3A_1872 = arith.addi %mul3A_1868, %get3A_1871 : vector<16xi32>
    %swap3A_1873 = arith.constant 1984 : index
    %swap3A_1874 = tpu.vector_load %arg8[%swap3A_1873] {strides = array<i32>} : memref<2048xi32, #tpu.memory_space<vmem>>, vector<16xi32>,
    %swap3A_1875 = vector.shape_cast %swap3A_1874 : vector<16xi32> to vector<16xi32>
    %swap3A_1876 = vector.shape_cast %add3A_1872 : vector<16xi32> to vector<16xi32>
    tpu.vector_store %arg8[%swap3A_1873], %swap3A_1876 {strides = array<i32>} : memref<2048xi32, #tpu.memory_space<vmem>>, vector<16xi32>,
    %get3A_1877 = arith.constant 2000 : index
    %get3A_1878 = tpu.vector_load %arg6[%get3A_1877] {strides = array<i32>} : memref<2048xi32, #tpu.memory_space<vmem>>, vector<16xi32>,
    %get3A_1879 = vector.shape_cast %get3A_1878 : vector<16xi32> to vector<16xi32>
    %mul3A_1880 = arith.constant 64 : i32
    %mul3A_1881 = vector.broadcast %mul3A_1880 : i32 to vector<16xi32>
    %mul3A_1882 = arith.muli %get3A_1879, %mul3A_1881 : vector<16xi32>
    %get3A_1883 = arith.constant 2000 : index
    %get3A_1884 = tpu.vector_load %arg7[%get3A_1883] {strides = array<i32>} : memref<2048xi32, #tpu.memory_space<vmem>>, vector<16xi32>,
    %get3A_1885 = vector.shape_cast %get3A_1884 : vector<16xi32> to vector<16xi32>
    %add3A_1886 = arith.addi %mul3A_1882, %get3A_1885 : vector<16xi32>
    %swap3A_1887 = arith.constant 2000 : index
    %swap3A_1888 = tpu.vector_load %arg8[%swap3A_1887] {strides = array<i32>} : memref<2048xi32, #tpu.memory_space<vmem>>, vector<16xi32>,
    %swap3A_1889 = vector.shape_cast %swap3A_1888 : vector<16xi32> to vector<16xi32>
    %swap3A_1890 = vector.shape_cast %add3A_1886 : vector<16xi32> to vector<16xi32>
    tpu.vector_store %arg8[%swap3A_1887], %swap3A_1890 {strides = array<i32>} : memref<2048xi32, #tpu.memory_space<vmem>>, vector<16xi32>,
    %get3A_1891 = arith.constant 2016 : index
    %get3A_1892 = tpu.vector_load %arg6[%get3A_1891] {strides = array<i32>} : memref<2048xi32, #tpu.memory_space<vmem>>, vector<16xi32>,
    %get3A_1893 = vector.shape_cast %get3A_1892 : vector<16xi32> to vector<16xi32>
    %mul3A_1894 = arith.constant 64 : i32
    %mul3A_1895 = vector.broadcast %mul3A_1894 : i32 to vector<16xi32>
    %mul3A_1896 = arith.muli %get3A_1893, %mul3A_1895 : vector<16xi32>
    %get3A_1897 = arith.constant 2016 : index
    %get3A_1898 = tpu.vector_load %arg7[%get3A_1897] {strides = array<i32>} : memref<2048xi32, #tpu.memory_space<vmem>>, vector<16xi32>,
    %get3A_1899 = vector.shape_cast %get3A_1898 : vector<16xi32> to vector<16xi32>
    %add3A_1900 = arith.addi %mul3A_1896, %get3A_1899 : vector<16xi32>
    %swap3A_1901 = arith.constant 2016 : index
    %swap3A_1902 = tpu.vector_load %arg8[%swap3A_1901] {strides = array<i32>} : memref<2048xi32, #tpu.memory_space<vmem>>, vector<16xi32>,
    %swap3A_1903 = vector.shape_cast %swap3A_1902 : vector<16xi32> to vector<16xi32>
    %swap3A_1904 = vector.shape_cast %add3A_1900 : vector<16xi32> to vector<16xi32>
    tpu.vector_store %arg8[%swap3A_1901], %swap3A_1904 {strides = array<i32>} : memref<2048xi32, #tpu.memory_space<vmem>>, vector<16xi32>,
    %get3A_1905 = arith.constant 2032 : index
    %get3A_1906 = tpu.vector_load %arg6[%get3A_1905] {strides = array<i32>} : memref<2048xi32, #tpu.memory_space<vmem>>, vector<16xi32>,
    %get3A_1907 = vector.shape_cast %get3A_1906 : vector<16xi32> to vector<16xi32>
    %mul3A_1908 = arith.constant 64 : i32
    %mul3A_1909 = vector.broadcast %mul3A_1908 : i32 to vector<16xi32>
    %mul3A_1910 = arith.muli %get3A_1907, %mul3A_1909 : vector<16xi32>
    %get3A_1911 = arith.constant 2032 : index
    %get3A_1912 = tpu.vector_load %arg7[%get3A_1911] {strides = array<i32>} : memref<2048xi32, #tpu.memory_space<vmem>>, vector<16xi32>,
    %get3A_1913 = vector.shape_cast %get3A_1912 : vector<16xi32> to vector<16xi32>
    %add3A_1914 = arith.addi %mul3A_1910, %get3A_1913 : vector<16xi32>
    %swap3A_1915 = arith.constant 2032 : index
    %swap3A_1916 = tpu.vector_load %arg8[%swap3A_1915] {strides = array<i32>} : memref<2048xi32, #tpu.memory_space<vmem>>, vector<16xi32>,
    %swap3A_1917 = vector.shape_cast %swap3A_1916 : vector<16xi32> to vector<16xi32>
    %swap3A_1918 = vector.shape_cast %add3A_1914 : vector<16xi32> to vector<16xi32>
    tpu.vector_store %arg8[%swap3A_1915], %swap3A_1918 {strides = array<i32>} : memref<2048xi32, #tpu.memory_space<vmem>>, vector<16xi32>,
    %dma_start3A_1919 = arith.constant 1920 : i32
    %dma_start3A_1920 = arith.constant 0 : i32
    %dma_start3A_1921 = tpu.memref_slice %arg9[%dma_start3A_1919, %dma_start3A_1920] : memref<2048x16xf32, #tpu.memory_space<vmem>> -> memref<128x16xf32, #tpu.memory_space<vmem>>
    %dma_start3A_1922 = arith.constant 1920 : i32
    %dma_start3A_1923 = tpu.memref_slice %arg8[%dma_start3A_1922] : memref<2048xi32, #tpu.memory_space<vmem>> -> memref<128xi32, #tpu.memory_space<vmem>>
    %dma_start3A_1924 = arith.constant 0 : i32
    %dma_start3A_1925 = arith.constant 0 : i32
    %dma_start3A_1926 = tpu.memref_slice %arg2[%dma_start3A_1924, %dma_start3A_1925] : memref<640x16xf32, #tpu.memory_space<hbm>> -> memref<640x16xf32, #tpu.memory_space<hbm>>
    tpu.enqueue_indirect_dma source(%dma_start3A_1926 : memref<640x16xf32, #tpu.memory_space<hbm>>) target(%dma_start3A_1921 : memref<128x16xf32, #tpu.memory_space<vmem>>) offsets(%dma_start3A_1923 : memref<128xi32, #tpu.memory_space<vmem>>) semaphore(%arg10 : memref<!tpu.dma_semaphore, #tpu.memory_space<semaphore_mem>>)
    %dma_wait3A_1927 = arith.constant 0 : i32
    %dma_wait3A_1928 = arith.constant 0 : i32
    %dma_wait3A_1929 = tpu.memref_slice %arg9[%dma_wait3A_1927, %dma_wait3A_1928] : memref<2048x16xf32, #tpu.memory_space<vmem>> -> memref<128x16xf32, #tpu.memory_space<vmem>>
    %dma_wait3A_1930 = arith.constant 0 : i32
    %dma_wait3A_1931 = tpu.memref_slice %arg8[%dma_wait3A_1930] : memref<2048xi32, #tpu.memory_space<vmem>> -> memref<128xi32, #tpu.memory_space<vmem>>
    %dma_wait3A_1932 = arith.constant 0 : i32
    %dma_wait3A_1933 = arith.constant 0 : i32
    %dma_wait3A_1934 = tpu.memref_slice %arg2[%dma_wait3A_1932, %dma_wait3A_1933] : memref<640x16xf32, #tpu.memory_space<hbm>> -> memref<640x16xf32, #tpu.memory_space<hbm>>
    tpu.wait_indirect_dma semaphore(%arg10 : memref<!tpu.dma_semaphore, #tpu.memory_space<semaphore_mem>>) src(%dma_wait3A_1934 : memref<640x16xf32, #tpu.memory_space<hbm>>) dst(%dma_wait3A_1929 : memref<128x16xf32, #tpu.memory_space<vmem>>)
    %add3A_1935 = arith.constant 0 : i32
    %add3A_1936 = arith.addi %mul3A_2, %add3A_1935 : i32
    %dma_start3A_1937 = arith.constant 0 : i32
    %dma_start3A_1938 = arith.constant 0 : i32
    %dma_start3A_1939 = tpu.memref_slice %arg9[%dma_start3A_1937, %dma_start3A_1938] : memref<2048x16xf32, #tpu.memory_space<vmem>> -> memref<128x16xf32, #tpu.memory_space<vmem>>
    %dma_start3A_1940 = arith.constant 0 : i32
    %dma_start3A_1941 = tpu.memref_slice %arg5[%add3A_1936, %dma_start3A_1940] : memref<32768x16xf32, #tpu.memory_space<hbm>> -> memref<128x16xf32, #tpu.memory_space<hbm>>
    %dma_start3A_1942 = arith.constant 0 : i32
    %dma_start3A_1943 = tpu.memref_slice %arg5[%add3A_1936, %dma_start3A_1942] : memref<32768x16xf32, #tpu.memory_space<hbm>> -> memref<128x16xf32, #tpu.memory_space<hbm>>
    %dma_start3A_1944 = arith.constant 0 : i32
    %dma_start3A_1945 = arith.constant 0 : i32
    %dma_start3A_1946 = tpu.memref_slice %arg9[%dma_start3A_1944, %dma_start3A_1945] : memref<2048x16xf32, #tpu.memory_space<vmem>> -> memref<128x16xf32, #tpu.memory_space<vmem>>
    tpu.enqueue_dma source(%dma_start3A_1946 : memref<128x16xf32, #tpu.memory_space<vmem>>) target(%dma_start3A_1943 : memref<128x16xf32, #tpu.memory_space<hbm>>) target_semaphore(%arg11 : memref<!tpu.dma_semaphore, #tpu.memory_space<semaphore_mem>>)
    %dma_wait3A_1947 = arith.constant 128 : i32
    %dma_wait3A_1948 = arith.constant 0 : i32
    %dma_wait3A_1949 = tpu.memref_slice %arg9[%dma_wait3A_1947, %dma_wait3A_1948] : memref<2048x16xf32, #tpu.memory_space<vmem>> -> memref<128x16xf32, #tpu.memory_space<vmem>>
    %dma_wait3A_1950 = arith.constant 128 : i32
    %dma_wait3A_1951 = tpu.memref_slice %arg8[%dma_wait3A_1950] : memref<2048xi32, #tpu.memory_space<vmem>> -> memref<128xi32, #tpu.memory_space<vmem>>
    %dma_wait3A_1952 = arith.constant 0 : i32
    %dma_wait3A_1953 = arith.constant 0 : i32
    %dma_wait3A_1954 = tpu.memref_slice %arg2[%dma_wait3A_1952, %dma_wait3A_1953] : memref<640x16xf32, #tpu.memory_space<hbm>> -> memref<640x16xf32, #tpu.memory_space<hbm>>
    tpu.wait_indirect_dma semaphore(%arg10 : memref<!tpu.dma_semaphore, #tpu.memory_space<semaphore_mem>>) src(%dma_wait3A_1954 : memref<640x16xf32, #tpu.memory_space<hbm>>) dst(%dma_wait3A_1949 : memref<128x16xf32, #tpu.memory_space<vmem>>)
    %add3A_1955 = arith.constant 128 : i32
    %add3A_1956 = arith.addi %mul3A_2, %add3A_1955 : i32
    %dma_start3A_1957 = arith.constant 128 : i32
    %dma_start3A_1958 = arith.constant 0 : i32
    %dma_start3A_1959 = tpu.memref_slice %arg9[%dma_start3A_1957, %dma_start3A_1958] : memref<2048x16xf32, #tpu.memory_space<vmem>> -> memref<128x16xf32, #tpu.memory_space<vmem>>
    %dma_start3A_1960 = arith.constant 0 : i32
    %dma_start3A_1961 = tpu.memref_slice %arg5[%add3A_1956, %dma_start3A_1960] : memref<32768x16xf32, #tpu.memory_space<hbm>> -> memref<128x16xf32, #tpu.memory_space<hbm>>
    %dma_start3A_1962 = arith.constant 0 : i32
    %dma_start3A_1963 = tpu.memref_slice %arg5[%add3A_1956, %dma_start3A_1962] : memref<32768x16xf32, #tpu.memory_space<hbm>> -> memref<128x16xf32, #tpu.memory_space<hbm>>
    %dma_start3A_1964 = arith.constant 128 : i32
    %dma_start3A_1965 = arith.constant 0 : i32
    %dma_start3A_1966 = tpu.memref_slice %arg9[%dma_start3A_1964, %dma_start3A_1965] : memref<2048x16xf32, #tpu.memory_space<vmem>> -> memref<128x16xf32, #tpu.memory_space<vmem>>
    tpu.enqueue_dma source(%dma_start3A_1966 : memref<128x16xf32, #tpu.memory_space<vmem>>) target(%dma_start3A_1963 : memref<128x16xf32, #tpu.memory_space<hbm>>) target_semaphore(%arg11 : memref<!tpu.dma_semaphore, #tpu.memory_space<semaphore_mem>>)
    %dma_wait3A_1967 = arith.constant 256 : i32
    %dma_wait3A_1968 = arith.constant 0 : i32
    %dma_wait3A_1969 = tpu.memref_slice %arg9[%dma_wait3A_1967, %dma_wait3A_1968] : memref<2048x16xf32, #tpu.memory_space<vmem>> -> memref<128x16xf32, #tpu.memory_space<vmem>>
    %dma_wait3A_1970 = arith.constant 256 : i32
    %dma_wait3A_1971 = tpu.memref_slice %arg8[%dma_wait3A_1970] : memref<2048xi32, #tpu.memory_space<vmem>> -> memref<128xi32, #tpu.memory_space<vmem>>
    %dma_wait3A_1972 = arith.constant 0 : i32
    %dma_wait3A_1973 = arith.constant 0 : i32
    %dma_wait3A_1974 = tpu.memref_slice %arg2[%dma_wait3A_1972, %dma_wait3A_1973] : memref<640x16xf32, #tpu.memory_space<hbm>> -> memref<640x16xf32, #tpu.memory_space<hbm>>
    tpu.wait_indirect_dma semaphore(%arg10 : memref<!tpu.dma_semaphore, #tpu.memory_space<semaphore_mem>>) src(%dma_wait3A_1974 : memref<640x16xf32, #tpu.memory_space<hbm>>) dst(%dma_wait3A_1969 : memref<128x16xf32, #tpu.memory_space<vmem>>)
    %add3A_1975 = arith.constant 256 : i32
    %add3A_1976 = arith.addi %mul3A_2, %add3A_1975 : i32
    %dma_start3A_1977 = arith.constant 256 : i32
    %dma_start3A_1978 = arith.constant 0 : i32
    %dma_start3A_1979 = tpu.memref_slice %arg9[%dma_start3A_1977, %dma_start3A_1978] : memref<2048x16xf32, #tpu.memory_space<vmem>> -> memref<128x16xf32, #tpu.memory_space<vmem>>
    %dma_start3A_1980 = arith.constant 0 : i32
    %dma_start3A_1981 = tpu.memref_slice %arg5[%add3A_1976, %dma_start3A_1980] : memref<32768x16xf32, #tpu.memory_space<hbm>> -> memref<128x16xf32, #tpu.memory_space<hbm>>
    %dma_start3A_1982 = arith.constant 0 : i32
    %dma_start3A_1983 = tpu.memref_slice %arg5[%add3A_1976, %dma_start3A_1982] : memref<32768x16xf32, #tpu.memory_space<hbm>> -> memref<128x16xf32, #tpu.memory_space<hbm>>
    %dma_start3A_1984 = arith.constant 256 : i32
    %dma_start3A_1985 = arith.constant 0 : i32
    %dma_start3A_1986 = tpu.memref_slice %arg9[%dma_start3A_1984, %dma_start3A_1985] : memref<2048x16xf32, #tpu.memory_space<vmem>> -> memref<128x16xf32, #tpu.memory_space<vmem>>
    tpu.enqueue_dma source(%dma_start3A_1986 : memref<128x16xf32, #tpu.memory_space<vmem>>) target(%dma_start3A_1983 : memref<128x16xf32, #tpu.memory_space<hbm>>) target_semaphore(%arg11 : memref<!tpu.dma_semaphore, #tpu.memory_space<semaphore_mem>>)
    %dma_wait3A_1987 = arith.constant 384 : i32
    %dma_wait3A_1988 = arith.constant 0 : i32
    %dma_wait3A_1989 = tpu.memref_slice %arg9[%dma_wait3A_1987, %dma_wait3A_1988] : memref<2048x16xf32, #tpu.memory_space<vmem>> -> memref<128x16xf32, #tpu.memory_space<vmem>>
    %dma_wait3A_1990 = arith.constant 384 : i32
    %dma_wait3A_1991 = tpu.memref_slice %arg8[%dma_wait3A_1990] : memref<2048xi32, #tpu.memory_space<vmem>> -> memref<128xi32, #tpu.memory_space<vmem>>
    %dma_wait3A_1992 = arith.constant 0 : i32
    %dma_wait3A_1993 = arith.constant 0 : i32
    %dma_wait3A_1994 = tpu.memref_slice %arg2[%dma_wait3A_1992, %dma_wait3A_1993] : memref<640x16xf32, #tpu.memory_space<hbm>> -> memref<640x16xf32, #tpu.memory_space<hbm>>
    tpu.wait_indirect_dma semaphore(%arg10 : memref<!tpu.dma_semaphore, #tpu.memory_space<semaphore_mem>>) src(%dma_wait3A_1994 : memref<640x16xf32, #tpu.memory_space<hbm>>) dst(%dma_wait3A_1989 : memref<128x16xf32, #tpu.memory_space<vmem>>)
    %add3A_1995 = arith.constant 384 : i32
    %add3A_1996 = arith.addi %mul3A_2, %add3A_1995 : i32
    %dma_start3A_1997 = arith.constant 384 : i32
    %dma_start3A_1998 = arith.constant 0 : i32
    %dma_start3A_1999 = tpu.memref_slice %arg9[%dma_start3A_1997, %dma_start3A_1998] : memref<2048x16xf32, #tpu.memory_space<vmem>> -> memref<128x16xf32, #tpu.memory_space<vmem>>
    %dma_start3A_2000 = arith.constant 0 : i32
    %dma_start3A_2001 = tpu.memref_slice %arg5[%add3A_1996, %dma_start3A_2000] : memref<32768x16xf32, #tpu.memory_space<hbm>> -> memref<128x16xf32, #tpu.memory_space<hbm>>
    %dma_start3A_2002 = arith.constant 0 : i32
    %dma_start3A_2003 = tpu.memref_slice %arg5[%add3A_1996, %dma_start3A_2002] : memref<32768x16xf32, #tpu.memory_space<hbm>> -> memref<128x16xf32, #tpu.memory_space<hbm>>
    %dma_start3A_2004 = arith.constant 384 : i32
    %dma_start3A_2005 = arith.constant 0 : i32
    %dma_start3A_2006 = tpu.memref_slice %arg9[%dma_start3A_2004, %dma_start3A_2005] : memref<2048x16xf32, #tpu.memory_space<vmem>> -> memref<128x16xf32, #tpu.memory_space<vmem>>
    tpu.enqueue_dma source(%dma_start3A_2006 : memref<128x16xf32, #tpu.memory_space<vmem>>) target(%dma_start3A_2003 : memref<128x16xf32, #tpu.memory_space<hbm>>) target_semaphore(%arg11 : memref<!tpu.dma_semaphore, #tpu.memory_space<semaphore_mem>>)
    %dma_wait3A_2007 = arith.constant 512 : i32
    %dma_wait3A_2008 = arith.constant 0 : i32
    %dma_wait3A_2009 = tpu.memref_slice %arg9[%dma_wait3A_2007, %dma_wait3A_2008] : memref<2048x16xf32, #tpu.memory_space<vmem>> -> memref<128x16xf32, #tpu.memory_space<vmem>>
    %dma_wait3A_2010 = arith.constant 512 : i32
    %dma_wait3A_2011 = tpu.memref_slice %arg8[%dma_wait3A_2010] : memref<2048xi32, #tpu.memory_space<vmem>> -> memref<128xi32, #tpu.memory_space<vmem>>
    %dma_wait3A_2012 = arith.constant 0 : i32
    %dma_wait3A_2013 = arith.constant 0 : i32
    %dma_wait3A_2014 = tpu.memref_slice %arg2[%dma_wait3A_2012, %dma_wait3A_2013] : memref<640x16xf32, #tpu.memory_space<hbm>> -> memref<640x16xf32, #tpu.memory_space<hbm>>
    tpu.wait_indirect_dma semaphore(%arg10 : memref<!tpu.dma_semaphore, #tpu.memory_space<semaphore_mem>>) src(%dma_wait3A_2014 : memref<640x16xf32, #tpu.memory_space<hbm>>) dst(%dma_wait3A_2009 : memref<128x16xf32, #tpu.memory_space<vmem>>)
    %add3A_2015 = arith.constant 512 : i32
    %add3A_2016 = arith.addi %mul3A_2, %add3A_2015 : i32
    %dma_start3A_2017 = arith.constant 512 : i32
    %dma_start3A_2018 = arith.constant 0 : i32
    %dma_start3A_2019 = tpu.memref_slice %arg9[%dma_start3A_2017, %dma_start3A_2018] : memref<2048x16xf32, #tpu.memory_space<vmem>> -> memref<128x16xf32, #tpu.memory_space<vmem>>
    %dma_start3A_2020 = arith.constant 0 : i32
    %dma_start3A_2021 = tpu.memref_slice %arg5[%add3A_2016, %dma_start3A_2020] : memref<32768x16xf32, #tpu.memory_space<hbm>> -> memref<128x16xf32, #tpu.memory_space<hbm>>
    %dma_start3A_2022 = arith.constant 0 : i32
    %dma_start3A_2023 = tpu.memref_slice %arg5[%add3A_2016, %dma_start3A_2022] : memref<32768x16xf32, #tpu.memory_space<hbm>> -> memref<128x16xf32, #tpu.memory_space<hbm>>
    %dma_start3A_2024 = arith.constant 512 : i32
    %dma_start3A_2025 = arith.constant 0 : i32
    %dma_start3A_2026 = tpu.memref_slice %arg9[%dma_start3A_2024, %dma_start3A_2025] : memref<2048x16xf32, #tpu.memory_space<vmem>> -> memref<128x16xf32, #tpu.memory_space<vmem>>
    tpu.enqueue_dma source(%dma_start3A_2026 : memref<128x16xf32, #tpu.memory_space<vmem>>) target(%dma_start3A_2023 : memref<128x16xf32, #tpu.memory_space<hbm>>) target_semaphore(%arg11 : memref<!tpu.dma_semaphore, #tpu.memory_space<semaphore_mem>>)
    %dma_wait3A_2027 = arith.constant 640 : i32
    %dma_wait3A_2028 = arith.constant 0 : i32
    %dma_wait3A_2029 = tpu.memref_slice %arg9[%dma_wait3A_2027, %dma_wait3A_2028] : memref<2048x16xf32, #tpu.memory_space<vmem>> -> memref<128x16xf32, #tpu.memory_space<vmem>>
    %dma_wait3A_2030 = arith.constant 640 : i32
    %dma_wait3A_2031 = tpu.memref_slice %arg8[%dma_wait3A_2030] : memref<2048xi32, #tpu.memory_space<vmem>> -> memref<128xi32, #tpu.memory_space<vmem>>
    %dma_wait3A_2032 = arith.constant 0 : i32
    %dma_wait3A_2033 = arith.constant 0 : i32
    %dma_wait3A_2034 = tpu.memref_slice %arg2[%dma_wait3A_2032, %dma_wait3A_2033] : memref<640x16xf32, #tpu.memory_space<hbm>> -> memref<640x16xf32, #tpu.memory_space<hbm>>
    tpu.wait_indirect_dma semaphore(%arg10 : memref<!tpu.dma_semaphore, #tpu.memory_space<semaphore_mem>>) src(%dma_wait3A_2034 : memref<640x16xf32, #tpu.memory_space<hbm>>) dst(%dma_wait3A_2029 : memref<128x16xf32, #tpu.memory_space<vmem>>)
    %add3A_2035 = arith.constant 640 : i32
    %add3A_2036 = arith.addi %mul3A_2, %add3A_2035 : i32
    %dma_start3A_2037 = arith.constant 640 : i32
    %dma_start3A_2038 = arith.constant 0 : i32
    %dma_start3A_2039 = tpu.memref_slice %arg9[%dma_start3A_2037, %dma_start3A_2038] : memref<2048x16xf32, #tpu.memory_space<vmem>> -> memref<128x16xf32, #tpu.memory_space<vmem>>
    %dma_start3A_2040 = arith.constant 0 : i32
    %dma_start3A_2041 = tpu.memref_slice %arg5[%add3A_2036, %dma_start3A_2040] : memref<32768x16xf32, #tpu.memory_space<hbm>> -> memref<128x16xf32, #tpu.memory_space<hbm>>
    %dma_start3A_2042 = arith.constant 0 : i32
    %dma_start3A_2043 = tpu.memref_slice %arg5[%add3A_2036, %dma_start3A_2042] : memref<32768x16xf32, #tpu.memory_space<hbm>> -> memref<128x16xf32, #tpu.memory_space<hbm>>
    %dma_start3A_2044 = arith.constant 640 : i32
    %dma_start3A_2045 = arith.constant 0 : i32
    %dma_start3A_2046 = tpu.memref_slice %arg9[%dma_start3A_2044, %dma_start3A_2045] : memref<2048x16xf32, #tpu.memory_space<vmem>> -> memref<128x16xf32, #tpu.memory_space<vmem>>
    tpu.enqueue_dma source(%dma_start3A_2046 : memref<128x16xf32, #tpu.memory_space<vmem>>) target(%dma_start3A_2043 : memref<128x16xf32, #tpu.memory_space<hbm>>) target_semaphore(%arg11 : memref<!tpu.dma_semaphore, #tpu.memory_space<semaphore_mem>>)
    %dma_wait3A_2047 = arith.constant 768 : i32
    %dma_wait3A_2048 = arith.constant 0 : i32
    %dma_wait3A_2049 = tpu.memref_slice %arg9[%dma_wait3A_2047, %dma_wait3A_2048] : memref<2048x16xf32, #tpu.memory_space<vmem>> -> memref<128x16xf32, #tpu.memory_space<vmem>>
    %dma_wait3A_2050 = arith.constant 768 : i32
    %dma_wait3A_2051 = tpu.memref_slice %arg8[%dma_wait3A_2050] : memref<2048xi32, #tpu.memory_space<vmem>> -> memref<128xi32, #tpu.memory_space<vmem>>
    %dma_wait3A_2052 = arith.constant 0 : i32
    %dma_wait3A_2053 = arith.constant 0 : i32
    %dma_wait3A_2054 = tpu.memref_slice %arg2[%dma_wait3A_2052, %dma_wait3A_2053] : memref<640x16xf32, #tpu.memory_space<hbm>> -> memref<640x16xf32, #tpu.memory_space<hbm>>
    tpu.wait_indirect_dma semaphore(%arg10 : memref<!tpu.dma_semaphore, #tpu.memory_space<semaphore_mem>>) src(%dma_wait3A_2054 : memref<640x16xf32, #tpu.memory_space<hbm>>) dst(%dma_wait3A_2049 : memref<128x16xf32, #tpu.memory_space<vmem>>)
    %add3A_2055 = arith.constant 768 : i32
    %add3A_2056 = arith.addi %mul3A_2, %add3A_2055 : i32
    %dma_start3A_2057 = arith.constant 768 : i32
    %dma_start3A_2058 = arith.constant 0 : i32
    %dma_start3A_2059 = tpu.memref_slice %arg9[%dma_start3A_2057, %dma_start3A_2058] : memref<2048x16xf32, #tpu.memory_space<vmem>> -> memref<128x16xf32, #tpu.memory_space<vmem>>
    %dma_start3A_2060 = arith.constant 0 : i32
    %dma_start3A_2061 = tpu.memref_slice %arg5[%add3A_2056, %dma_start3A_2060] : memref<32768x16xf32, #tpu.memory_space<hbm>> -> memref<128x16xf32, #tpu.memory_space<hbm>>
    %dma_start3A_2062 = arith.constant 0 : i32
    %dma_start3A_2063 = tpu.memref_slice %arg5[%add3A_2056, %dma_start3A_2062] : memref<32768x16xf32, #tpu.memory_space<hbm>> -> memref<128x16xf32, #tpu.memory_space<hbm>>
    %dma_start3A_2064 = arith.constant 768 : i32
    %dma_start3A_2065 = arith.constant 0 : i32
    %dma_start3A_2066 = tpu.memref_slice %arg9[%dma_start3A_2064, %dma_start3A_2065] : memref<2048x16xf32, #tpu.memory_space<vmem>> -> memref<128x16xf32, #tpu.memory_space<vmem>>
    tpu.enqueue_dma source(%dma_start3A_2066 : memref<128x16xf32, #tpu.memory_space<vmem>>) target(%dma_start3A_2063 : memref<128x16xf32, #tpu.memory_space<hbm>>) target_semaphore(%arg11 : memref<!tpu.dma_semaphore, #tpu.memory_space<semaphore_mem>>)
    %dma_wait3A_2067 = arith.constant 896 : i32
    %dma_wait3A_2068 = arith.constant 0 : i32
    %dma_wait3A_2069 = tpu.memref_slice %arg9[%dma_wait3A_2067, %dma_wait3A_2068] : memref<2048x16xf32, #tpu.memory_space<vmem>> -> memref<128x16xf32, #tpu.memory_space<vmem>>
    %dma_wait3A_2070 = arith.constant 896 : i32
    %dma_wait3A_2071 = tpu.memref_slice %arg8[%dma_wait3A_2070] : memref<2048xi32, #tpu.memory_space<vmem>> -> memref<128xi32, #tpu.memory_space<vmem>>
    %dma_wait3A_2072 = arith.constant 0 : i32
    %dma_wait3A_2073 = arith.constant 0 : i32
    %dma_wait3A_2074 = tpu.memref_slice %arg2[%dma_wait3A_2072, %dma_wait3A_2073] : memref<640x16xf32, #tpu.memory_space<hbm>> -> memref<640x16xf32, #tpu.memory_space<hbm>>
    tpu.wait_indirect_dma semaphore(%arg10 : memref<!tpu.dma_semaphore, #tpu.memory_space<semaphore_mem>>) src(%dma_wait3A_2074 : memref<640x16xf32, #tpu.memory_space<hbm>>) dst(%dma_wait3A_2069 : memref<128x16xf32, #tpu.memory_space<vmem>>)
    %add3A_2075 = arith.constant 896 : i32
    %add3A_2076 = arith.addi %mul3A_2, %add3A_2075 : i32
    %dma_start3A_2077 = arith.constant 896 : i32
    %dma_start3A_2078 = arith.constant 0 : i32
    %dma_start3A_2079 = tpu.memref_slice %arg9[%dma_start3A_2077, %dma_start3A_2078] : memref<2048x16xf32, #tpu.memory_space<vmem>> -> memref<128x16xf32, #tpu.memory_space<vmem>>
    %dma_start3A_2080 = arith.constant 0 : i32
    %dma_start3A_2081 = tpu.memref_slice %arg5[%add3A_2076, %dma_start3A_2080] : memref<32768x16xf32, #tpu.memory_space<hbm>> -> memref<128x16xf32, #tpu.memory_space<hbm>>
    %dma_start3A_2082 = arith.constant 0 : i32
    %dma_start3A_2083 = tpu.memref_slice %arg5[%add3A_2076, %dma_start3A_2082] : memref<32768x16xf32, #tpu.memory_space<hbm>> -> memref<128x16xf32, #tpu.memory_space<hbm>>
    %dma_start3A_2084 = arith.constant 896 : i32
    %dma_start3A_2085 = arith.constant 0 : i32
    %dma_start3A_2086 = tpu.memref_slice %arg9[%dma_start3A_2084, %dma_start3A_2085] : memref<2048x16xf32, #tpu.memory_space<vmem>> -> memref<128x16xf32, #tpu.memory_space<vmem>>
    tpu.enqueue_dma source(%dma_start3A_2086 : memref<128x16xf32, #tpu.memory_space<vmem>>) target(%dma_start3A_2083 : memref<128x16xf32, #tpu.memory_space<hbm>>) target_semaphore(%arg11 : memref<!tpu.dma_semaphore, #tpu.memory_space<semaphore_mem>>)
    %dma_wait3A_2087 = arith.constant 1024 : i32
    %dma_wait3A_2088 = arith.constant 0 : i32
    %dma_wait3A_2089 = tpu.memref_slice %arg9[%dma_wait3A_2087, %dma_wait3A_2088] : memref<2048x16xf32, #tpu.memory_space<vmem>> -> memref<128x16xf32, #tpu.memory_space<vmem>>
    %dma_wait3A_2090 = arith.constant 1024 : i32
    %dma_wait3A_2091 = tpu.memref_slice %arg8[%dma_wait3A_2090] : memref<2048xi32, #tpu.memory_space<vmem>> -> memref<128xi32, #tpu.memory_space<vmem>>
    %dma_wait3A_2092 = arith.constant 0 : i32
    %dma_wait3A_2093 = arith.constant 0 : i32
    %dma_wait3A_2094 = tpu.memref_slice %arg2[%dma_wait3A_2092, %dma_wait3A_2093] : memref<640x16xf32, #tpu.memory_space<hbm>> -> memref<640x16xf32, #tpu.memory_space<hbm>>
    tpu.wait_indirect_dma semaphore(%arg10 : memref<!tpu.dma_semaphore, #tpu.memory_space<semaphore_mem>>) src(%dma_wait3A_2094 : memref<640x16xf32, #tpu.memory_space<hbm>>) dst(%dma_wait3A_2089 : memref<128x16xf32, #tpu.memory_space<vmem>>)
    %add3A_2095 = arith.constant 1024 : i32
    %add3A_2096 = arith.addi %mul3A_2, %add3A_2095 : i32
    %dma_start3A_2097 = arith.constant 1024 : i32
    %dma_start3A_2098 = arith.constant 0 : i32
    %dma_start3A_2099 = tpu.memref_slice %arg9[%dma_start3A_2097, %dma_start3A_2098] : memref<2048x16xf32, #tpu.memory_space<vmem>> -> memref<128x16xf32, #tpu.memory_space<vmem>>
    %dma_start3A_2100 = arith.constant 0 : i32
    %dma_start3A_2101 = tpu.memref_slice %arg5[%add3A_2096, %dma_start3A_2100] : memref<32768x16xf32, #tpu.memory_space<hbm>> -> memref<128x16xf32, #tpu.memory_space<hbm>>
    %dma_start3A_2102 = arith.constant 0 : i32
    %dma_start3A_2103 = tpu.memref_slice %arg5[%add3A_2096, %dma_start3A_2102] : memref<32768x16xf32, #tpu.memory_space<hbm>> -> memref<128x16xf32, #tpu.memory_space<hbm>>
    %dma_start3A_2104 = arith.constant 1024 : i32
    %dma_start3A_2105 = arith.constant 0 : i32
    %dma_start3A_2106 = tpu.memref_slice %arg9[%dma_start3A_2104, %dma_start3A_2105] : memref<2048x16xf32, #tpu.memory_space<vmem>> -> memref<128x16xf32, #tpu.memory_space<vmem>>
    tpu.enqueue_dma source(%dma_start3A_2106 : memref<128x16xf32, #tpu.memory_space<vmem>>) target(%dma_start3A_2103 : memref<128x16xf32, #tpu.memory_space<hbm>>) target_semaphore(%arg11 : memref<!tpu.dma_semaphore, #tpu.memory_space<semaphore_mem>>)
    %dma_wait3A_2107 = arith.constant 1152 : i32
    %dma_wait3A_2108 = arith.constant 0 : i32
    %dma_wait3A_2109 = tpu.memref_slice %arg9[%dma_wait3A_2107, %dma_wait3A_2108] : memref<2048x16xf32, #tpu.memory_space<vmem>> -> memref<128x16xf32, #tpu.memory_space<vmem>>
    %dma_wait3A_2110 = arith.constant 1152 : i32
    %dma_wait3A_2111 = tpu.memref_slice %arg8[%dma_wait3A_2110] : memref<2048xi32, #tpu.memory_space<vmem>> -> memref<128xi32, #tpu.memory_space<vmem>>
    %dma_wait3A_2112 = arith.constant 0 : i32
    %dma_wait3A_2113 = arith.constant 0 : i32
    %dma_wait3A_2114 = tpu.memref_slice %arg2[%dma_wait3A_2112, %dma_wait3A_2113] : memref<640x16xf32, #tpu.memory_space<hbm>> -> memref<640x16xf32, #tpu.memory_space<hbm>>
    tpu.wait_indirect_dma semaphore(%arg10 : memref<!tpu.dma_semaphore, #tpu.memory_space<semaphore_mem>>) src(%dma_wait3A_2114 : memref<640x16xf32, #tpu.memory_space<hbm>>) dst(%dma_wait3A_2109 : memref<128x16xf32, #tpu.memory_space<vmem>>)
    %add3A_2115 = arith.constant 1152 : i32
    %add3A_2116 = arith.addi %mul3A_2, %add3A_2115 : i32
    %dma_start3A_2117 = arith.constant 1152 : i32
    %dma_start3A_2118 = arith.constant 0 : i32
    %dma_start3A_2119 = tpu.memref_slice %arg9[%dma_start3A_2117, %dma_start3A_2118] : memref<2048x16xf32, #tpu.memory_space<vmem>> -> memref<128x16xf32, #tpu.memory_space<vmem>>
    %dma_start3A_2120 = arith.constant 0 : i32
    %dma_start3A_2121 = tpu.memref_slice %arg5[%add3A_2116, %dma_start3A_2120] : memref<32768x16xf32, #tpu.memory_space<hbm>> -> memref<128x16xf32, #tpu.memory_space<hbm>>
    %dma_start3A_2122 = arith.constant 0 : i32
    %dma_start3A_2123 = tpu.memref_slice %arg5[%add3A_2116, %dma_start3A_2122] : memref<32768x16xf32, #tpu.memory_space<hbm>> -> memref<128x16xf32, #tpu.memory_space<hbm>>
    %dma_start3A_2124 = arith.constant 1152 : i32
    %dma_start3A_2125 = arith.constant 0 : i32
    %dma_start3A_2126 = tpu.memref_slice %arg9[%dma_start3A_2124, %dma_start3A_2125] : memref<2048x16xf32, #tpu.memory_space<vmem>> -> memref<128x16xf32, #tpu.memory_space<vmem>>
    tpu.enqueue_dma source(%dma_start3A_2126 : memref<128x16xf32, #tpu.memory_space<vmem>>) target(%dma_start3A_2123 : memref<128x16xf32, #tpu.memory_space<hbm>>) target_semaphore(%arg11 : memref<!tpu.dma_semaphore, #tpu.memory_space<semaphore_mem>>)
    %dma_wait3A_2127 = arith.constant 1280 : i32
    %dma_wait3A_2128 = arith.constant 0 : i32
    %dma_wait3A_2129 = tpu.memref_slice %arg9[%dma_wait3A_2127, %dma_wait3A_2128] : memref<2048x16xf32, #tpu.memory_space<vmem>> -> memref<128x16xf32, #tpu.memory_space<vmem>>
    %dma_wait3A_2130 = arith.constant 1280 : i32
    %dma_wait3A_2131 = tpu.memref_slice %arg8[%dma_wait3A_2130] : memref<2048xi32, #tpu.memory_space<vmem>> -> memref<128xi32, #tpu.memory_space<vmem>>
    %dma_wait3A_2132 = arith.constant 0 : i32
    %dma_wait3A_2133 = arith.constant 0 : i32
    %dma_wait3A_2134 = tpu.memref_slice %arg2[%dma_wait3A_2132, %dma_wait3A_2133] : memref<640x16xf32, #tpu.memory_space<hbm>> -> memref<640x16xf32, #tpu.memory_space<hbm>>
    tpu.wait_indirect_dma semaphore(%arg10 : memref<!tpu.dma_semaphore, #tpu.memory_space<semaphore_mem>>) src(%dma_wait3A_2134 : memref<640x16xf32, #tpu.memory_space<hbm>>) dst(%dma_wait3A_2129 : memref<128x16xf32, #tpu.memory_space<vmem>>)
    %add3A_2135 = arith.constant 1280 : i32
    %add3A_2136 = arith.addi %mul3A_2, %add3A_2135 : i32
    %dma_start3A_2137 = arith.constant 1280 : i32
    %dma_start3A_2138 = arith.constant 0 : i32
    %dma_start3A_2139 = tpu.memref_slice %arg9[%dma_start3A_2137, %dma_start3A_2138] : memref<2048x16xf32, #tpu.memory_space<vmem>> -> memref<128x16xf32, #tpu.memory_space<vmem>>
    %dma_start3A_2140 = arith.constant 0 : i32
    %dma_start3A_2141 = tpu.memref_slice %arg5[%add3A_2136, %dma_start3A_2140] : memref<32768x16xf32, #tpu.memory_space<hbm>> -> memref<128x16xf32, #tpu.memory_space<hbm>>
    %dma_start3A_2142 = arith.constant 0 : i32
    %dma_start3A_2143 = tpu.memref_slice %arg5[%add3A_2136, %dma_start3A_2142] : memref<32768x16xf32, #tpu.memory_space<hbm>> -> memref<128x16xf32, #tpu.memory_space<hbm>>
    %dma_start3A_2144 = arith.constant 1280 : i32
    %dma_start3A_2145 = arith.constant 0 : i32
    %dma_start3A_2146 = tpu.memref_slice %arg9[%dma_start3A_2144, %dma_start3A_2145] : memref<2048x16xf32, #tpu.memory_space<vmem>> -> memref<128x16xf32, #tpu.memory_space<vmem>>
    tpu.enqueue_dma source(%dma_start3A_2146 : memref<128x16xf32, #tpu.memory_space<vmem>>) target(%dma_start3A_2143 : memref<128x16xf32, #tpu.memory_space<hbm>>) target_semaphore(%arg11 : memref<!tpu.dma_semaphore, #tpu.memory_space<semaphore_mem>>)
    %dma_wait3A_2147 = arith.constant 1408 : i32
    %dma_wait3A_2148 = arith.constant 0 : i32
    %dma_wait3A_2149 = tpu.memref_slice %arg9[%dma_wait3A_2147, %dma_wait3A_2148] : memref<2048x16xf32, #tpu.memory_space<vmem>> -> memref<128x16xf32, #tpu.memory_space<vmem>>
    %dma_wait3A_2150 = arith.constant 1408 : i32
    %dma_wait3A_2151 = tpu.memref_slice %arg8[%dma_wait3A_2150] : memref<2048xi32, #tpu.memory_space<vmem>> -> memref<128xi32, #tpu.memory_space<vmem>>
    %dma_wait3A_2152 = arith.constant 0 : i32
    %dma_wait3A_2153 = arith.constant 0 : i32
    %dma_wait3A_2154 = tpu.memref_slice %arg2[%dma_wait3A_2152, %dma_wait3A_2153] : memref<640x16xf32, #tpu.memory_space<hbm>> -> memref<640x16xf32, #tpu.memory_space<hbm>>
    tpu.wait_indirect_dma semaphore(%arg10 : memref<!tpu.dma_semaphore, #tpu.memory_space<semaphore_mem>>) src(%dma_wait3A_2154 : memref<640x16xf32, #tpu.memory_space<hbm>>) dst(%dma_wait3A_2149 : memref<128x16xf32, #tpu.memory_space<vmem>>)
    %add3A_2155 = arith.constant 1408 : i32
    %add3A_2156 = arith.addi %mul3A_2, %add3A_2155 : i32
    %dma_start3A_2157 = arith.constant 1408 : i32
    %dma_start3A_2158 = arith.constant 0 : i32
    %dma_start3A_2159 = tpu.memref_slice %arg9[%dma_start3A_2157, %dma_start3A_2158] : memref<2048x16xf32, #tpu.memory_space<vmem>> -> memref<128x16xf32, #tpu.memory_space<vmem>>
    %dma_start3A_2160 = arith.constant 0 : i32
    %dma_start3A_2161 = tpu.memref_slice %arg5[%add3A_2156, %dma_start3A_2160] : memref<32768x16xf32, #tpu.memory_space<hbm>> -> memref<128x16xf32, #tpu.memory_space<hbm>>
    %dma_start3A_2162 = arith.constant 0 : i32
    %dma_start3A_2163 = tpu.memref_slice %arg5[%add3A_2156, %dma_start3A_2162] : memref<32768x16xf32, #tpu.memory_space<hbm>> -> memref<128x16xf32, #tpu.memory_space<hbm>>
    %dma_start3A_2164 = arith.constant 1408 : i32
    %dma_start3A_2165 = arith.constant 0 : i32
    %dma_start3A_2166 = tpu.memref_slice %arg9[%dma_start3A_2164, %dma_start3A_2165] : memref<2048x16xf32, #tpu.memory_space<vmem>> -> memref<128x16xf32, #tpu.memory_space<vmem>>
    tpu.enqueue_dma source(%dma_start3A_2166 : memref<128x16xf32, #tpu.memory_space<vmem>>) target(%dma_start3A_2163 : memref<128x16xf32, #tpu.memory_space<hbm>>) target_semaphore(%arg11 : memref<!tpu.dma_semaphore, #tpu.memory_space<semaphore_mem>>)
    %dma_wait3A_2167 = arith.constant 1536 : i32
    %dma_wait3A_2168 = arith.constant 0 : i32
    %dma_wait3A_2169 = tpu.memref_slice %arg9[%dma_wait3A_2167, %dma_wait3A_2168] : memref<2048x16xf32, #tpu.memory_space<vmem>> -> memref<128x16xf32, #tpu.memory_space<vmem>>
    %dma_wait3A_2170 = arith.constant 1536 : i32
    %dma_wait3A_2171 = tpu.memref_slice %arg8[%dma_wait3A_2170] : memref<2048xi32, #tpu.memory_space<vmem>> -> memref<128xi32, #tpu.memory_space<vmem>>
    %dma_wait3A_2172 = arith.constant 0 : i32
    %dma_wait3A_2173 = arith.constant 0 : i32
    %dma_wait3A_2174 = tpu.memref_slice %arg2[%dma_wait3A_2172, %dma_wait3A_2173] : memref<640x16xf32, #tpu.memory_space<hbm>> -> memref<640x16xf32, #tpu.memory_space<hbm>>
    tpu.wait_indirect_dma semaphore(%arg10 : memref<!tpu.dma_semaphore, #tpu.memory_space<semaphore_mem>>) src(%dma_wait3A_2174 : memref<640x16xf32, #tpu.memory_space<hbm>>) dst(%dma_wait3A_2169 : memref<128x16xf32, #tpu.memory_space<vmem>>)
    %add3A_2175 = arith.constant 1536 : i32
    %add3A_2176 = arith.addi %mul3A_2, %add3A_2175 : i32
    %dma_start3A_2177 = arith.constant 1536 : i32
    %dma_start3A_2178 = arith.constant 0 : i32
    %dma_start3A_2179 = tpu.memref_slice %arg9[%dma_start3A_2177, %dma_start3A_2178] : memref<2048x16xf32, #tpu.memory_space<vmem>> -> memref<128x16xf32, #tpu.memory_space<vmem>>
    %dma_start3A_2180 = arith.constant 0 : i32
    %dma_start3A_2181 = tpu.memref_slice %arg5[%add3A_2176, %dma_start3A_2180] : memref<32768x16xf32, #tpu.memory_space<hbm>> -> memref<128x16xf32, #tpu.memory_space<hbm>>
    %dma_start3A_2182 = arith.constant 0 : i32
    %dma_start3A_2183 = tpu.memref_slice %arg5[%add3A_2176, %dma_start3A_2182] : memref<32768x16xf32, #tpu.memory_space<hbm>> -> memref<128x16xf32, #tpu.memory_space<hbm>>
    %dma_start3A_2184 = arith.constant 1536 : i32
    %dma_start3A_2185 = arith.constant 0 : i32
    %dma_start3A_2186 = tpu.memref_slice %arg9[%dma_start3A_2184, %dma_start3A_2185] : memref<2048x16xf32, #tpu.memory_space<vmem>> -> memref<128x16xf32, #tpu.memory_space<vmem>>
    tpu.enqueue_dma source(%dma_start3A_2186 : memref<128x16xf32, #tpu.memory_space<vmem>>) target(%dma_start3A_2183 : memref<128x16xf32, #tpu.memory_space<hbm>>) target_semaphore(%arg11 : memref<!tpu.dma_semaphore, #tpu.memory_space<semaphore_mem>>)
    %dma_wait3A_2187 = arith.constant 1664 : i32
    %dma_wait3A_2188 = arith.constant 0 : i32
    %dma_wait3A_2189 = tpu.memref_slice %arg9[%dma_wait3A_2187, %dma_wait3A_2188] : memref<2048x16xf32, #tpu.memory_space<vmem>> -> memref<128x16xf32, #tpu.memory_space<vmem>>
    %dma_wait3A_2190 = arith.constant 1664 : i32
    %dma_wait3A_2191 = tpu.memref_slice %arg8[%dma_wait3A_2190] : memref<2048xi32, #tpu.memory_space<vmem>> -> memref<128xi32, #tpu.memory_space<vmem>>
    %dma_wait3A_2192 = arith.constant 0 : i32
    %dma_wait3A_2193 = arith.constant 0 : i32
    %dma_wait3A_2194 = tpu.memref_slice %arg2[%dma_wait3A_2192, %dma_wait3A_2193] : memref<640x16xf32, #tpu.memory_space<hbm>> -> memref<640x16xf32, #tpu.memory_space<hbm>>
    tpu.wait_indirect_dma semaphore(%arg10 : memref<!tpu.dma_semaphore, #tpu.memory_space<semaphore_mem>>) src(%dma_wait3A_2194 : memref<640x16xf32, #tpu.memory_space<hbm>>) dst(%dma_wait3A_2189 : memref<128x16xf32, #tpu.memory_space<vmem>>)
    %add3A_2195 = arith.constant 1664 : i32
    %add3A_2196 = arith.addi %mul3A_2, %add3A_2195 : i32
    %dma_start3A_2197 = arith.constant 1664 : i32
    %dma_start3A_2198 = arith.constant 0 : i32
    %dma_start3A_2199 = tpu.memref_slice %arg9[%dma_start3A_2197, %dma_start3A_2198] : memref<2048x16xf32, #tpu.memory_space<vmem>> -> memref<128x16xf32, #tpu.memory_space<vmem>>
    %dma_start3A_2200 = arith.constant 0 : i32
    %dma_start3A_2201 = tpu.memref_slice %arg5[%add3A_2196, %dma_start3A_2200] : memref<32768x16xf32, #tpu.memory_space<hbm>> -> memref<128x16xf32, #tpu.memory_space<hbm>>
    %dma_start3A_2202 = arith.constant 0 : i32
    %dma_start3A_2203 = tpu.memref_slice %arg5[%add3A_2196, %dma_start3A_2202] : memref<32768x16xf32, #tpu.memory_space<hbm>> -> memref<128x16xf32, #tpu.memory_space<hbm>>
    %dma_start3A_2204 = arith.constant 1664 : i32
    %dma_start3A_2205 = arith.constant 0 : i32
    %dma_start3A_2206 = tpu.memref_slice %arg9[%dma_start3A_2204, %dma_start3A_2205] : memref<2048x16xf32, #tpu.memory_space<vmem>> -> memref<128x16xf32, #tpu.memory_space<vmem>>
    tpu.enqueue_dma source(%dma_start3A_2206 : memref<128x16xf32, #tpu.memory_space<vmem>>) target(%dma_start3A_2203 : memref<128x16xf32, #tpu.memory_space<hbm>>) target_semaphore(%arg11 : memref<!tpu.dma_semaphore, #tpu.memory_space<semaphore_mem>>)
    %dma_wait3A_2207 = arith.constant 1792 : i32
    %dma_wait3A_2208 = arith.constant 0 : i32
    %dma_wait3A_2209 = tpu.memref_slice %arg9[%dma_wait3A_2207, %dma_wait3A_2208] : memref<2048x16xf32, #tpu.memory_space<vmem>> -> memref<128x16xf32, #tpu.memory_space<vmem>>
    %dma_wait3A_2210 = arith.constant 1792 : i32
    %dma_wait3A_2211 = tpu.memref_slice %arg8[%dma_wait3A_2210] : memref<2048xi32, #tpu.memory_space<vmem>> -> memref<128xi32, #tpu.memory_space<vmem>>
    %dma_wait3A_2212 = arith.constant 0 : i32
    %dma_wait3A_2213 = arith.constant 0 : i32
    %dma_wait3A_2214 = tpu.memref_slice %arg2[%dma_wait3A_2212, %dma_wait3A_2213] : memref<640x16xf32, #tpu.memory_space<hbm>> -> memref<640x16xf32, #tpu.memory_space<hbm>>
    tpu.wait_indirect_dma semaphore(%arg10 : memref<!tpu.dma_semaphore, #tpu.memory_space<semaphore_mem>>) src(%dma_wait3A_2214 : memref<640x16xf32, #tpu.memory_space<hbm>>) dst(%dma_wait3A_2209 : memref<128x16xf32, #tpu.memory_space<vmem>>)
    %add3A_2215 = arith.constant 1792 : i32
    %add3A_2216 = arith.addi %mul3A_2, %add3A_2215 : i32
    %dma_start3A_2217 = arith.constant 1792 : i32
    %dma_start3A_2218 = arith.constant 0 : i32
    %dma_start3A_2219 = tpu.memref_slice %arg9[%dma_start3A_2217, %dma_start3A_2218] : memref<2048x16xf32, #tpu.memory_space<vmem>> -> memref<128x16xf32, #tpu.memory_space<vmem>>
    %dma_start3A_2220 = arith.constant 0 : i32
    %dma_start3A_2221 = tpu.memref_slice %arg5[%add3A_2216, %dma_start3A_2220] : memref<32768x16xf32, #tpu.memory_space<hbm>> -> memref<128x16xf32, #tpu.memory_space<hbm>>
    %dma_start3A_2222 = arith.constant 0 : i32
    %dma_start3A_2223 = tpu.memref_slice %arg5[%add3A_2216, %dma_start3A_2222] : memref<32768x16xf32, #tpu.memory_space<hbm>> -> memref<128x16xf32, #tpu.memory_space<hbm>>
    %dma_start3A_2224 = arith.constant 1792 : i32
    %dma_start3A_2225 = arith.constant 0 : i32
    %dma_start3A_2226 = tpu.memref_slice %arg9[%dma_start3A_2224, %dma_start3A_2225] : memref<2048x16xf32, #tpu.memory_space<vmem>> -> memref<128x16xf32, #tpu.memory_space<vmem>>
    tpu.enqueue_dma source(%dma_start3A_2226 : memref<128x16xf32, #tpu.memory_space<vmem>>) target(%dma_start3A_2223 : memref<128x16xf32, #tpu.memory_space<hbm>>) target_semaphore(%arg11 : memref<!tpu.dma_semaphore, #tpu.memory_space<semaphore_mem>>)
    %dma_wait3A_2227 = arith.constant 1920 : i32
    %dma_wait3A_2228 = arith.constant 0 : i32
    %dma_wait3A_2229 = tpu.memref_slice %arg9[%dma_wait3A_2227, %dma_wait3A_2228] : memref<2048x16xf32, #tpu.memory_space<vmem>> -> memref<128x16xf32, #tpu.memory_space<vmem>>
    %dma_wait3A_2230 = arith.constant 1920 : i32
    %dma_wait3A_2231 = tpu.memref_slice %arg8[%dma_wait3A_2230] : memref<2048xi32, #tpu.memory_space<vmem>> -> memref<128xi32, #tpu.memory_space<vmem>>
    %dma_wait3A_2232 = arith.constant 0 : i32
    %dma_wait3A_2233 = arith.constant 0 : i32
    %dma_wait3A_2234 = tpu.memref_slice %arg2[%dma_wait3A_2232, %dma_wait3A_2233] : memref<640x16xf32, #tpu.memory_space<hbm>> -> memref<640x16xf32, #tpu.memory_space<hbm>>
    tpu.wait_indirect_dma semaphore(%arg10 : memref<!tpu.dma_semaphore, #tpu.memory_space<semaphore_mem>>) src(%dma_wait3A_2234 : memref<640x16xf32, #tpu.memory_space<hbm>>) dst(%dma_wait3A_2229 : memref<128x16xf32, #tpu.memory_space<vmem>>)
    %add3A_2235 = arith.constant 1920 : i32
    %add3A_2236 = arith.addi %mul3A_2, %add3A_2235 : i32
    %dma_start3A_2237 = arith.constant 1920 : i32
    %dma_start3A_2238 = arith.constant 0 : i32
    %dma_start3A_2239 = tpu.memref_slice %arg9[%dma_start3A_2237, %dma_start3A_2238] : memref<2048x16xf32, #tpu.memory_space<vmem>> -> memref<128x16xf32, #tpu.memory_space<vmem>>
    %dma_start3A_2240 = arith.constant 0 : i32
    %dma_start3A_2241 = tpu.memref_slice %arg5[%add3A_2236, %dma_start3A_2240] : memref<32768x16xf32, #tpu.memory_space<hbm>> -> memref<128x16xf32, #tpu.memory_space<hbm>>
    %dma_start3A_2242 = arith.constant 0 : i32
    %dma_start3A_2243 = tpu.memref_slice %arg5[%add3A_2236, %dma_start3A_2242] : memref<32768x16xf32, #tpu.memory_space<hbm>> -> memref<128x16xf32, #tpu.memory_space<hbm>>
    %dma_start3A_2244 = arith.constant 1920 : i32
    %dma_start3A_2245 = arith.constant 0 : i32
    %dma_start3A_2246 = tpu.memref_slice %arg9[%dma_start3A_2244, %dma_start3A_2245] : memref<2048x16xf32, #tpu.memory_space<vmem>> -> memref<128x16xf32, #tpu.memory_space<vmem>>
    tpu.enqueue_dma source(%dma_start3A_2246 : memref<128x16xf32, #tpu.memory_space<vmem>>) target(%dma_start3A_2243 : memref<128x16xf32, #tpu.memory_space<hbm>>) target_semaphore(%arg11 : memref<!tpu.dma_semaphore, #tpu.memory_space<semaphore_mem>>)
    %dma_wait3A_2247 = arith.constant 0 : i32
    %dma_wait3A_2248 = arith.constant 0 : i32
    %dma_wait3A_2249 = tpu.memref_slice %arg9[%dma_wait3A_2247, %dma_wait3A_2248] : memref<2048x16xf32, #tpu.memory_space<vmem>> -> memref<128x16xf32, #tpu.memory_space<vmem>>
    %dma_wait3A_2250 = arith.constant 0 : i32
    %dma_wait3A_2251 = tpu.memref_slice %arg5[%add3A_1936, %dma_wait3A_2250] : memref<32768x16xf32, #tpu.memory_space<hbm>> -> memref<128x16xf32, #tpu.memory_space<hbm>>
    %dma_wait3A_2252 = arith.constant 0 : i32
    %dma_wait3A_2253 = tpu.memref_slice %arg5[%add3A_1936, %dma_wait3A_2252] : memref<32768x16xf32, #tpu.memory_space<hbm>> -> memref<128x16xf32, #tpu.memory_space<hbm>>
    %dma_wait3A_2254 = arith.constant 0 : i32
    %dma_wait3A_2255 = arith.constant 0 : i32
    %dma_wait3A_2256 = tpu.memref_slice %arg9[%dma_wait3A_2254, %dma_wait3A_2255] : memref<2048x16xf32, #tpu.memory_space<vmem>> -> memref<128x16xf32, #tpu.memory_space<vmem>>
    tpu.wait_dma2 semaphore(%arg11 : memref<!tpu.dma_semaphore, #tpu.memory_space<semaphore_mem>>) src(%dma_wait3A_2256 : memref<128x16xf32, #tpu.memory_space<vmem>>) dst(%dma_wait3A_2253 : memref<128x16xf32, #tpu.memory_space<hbm>>)
    %dma_wait3A_2257 = arith.constant 128 : i32
    %dma_wait3A_2258 = arith.constant 0 : i32
    %dma_wait3A_2259 = tpu.memref_slice %arg9[%dma_wait3A_2257, %dma_wait3A_2258] : memref<2048x16xf32, #tpu.memory_space<vmem>> -> memref<128x16xf32, #tpu.memory_space<vmem>>
    %dma_wait3A_2260 = arith.constant 0 : i32
    %dma_wait3A_2261 = tpu.memref_slice %arg5[%add3A_1956, %dma_wait3A_2260] : memref<32768x16xf32, #tpu.memory_space<hbm>> -> memref<128x16xf32, #tpu.memory_space<hbm>>
    %dma_wait3A_2262 = arith.constant 0 : i32
    %dma_wait3A_2263 = tpu.memref_slice %arg5[%add3A_1956, %dma_wait3A_2262] : memref<32768x16xf32, #tpu.memory_space<hbm>> -> memref<128x16xf32, #tpu.memory_space<hbm>>
    %dma_wait3A_2264 = arith.constant 128 : i32
    %dma_wait3A_2265 = arith.constant 0 : i32
    %dma_wait3A_2266 = tpu.memref_slice %arg9[%dma_wait3A_2264, %dma_wait3A_2265] : memref<2048x16xf32, #tpu.memory_space<vmem>> -> memref<128x16xf32, #tpu.memory_space<vmem>>
    tpu.wait_dma2 semaphore(%arg11 : memref<!tpu.dma_semaphore, #tpu.memory_space<semaphore_mem>>) src(%dma_wait3A_2266 : memref<128x16xf32, #tpu.memory_space<vmem>>) dst(%dma_wait3A_2263 : memref<128x16xf32, #tpu.memory_space<hbm>>)
    %dma_wait3A_2267 = arith.constant 256 : i32
    %dma_wait3A_2268 = arith.constant 0 : i32
    %dma_wait3A_2269 = tpu.memref_slice %arg9[%dma_wait3A_2267, %dma_wait3A_2268] : memref<2048x16xf32, #tpu.memory_space<vmem>> -> memref<128x16xf32, #tpu.memory_space<vmem>>
    %dma_wait3A_2270 = arith.constant 0 : i32
    %dma_wait3A_2271 = tpu.memref_slice %arg5[%add3A_1976, %dma_wait3A_2270] : memref<32768x16xf32, #tpu.memory_space<hbm>> -> memref<128x16xf32, #tpu.memory_space<hbm>>
    %dma_wait3A_2272 = arith.constant 0 : i32
    %dma_wait3A_2273 = tpu.memref_slice %arg5[%add3A_1976, %dma_wait3A_2272] : memref<32768x16xf32, #tpu.memory_space<hbm>> -> memref<128x16xf32, #tpu.memory_space<hbm>>
    %dma_wait3A_2274 = arith.constant 256 : i32
    %dma_wait3A_2275 = arith.constant 0 : i32
    %dma_wait3A_2276 = tpu.memref_slice %arg9[%dma_wait3A_2274, %dma_wait3A_2275] : memref<2048x16xf32, #tpu.memory_space<vmem>> -> memref<128x16xf32, #tpu.memory_space<vmem>>
    tpu.wait_dma2 semaphore(%arg11 : memref<!tpu.dma_semaphore, #tpu.memory_space<semaphore_mem>>) src(%dma_wait3A_2276 : memref<128x16xf32, #tpu.memory_space<vmem>>) dst(%dma_wait3A_2273 : memref<128x16xf32, #tpu.memory_space<hbm>>)
    %dma_wait3A_2277 = arith.constant 384 : i32
    %dma_wait3A_2278 = arith.constant 0 : i32
    %dma_wait3A_2279 = tpu.memref_slice %arg9[%dma_wait3A_2277, %dma_wait3A_2278] : memref<2048x16xf32, #tpu.memory_space<vmem>> -> memref<128x16xf32, #tpu.memory_space<vmem>>
    %dma_wait3A_2280 = arith.constant 0 : i32
    %dma_wait3A_2281 = tpu.memref_slice %arg5[%add3A_1996, %dma_wait3A_2280] : memref<32768x16xf32, #tpu.memory_space<hbm>> -> memref<128x16xf32, #tpu.memory_space<hbm>>
    %dma_wait3A_2282 = arith.constant 0 : i32
    %dma_wait3A_2283 = tpu.memref_slice %arg5[%add3A_1996, %dma_wait3A_2282] : memref<32768x16xf32, #tpu.memory_space<hbm>> -> memref<128x16xf32, #tpu.memory_space<hbm>>
    %dma_wait3A_2284 = arith.constant 384 : i32
    %dma_wait3A_2285 = arith.constant 0 : i32
    %dma_wait3A_2286 = tpu.memref_slice %arg9[%dma_wait3A_2284, %dma_wait3A_2285] : memref<2048x16xf32, #tpu.memory_space<vmem>> -> memref<128x16xf32, #tpu.memory_space<vmem>>
    tpu.wait_dma2 semaphore(%arg11 : memref<!tpu.dma_semaphore, #tpu.memory_space<semaphore_mem>>) src(%dma_wait3A_2286 : memref<128x16xf32, #tpu.memory_space<vmem>>) dst(%dma_wait3A_2283 : memref<128x16xf32, #tpu.memory_space<hbm>>)
    %dma_wait3A_2287 = arith.constant 512 : i32
    %dma_wait3A_2288 = arith.constant 0 : i32
    %dma_wait3A_2289 = tpu.memref_slice %arg9[%dma_wait3A_2287, %dma_wait3A_2288] : memref<2048x16xf32, #tpu.memory_space<vmem>> -> memref<128x16xf32, #tpu.memory_space<vmem>>
    %dma_wait3A_2290 = arith.constant 0 : i32
    %dma_wait3A_2291 = tpu.memref_slice %arg5[%add3A_2016, %dma_wait3A_2290] : memref<32768x16xf32, #tpu.memory_space<hbm>> -> memref<128x16xf32, #tpu.memory_space<hbm>>
    %dma_wait3A_2292 = arith.constant 0 : i32
    %dma_wait3A_2293 = tpu.memref_slice %arg5[%add3A_2016, %dma_wait3A_2292] : memref<32768x16xf32, #tpu.memory_space<hbm>> -> memref<128x16xf32, #tpu.memory_space<hbm>>
    %dma_wait3A_2294 = arith.constant 512 : i32
    %dma_wait3A_2295 = arith.constant 0 : i32
    %dma_wait3A_2296 = tpu.memref_slice %arg9[%dma_wait3A_2294, %dma_wait3A_2295] : memref<2048x16xf32, #tpu.memory_space<vmem>> -> memref<128x16xf32, #tpu.memory_space<vmem>>
    tpu.wait_dma2 semaphore(%arg11 : memref<!tpu.dma_semaphore, #tpu.memory_space<semaphore_mem>>) src(%dma_wait3A_2296 : memref<128x16xf32, #tpu.memory_space<vmem>>) dst(%dma_wait3A_2293 : memref<128x16xf32, #tpu.memory_space<hbm>>)
    %dma_wait3A_2297 = arith.constant 640 : i32
    %dma_wait3A_2298 = arith.constant 0 : i32
    %dma_wait3A_2299 = tpu.memref_slice %arg9[%dma_wait3A_2297, %dma_wait3A_2298] : memref<2048x16xf32, #tpu.memory_space<vmem>> -> memref<128x16xf32, #tpu.memory_space<vmem>>
    %dma_wait3A_2300 = arith.constant 0 : i32
    %dma_wait3A_2301 = tpu.memref_slice %arg5[%add3A_2036, %dma_wait3A_2300] : memref<32768x16xf32, #tpu.memory_space<hbm>> -> memref<128x16xf32, #tpu.memory_space<hbm>>
    %dma_wait3A_2302 = arith.constant 0 : i32
    %dma_wait3A_2303 = tpu.memref_slice %arg5[%add3A_2036, %dma_wait3A_2302] : memref<32768x16xf32, #tpu.memory_space<hbm>> -> memref<128x16xf32, #tpu.memory_space<hbm>>
    %dma_wait3A_2304 = arith.constant 640 : i32
    %dma_wait3A_2305 = arith.constant 0 : i32
    %dma_wait3A_2306 = tpu.memref_slice %arg9[%dma_wait3A_2304, %dma_wait3A_2305] : memref<2048x16xf32, #tpu.memory_space<vmem>> -> memref<128x16xf32, #tpu.memory_space<vmem>>
    tpu.wait_dma2 semaphore(%arg11 : memref<!tpu.dma_semaphore, #tpu.memory_space<semaphore_mem>>) src(%dma_wait3A_2306 : memref<128x16xf32, #tpu.memory_space<vmem>>) dst(%dma_wait3A_2303 : memref<128x16xf32, #tpu.memory_space<hbm>>)
    %dma_wait3A_2307 = arith.constant 768 : i32
    %dma_wait3A_2308 = arith.constant 0 : i32
    %dma_wait3A_2309 = tpu.memref_slice %arg9[%dma_wait3A_2307, %dma_wait3A_2308] : memref<2048x16xf32, #tpu.memory_space<vmem>> -> memref<128x16xf32, #tpu.memory_space<vmem>>
    %dma_wait3A_2310 = arith.constant 0 : i32
    %dma_wait3A_2311 = tpu.memref_slice %arg5[%add3A_2056, %dma_wait3A_2310] : memref<32768x16xf32, #tpu.memory_space<hbm>> -> memref<128x16xf32, #tpu.memory_space<hbm>>
    %dma_wait3A_2312 = arith.constant 0 : i32
    %dma_wait3A_2313 = tpu.memref_slice %arg5[%add3A_2056, %dma_wait3A_2312] : memref<32768x16xf32, #tpu.memory_space<hbm>> -> memref<128x16xf32, #tpu.memory_space<hbm>>
    %dma_wait3A_2314 = arith.constant 768 : i32
    %dma_wait3A_2315 = arith.constant 0 : i32
    %dma_wait3A_2316 = tpu.memref_slice %arg9[%dma_wait3A_2314, %dma_wait3A_2315] : memref<2048x16xf32, #tpu.memory_space<vmem>> -> memref<128x16xf32, #tpu.memory_space<vmem>>
    tpu.wait_dma2 semaphore(%arg11 : memref<!tpu.dma_semaphore, #tpu.memory_space<semaphore_mem>>) src(%dma_wait3A_2316 : memref<128x16xf32, #tpu.memory_space<vmem>>) dst(%dma_wait3A_2313 : memref<128x16xf32, #tpu.memory_space<hbm>>)
    %dma_wait3A_2317 = arith.constant 896 : i32
    %dma_wait3A_2318 = arith.constant 0 : i32
    %dma_wait3A_2319 = tpu.memref_slice %arg9[%dma_wait3A_2317, %dma_wait3A_2318] : memref<2048x16xf32, #tpu.memory_space<vmem>> -> memref<128x16xf32, #tpu.memory_space<vmem>>
    %dma_wait3A_2320 = arith.constant 0 : i32
    %dma_wait3A_2321 = tpu.memref_slice %arg5[%add3A_2076, %dma_wait3A_2320] : memref<32768x16xf32, #tpu.memory_space<hbm>> -> memref<128x16xf32, #tpu.memory_space<hbm>>
    %dma_wait3A_2322 = arith.constant 0 : i32
    %dma_wait3A_2323 = tpu.memref_slice %arg5[%add3A_2076, %dma_wait3A_2322] : memref<32768x16xf32, #tpu.memory_space<hbm>> -> memref<128x16xf32, #tpu.memory_space<hbm>>
    %dma_wait3A_2324 = arith.constant 896 : i32
    %dma_wait3A_2325 = arith.constant 0 : i32
    %dma_wait3A_2326 = tpu.memref_slice %arg9[%dma_wait3A_2324, %dma_wait3A_2325] : memref<2048x16xf32, #tpu.memory_space<vmem>> -> memref<128x16xf32, #tpu.memory_space<vmem>>
    tpu.wait_dma2 semaphore(%arg11 : memref<!tpu.dma_semaphore, #tpu.memory_space<semaphore_mem>>) src(%dma_wait3A_2326 : memref<128x16xf32, #tpu.memory_space<vmem>>) dst(%dma_wait3A_2323 : memref<128x16xf32, #tpu.memory_space<hbm>>)
    %dma_wait3A_2327 = arith.constant 1024 : i32
    %dma_wait3A_2328 = arith.constant 0 : i32
    %dma_wait3A_2329 = tpu.memref_slice %arg9[%dma_wait3A_2327, %dma_wait3A_2328] : memref<2048x16xf32, #tpu.memory_space<vmem>> -> memref<128x16xf32, #tpu.memory_space<vmem>>
    %dma_wait3A_2330 = arith.constant 0 : i32
    %dma_wait3A_2331 = tpu.memref_slice %arg5[%add3A_2096, %dma_wait3A_2330] : memref<32768x16xf32, #tpu.memory_space<hbm>> -> memref<128x16xf32, #tpu.memory_space<hbm>>
    %dma_wait3A_2332 = arith.constant 0 : i32
    %dma_wait3A_2333 = tpu.memref_slice %arg5[%add3A_2096, %dma_wait3A_2332] : memref<32768x16xf32, #tpu.memory_space<hbm>> -> memref<128x16xf32, #tpu.memory_space<hbm>>
    %dma_wait3A_2334 = arith.constant 1024 : i32
    %dma_wait3A_2335 = arith.constant 0 : i32
    %dma_wait3A_2336 = tpu.memref_slice %arg9[%dma_wait3A_2334, %dma_wait3A_2335] : memref<2048x16xf32, #tpu.memory_space<vmem>> -> memref<128x16xf32, #tpu.memory_space<vmem>>
    tpu.wait_dma2 semaphore(%arg11 : memref<!tpu.dma_semaphore, #tpu.memory_space<semaphore_mem>>) src(%dma_wait3A_2336 : memref<128x16xf32, #tpu.memory_space<vmem>>) dst(%dma_wait3A_2333 : memref<128x16xf32, #tpu.memory_space<hbm>>)
    %dma_wait3A_2337 = arith.constant 1152 : i32
    %dma_wait3A_2338 = arith.constant 0 : i32
    %dma_wait3A_2339 = tpu.memref_slice %arg9[%dma_wait3A_2337, %dma_wait3A_2338] : memref<2048x16xf32, #tpu.memory_space<vmem>> -> memref<128x16xf32, #tpu.memory_space<vmem>>
    %dma_wait3A_2340 = arith.constant 0 : i32
    %dma_wait3A_2341 = tpu.memref_slice %arg5[%add3A_2116, %dma_wait3A_2340] : memref<32768x16xf32, #tpu.memory_space<hbm>> -> memref<128x16xf32, #tpu.memory_space<hbm>>
    %dma_wait3A_2342 = arith.constant 0 : i32
    %dma_wait3A_2343 = tpu.memref_slice %arg5[%add3A_2116, %dma_wait3A_2342] : memref<32768x16xf32, #tpu.memory_space<hbm>> -> memref<128x16xf32, #tpu.memory_space<hbm>>
    %dma_wait3A_2344 = arith.constant 1152 : i32
    %dma_wait3A_2345 = arith.constant 0 : i32
    %dma_wait3A_2346 = tpu.memref_slice %arg9[%dma_wait3A_2344, %dma_wait3A_2345] : memref<2048x16xf32, #tpu.memory_space<vmem>> -> memref<128x16xf32, #tpu.memory_space<vmem>>
    tpu.wait_dma2 semaphore(%arg11 : memref<!tpu.dma_semaphore, #tpu.memory_space<semaphore_mem>>) src(%dma_wait3A_2346 : memref<128x16xf32, #tpu.memory_space<vmem>>) dst(%dma_wait3A_2343 : memref<128x16xf32, #tpu.memory_space<hbm>>)
    %dma_wait3A_2347 = arith.constant 1280 : i32
    %dma_wait3A_2348 = arith.constant 0 : i32
    %dma_wait3A_2349 = tpu.memref_slice %arg9[%dma_wait3A_2347, %dma_wait3A_2348] : memref<2048x16xf32, #tpu.memory_space<vmem>> -> memref<128x16xf32, #tpu.memory_space<vmem>>
    %dma_wait3A_2350 = arith.constant 0 : i32
    %dma_wait3A_2351 = tpu.memref_slice %arg5[%add3A_2136, %dma_wait3A_2350] : memref<32768x16xf32, #tpu.memory_space<hbm>> -> memref<128x16xf32, #tpu.memory_space<hbm>>
    %dma_wait3A_2352 = arith.constant 0 : i32
    %dma_wait3A_2353 = tpu.memref_slice %arg5[%add3A_2136, %dma_wait3A_2352] : memref<32768x16xf32, #tpu.memory_space<hbm>> -> memref<128x16xf32, #tpu.memory_space<hbm>>
    %dma_wait3A_2354 = arith.constant 1280 : i32
    %dma_wait3A_2355 = arith.constant 0 : i32
    %dma_wait3A_2356 = tpu.memref_slice %arg9[%dma_wait3A_2354, %dma_wait3A_2355] : memref<2048x16xf32, #tpu.memory_space<vmem>> -> memref<128x16xf32, #tpu.memory_space<vmem>>
    tpu.wait_dma2 semaphore(%arg11 : memref<!tpu.dma_semaphore, #tpu.memory_space<semaphore_mem>>) src(%dma_wait3A_2356 : memref<128x16xf32, #tpu.memory_space<vmem>>) dst(%dma_wait3A_2353 : memref<128x16xf32, #tpu.memory_space<hbm>>)
    %dma_wait3A_2357 = arith.constant 1408 : i32
    %dma_wait3A_2358 = arith.constant 0 : i32
    %dma_wait3A_2359 = tpu.memref_slice %arg9[%dma_wait3A_2357, %dma_wait3A_2358] : memref<2048x16xf32, #tpu.memory_space<vmem>> -> memref<128x16xf32, #tpu.memory_space<vmem>>
    %dma_wait3A_2360 = arith.constant 0 : i32
    %dma_wait3A_2361 = tpu.memref_slice %arg5[%add3A_2156, %dma_wait3A_2360] : memref<32768x16xf32, #tpu.memory_space<hbm>> -> memref<128x16xf32, #tpu.memory_space<hbm>>
    %dma_wait3A_2362 = arith.constant 0 : i32
    %dma_wait3A_2363 = tpu.memref_slice %arg5[%add3A_2156, %dma_wait3A_2362] : memref<32768x16xf32, #tpu.memory_space<hbm>> -> memref<128x16xf32, #tpu.memory_space<hbm>>
    %dma_wait3A_2364 = arith.constant 1408 : i32
    %dma_wait3A_2365 = arith.constant 0 : i32
    %dma_wait3A_2366 = tpu.memref_slice %arg9[%dma_wait3A_2364, %dma_wait3A_2365] : memref<2048x16xf32, #tpu.memory_space<vmem>> -> memref<128x16xf32, #tpu.memory_space<vmem>>
    tpu.wait_dma2 semaphore(%arg11 : memref<!tpu.dma_semaphore, #tpu.memory_space<semaphore_mem>>) src(%dma_wait3A_2366 : memref<128x16xf32, #tpu.memory_space<vmem>>) dst(%dma_wait3A_2363 : memref<128x16xf32, #tpu.memory_space<hbm>>)
    %dma_wait3A_2367 = arith.constant 1536 : i32
    %dma_wait3A_2368 = arith.constant 0 : i32
    %dma_wait3A_2369 = tpu.memref_slice %arg9[%dma_wait3A_2367, %dma_wait3A_2368] : memref<2048x16xf32, #tpu.memory_space<vmem>> -> memref<128x16xf32, #tpu.memory_space<vmem>>
    %dma_wait3A_2370 = arith.constant 0 : i32
    %dma_wait3A_2371 = tpu.memref_slice %arg5[%add3A_2176, %dma_wait3A_2370] : memref<32768x16xf32, #tpu.memory_space<hbm>> -> memref<128x16xf32, #tpu.memory_space<hbm>>
    %dma_wait3A_2372 = arith.constant 0 : i32
    %dma_wait3A_2373 = tpu.memref_slice %arg5[%add3A_2176, %dma_wait3A_2372] : memref<32768x16xf32, #tpu.memory_space<hbm>> -> memref<128x16xf32, #tpu.memory_space<hbm>>
    %dma_wait3A_2374 = arith.constant 1536 : i32
    %dma_wait3A_2375 = arith.constant 0 : i32
    %dma_wait3A_2376 = tpu.memref_slice %arg9[%dma_wait3A_2374, %dma_wait3A_2375] : memref<2048x16xf32, #tpu.memory_space<vmem>> -> memref<128x16xf32, #tpu.memory_space<vmem>>
    tpu.wait_dma2 semaphore(%arg11 : memref<!tpu.dma_semaphore, #tpu.memory_space<semaphore_mem>>) src(%dma_wait3A_2376 : memref<128x16xf32, #tpu.memory_space<vmem>>) dst(%dma_wait3A_2373 : memref<128x16xf32, #tpu.memory_space<hbm>>)
    %dma_wait3A_2377 = arith.constant 1664 : i32
    %dma_wait3A_2378 = arith.constant 0 : i32
    %dma_wait3A_2379 = tpu.memref_slice %arg9[%dma_wait3A_2377, %dma_wait3A_2378] : memref<2048x16xf32, #tpu.memory_space<vmem>> -> memref<128x16xf32, #tpu.memory_space<vmem>>
    %dma_wait3A_2380 = arith.constant 0 : i32
    %dma_wait3A_2381 = tpu.memref_slice %arg5[%add3A_2196, %dma_wait3A_2380] : memref<32768x16xf32, #tpu.memory_space<hbm>> -> memref<128x16xf32, #tpu.memory_space<hbm>>
    %dma_wait3A_2382 = arith.constant 0 : i32
    %dma_wait3A_2383 = tpu.memref_slice %arg5[%add3A_2196, %dma_wait3A_2382] : memref<32768x16xf32, #tpu.memory_space<hbm>> -> memref<128x16xf32, #tpu.memory_space<hbm>>
    %dma_wait3A_2384 = arith.constant 1664 : i32
    %dma_wait3A_2385 = arith.constant 0 : i32
    %dma_wait3A_2386 = tpu.memref_slice %arg9[%dma_wait3A_2384, %dma_wait3A_2385] : memref<2048x16xf32, #tpu.memory_space<vmem>> -> memref<128x16xf32, #tpu.memory_space<vmem>>
    tpu.wait_dma2 semaphore(%arg11 : memref<!tpu.dma_semaphore, #tpu.memory_space<semaphore_mem>>) src(%dma_wait3A_2386 : memref<128x16xf32, #tpu.memory_space<vmem>>) dst(%dma_wait3A_2383 : memref<128x16xf32, #tpu.memory_space<hbm>>)
    %dma_wait3A_2387 = arith.constant 1792 : i32
    %dma_wait3A_2388 = arith.constant 0 : i32
    %dma_wait3A_2389 = tpu.memref_slice %arg9[%dma_wait3A_2387, %dma_wait3A_2388] : memref<2048x16xf32, #tpu.memory_space<vmem>> -> memref<128x16xf32, #tpu.memory_space<vmem>>
    %dma_wait3A_2390 = arith.constant 0 : i32
    %dma_wait3A_2391 = tpu.memref_slice %arg5[%add3A_2216, %dma_wait3A_2390] : memref<32768x16xf32, #tpu.memory_space<hbm>> -> memref<128x16xf32, #tpu.memory_space<hbm>>
    %dma_wait3A_2392 = arith.constant 0 : i32
    %dma_wait3A_2393 = tpu.memref_slice %arg5[%add3A_2216, %dma_wait3A_2392] : memref<32768x16xf32, #tpu.memory_space<hbm>> -> memref<128x16xf32, #tpu.memory_space<hbm>>
    %dma_wait3A_2394 = arith.constant 1792 : i32
    %dma_wait3A_2395 = arith.constant 0 : i32
    %dma_wait3A_2396 = tpu.memref_slice %arg9[%dma_wait3A_2394, %dma_wait3A_2395] : memref<2048x16xf32, #tpu.memory_space<vmem>> -> memref<128x16xf32, #tpu.memory_space<vmem>>
    tpu.wait_dma2 semaphore(%arg11 : memref<!tpu.dma_semaphore, #tpu.memory_space<semaphore_mem>>) src(%dma_wait3A_2396 : memref<128x16xf32, #tpu.memory_space<vmem>>) dst(%dma_wait3A_2393 : memref<128x16xf32, #tpu.memory_space<hbm>>)
    %dma_wait3A_2397 = arith.constant 1920 : i32
    %dma_wait3A_2398 = arith.constant 0 : i32
    %dma_wait3A_2399 = tpu.memref_slice %arg9[%dma_wait3A_2397, %dma_wait3A_2398] : memref<2048x16xf32, #tpu.memory_space<vmem>> -> memref<128x16xf32, #tpu.memory_space<vmem>>
    %dma_wait3A_2400 = arith.constant 0 : i32
    %dma_wait3A_2401 = tpu.memref_slice %arg5[%add3A_2236, %dma_wait3A_2400] : memref<32768x16xf32, #tpu.memory_space<hbm>> -> memref<128x16xf32, #tpu.memory_space<hbm>>
    %dma_wait3A_2402 = arith.constant 0 : i32
    %dma_wait3A_2403 = tpu.memref_slice %arg5[%add3A_2236, %dma_wait3A_2402] : memref<32768x16xf32, #tpu.memory_space<hbm>> -> memref<128x16xf32, #tpu.memory_space<hbm>>
    %dma_wait3A_2404 = arith.constant 1920 : i32
    %dma_wait3A_2405 = arith.constant 0 : i32
    %dma_wait3A_2406 = tpu.memref_slice %arg9[%dma_wait3A_2404, %dma_wait3A_2405] : memref<2048x16xf32, #tpu.memory_space<vmem>> -> memref<128x16xf32, #tpu.memory_space<vmem>>
    tpu.wait_dma2 semaphore(%arg11 : memref<!tpu.dma_semaphore, #tpu.memory_space<semaphore_mem>>) src(%dma_wait3A_2406 : memref<128x16xf32, #tpu.memory_space<vmem>>) dst(%dma_wait3A_2403 : memref<128x16xf32, #tpu.memory_space<hbm>>)
    return
  }
}

module attributes {stable_mosaic.version = 14 : i64} {
  func.func @_table_body(%arg0: memref<10x10xf32, #tpu.memory_space<vmem>>, %arg1: memref<64x10xf32, #tpu.memory_space<vmem>>, %arg2: memref<64x10xf32, #tpu.memory_space<vmem>>, %arg3: memref<64x10xf32, #tpu.memory_space<vmem>>, %arg4: memref<64x10xf32, #tpu.memory_space<vmem>>, %arg5: memref<10x10xf32, #tpu.memory_space<vmem>>, %arg6: memref<1x10xf32, #tpu.memory_space<vmem>>, %arg7: memref<10x10xf32, #tpu.memory_space<vmem>>, %arg8: memref<1x10xf32, #tpu.memory_space<vmem>>, %arg9: memref<640x16xf32, #tpu.memory_space<vmem>>) attributes {dimension_semantics = [], scalar_prefetch = 0 : i64, scratch_operands = 0 : i64, tpu.core_type = #tpu.core_type<tc>} {
    %get3A = arith.constant 0 : index
    %get3A_0 = arith.constant 0 : index
    %get3A_1 = vector.load %arg0[%get3A, %get3A_0] : memref<10x10xf32, #tpu.memory_space<vmem>>, vector<10x10xf32>
    %broadcast_in_dim3A = vector.shape_cast %get3A_1 : vector<10x10xf32> to vector<10x1x10xf32>
    %broadcast_in_dim3A_2 = vector.shape_cast %broadcast_in_dim3A : vector<10x1x10xf32> to vector<10x1x10xf32>
    %broadcast_in_dim3A_3 = vector.broadcast %broadcast_in_dim3A_2 : vector<10x1x10xf32> to vector<10x64x10xf32>
    %reshape3A = vector.shape_cast %broadcast_in_dim3A_3 : vector<10x64x10xf32> to vector<640x10xf32>
    %get3A_4 = arith.constant 0 : index
    %get3A_5 = arith.constant 0 : index
    %get3A_6 = vector.load %arg1[%get3A_4, %get3A_5] : memref<64x10xf32, #tpu.memory_space<vmem>>, vector<64x10xf32>
    %broadcast_in_dim3A_7 = vector.shape_cast %get3A_6 : vector<64x10xf32> to vector<1x64x10xf32>
    %broadcast_in_dim3A_8 = vector.shape_cast %broadcast_in_dim3A_7 : vector<1x64x10xf32> to vector<1x64x10xf32>
    %broadcast_in_dim3A_9 = vector.broadcast %broadcast_in_dim3A_8 : vector<1x64x10xf32> to vector<10x64x10xf32>
    %reshape3A_10 = vector.shape_cast %broadcast_in_dim3A_9 : vector<10x64x10xf32> to vector<640x10xf32>
    %get3A_11 = arith.constant 0 : index
    %get3A_12 = arith.constant 0 : index
    %get3A_13 = vector.load %arg2[%get3A_11, %get3A_12] : memref<64x10xf32, #tpu.memory_space<vmem>>, vector<64x10xf32>
    %broadcast_in_dim3A_14 = vector.shape_cast %get3A_13 : vector<64x10xf32> to vector<1x64x10xf32>
    %broadcast_in_dim3A_15 = vector.shape_cast %broadcast_in_dim3A_14 : vector<1x64x10xf32> to vector<1x64x10xf32>
    %broadcast_in_dim3A_16 = vector.broadcast %broadcast_in_dim3A_15 : vector<1x64x10xf32> to vector<10x64x10xf32>
    %reshape3A_17 = vector.shape_cast %broadcast_in_dim3A_16 : vector<10x64x10xf32> to vector<640x10xf32>
    %get3A_18 = arith.constant 0 : index
    %get3A_19 = arith.constant 0 : index
    %get3A_20 = vector.load %arg3[%get3A_18, %get3A_19] : memref<64x10xf32, #tpu.memory_space<vmem>>, vector<64x10xf32>
    %broadcast_in_dim3A_21 = vector.shape_cast %get3A_20 : vector<64x10xf32> to vector<1x64x10xf32>
    %broadcast_in_dim3A_22 = vector.shape_cast %broadcast_in_dim3A_21 : vector<1x64x10xf32> to vector<1x64x10xf32>
    %broadcast_in_dim3A_23 = vector.broadcast %broadcast_in_dim3A_22 : vector<1x64x10xf32> to vector<10x64x10xf32>
    %reshape3A_24 = vector.shape_cast %broadcast_in_dim3A_23 : vector<10x64x10xf32> to vector<640x10xf32>
    %get3A_25 = arith.constant 0 : index
    %get3A_26 = arith.constant 0 : index
    %get3A_27 = vector.load %arg4[%get3A_25, %get3A_26] : memref<64x10xf32, #tpu.memory_space<vmem>>, vector<64x10xf32>
    %broadcast_in_dim3A_28 = vector.shape_cast %get3A_27 : vector<64x10xf32> to vector<1x64x10xf32>
    %broadcast_in_dim3A_29 = vector.shape_cast %broadcast_in_dim3A_28 : vector<1x64x10xf32> to vector<1x64x10xf32>
    %broadcast_in_dim3A_30 = vector.broadcast %broadcast_in_dim3A_29 : vector<1x64x10xf32> to vector<10x64x10xf32>
    %reshape3A_31 = vector.shape_cast %broadcast_in_dim3A_30 : vector<10x64x10xf32> to vector<640x10xf32>
    %get3A_32 = arith.constant 0 : index
    %get3A_33 = arith.constant 0 : index
    %get3A_34 = vector.load %arg5[%get3A_32, %get3A_33] : memref<10x10xf32, #tpu.memory_space<vmem>>, vector<10x10xf32>
    %dot_general3A = arith.constant dense<0.000000e+00> : vector<640x10xf32>
    %dot_general3A_35 = tpu.matmul %reshape3A, %get3A_34, %dot_general3A {dimension_numbers = #tpu.dot_dimension_numbers<[1], [0], [0], [1], [0, 0, 1, 1], [], []>, transpose_lhs_hint = false} : vector<640x10xf32>, vector<10x10xf32>, vector<640x10xf32> -> vector<640x10xf32>
    %get3A_36 = arith.constant 0 : index
    %get3A_37 = arith.constant 0 : index
    %get3A_38 = vector.load %arg6[%get3A_36, %get3A_37] : memref<1x10xf32, #tpu.memory_space<vmem>>, vector<1x10xf32>
    %add3A = vector.broadcast %get3A_38 : vector<1x10xf32> to vector<640x10xf32>
    %add3A_39 = arith.addf %dot_general3A_35, %add3A : vector<640x10xf32>
    %mul3A = arith.mulf %reshape3A, %reshape3A_10 : vector<640x10xf32>
    %reduce_sum3A = arith.constant dense<0.000000e+00> : vector<640xf32>
    %reduce_sum3A_40 = vector.multi_reduction <add>, %mul3A, %reduce_sum3A [1] : vector<640x10xf32> to vector<640xf32>
    %broadcast_in_dim3A_41 = vector.shape_cast %reduce_sum3A_40 : vector<640xf32> to vector<640x1xf32>
    %mul3A_42 = arith.mulf %reshape3A, %reshape3A_17 : vector<640x10xf32>
    %reduce_sum3A_43 = arith.constant dense<0.000000e+00> : vector<640xf32>
    %reduce_sum3A_44 = vector.multi_reduction <add>, %mul3A_42, %reduce_sum3A_43 [1] : vector<640x10xf32> to vector<640xf32>
    %broadcast_in_dim3A_45 = vector.shape_cast %reduce_sum3A_44 : vector<640xf32> to vector<640x1xf32>
    %mul3A_46 = vector.broadcast %broadcast_in_dim3A_41 : vector<640x1xf32> to vector<640x10xf32>
    %mul3A_47 = arith.mulf %mul3A_46, %reshape3A_24 : vector<640x10xf32>
    %mul3A_48 = vector.broadcast %broadcast_in_dim3A_45 : vector<640x1xf32> to vector<640x10xf32>
    %mul3A_49 = arith.mulf %mul3A_48, %reshape3A_31 : vector<640x10xf32>
    %add3A_50 = arith.addf %mul3A_47, %mul3A_49 : vector<640x10xf32>
    %add3A_51 = arith.addf %add3A_39, %add3A_50 : vector<640x10xf32>
    %get3A_52 = arith.constant 0 : index
    %get3A_53 = arith.constant 0 : index
    %get3A_54 = vector.load %arg7[%get3A_52, %get3A_53] : memref<10x10xf32, #tpu.memory_space<vmem>>, vector<10x10xf32>
    %dot_general3A_55 = arith.constant dense<0.000000e+00> : vector<640x10xf32>
    %dot_general3A_56 = tpu.matmul %add3A_51, %get3A_54, %dot_general3A_55 {dimension_numbers = #tpu.dot_dimension_numbers<[1], [0], [0], [1], [0, 0, 1, 1], [], []>, transpose_lhs_hint = false} : vector<640x10xf32>, vector<10x10xf32>, vector<640x10xf32> -> vector<640x10xf32>
    %get3A_57 = arith.constant 0 : index
    %get3A_58 = arith.constant 0 : index
    %get3A_59 = vector.load %arg8[%get3A_57, %get3A_58] : memref<1x10xf32, #tpu.memory_space<vmem>>, vector<1x10xf32>
    %add3A_60 = vector.broadcast %get3A_59 : vector<1x10xf32> to vector<640x10xf32>
    %add3A_61 = arith.addf %dot_general3A_56, %add3A_60 : vector<640x10xf32>
    %swap3A = arith.constant 0 : index
    %swap3A_62 = arith.constant 0 : index
    %swap3A_63 = vector.load %arg9[%swap3A, %swap3A_62] : memref<640x16xf32, #tpu.memory_space<vmem>>, vector<640x10xf32>
    tpu.vector_store %arg9[%swap3A, %swap3A_62], %add3A_61 {strides = array<i32>} : memref<640x16xf32, #tpu.memory_space<vmem>>, vector<640x10xf32>,
    return
  }
}

</mosaic_0001>

<sc_bundles>
// kernel: kernel.4.cloned.1.call-start
scs
__scs_entry_jumppad:
0x0: {  	(pc) =	sbr.rel $0x88, $3  }
0x1: {  	(tag) =	ssettag $0x0;
	lr =	simm.s32 $0x1  }
0x2: {  	[smem:$0x3F98] =	sst lr;
	_ =	strace $0xD0000000  }
0x3: {  	_ = 	snop  }
0x4: {  	_ = 	snop  }
0x5: {  	_ = 	snop  }
0x6: {  	_ = 	snop  }
0x7: {  	_ = 	snop  }
__scs_overlays_trampoline_lowered:
0x8: {  	[smem:$0x3FA7] =	sst s0  }
0x9: {  	[smem:$0x3FA8] =	sst s1  }
0xa: {  	[smem:$0x3FA9] =	sst s2  }
0xb: {  	[smem:$0x3FAA] =	sst s3  }
0xc: {  	[smem:$0x3FAB] =	sst s4  }
0xd: {  	[smem:$0x3FAC] =	sst s5  }
0xe: {  	[smem:$0x3FAD] =	sst s6  }
0xf: {  	[smem:$0x3FAE] =	sst s7  }
0x10: {  	[smem:$0x3FAF] =	sst s8  }
0x11: {  	[smem:$0x3FB0] =	sst s9;
	s0 =	simm.s32 @!p0 $0x0  }
0x12: {  	s1 =	sld [smem:$0x3F96];
	s0 =	simm.s32 @p0 $0x1  }
0x13: {  	[smem:$0x3FB1] =	sst s0;
	s0 =	simm.s32 @!p1 $0x0  }
0x14: {  	s2 =	sld [smem:$0x3F95];
	s0 =	simm.s32 @p1 $0x1  }
0x15: {  	[smem:$0x3FB2] =	sst s0;
	s0 =	simm.s32 @!p2 $0x0  }
0x16: {  	s3 =	sld [smem:$0x3FDB];
	s0 =	simm.s32 @p2 $0x1  }
0x17: {  	s4 =	simm.s32 $0x1BF5;
	[smem:$0x3FB4] =	sst s0  }
0x18: {  	s0 =	sld [smem:$0x3F97];
	_ =	swait.ge [sflag:s4], $0x0  }
0x19: {  	s7 =	sld [smem:$0x3F98]  }
0x1a: {  	s8 =	sadd.s32 $0xFFFFE003, lr  }
0x1b: {  	s9 =	sadd.s32 $0xFFFFFEF7, lr;
	s5 =	simm.s32 $0xFFFFFFFF;
	p2 =	slt.u32 s8, $0xFFFFF086  }
0x1c: {  	p1 =	slt.u32 s9, $0xF7A;
	s5 =	simm.s32 @!p2 $0x0  }
0x1d: {  	s5 =	simm.s32 @p1 $0x1;
	p0 =	seq.s32 s7, s2  }
0x1e: {  	s7 =	smul.u32 @!p0 $0xF7A, s2;
	p2 =	seq.s32 @!p0 s5, $0x0  }
0x1f: {  	s9 =	smul.u32 $0xF7A, s1;
	s8 =	simm.s32 @!p0 $0x1BF5;
	p2 =	por !p2, p0  }
0x20: {  	[sflag:s8] =	ssyncset.s32 @!p0 $0xFFFFF086;
	s6 =	sadd.s32 @!p0 s3, s7;
	s7 =	simm.s32 @!p0 $0x108  }
0x21: {  	s3 =	sadd.s32 s3, s9;
	s6 =	sadd.s32 @!p0 $0x88, s6;
	s7 =	simm.s32 @p2 $0x1082  }
0x22: {  	[simem:s7], [sflag:s8] =	dma.local @!p0 [hbm:s6], $0xF7A  }
0x23: {  	s9 =	sor.u32 $0xD0000000, s2;
	s6 =	simm.s32 $0x108;
	_ =	swait.ge @!p0 [sflag:s8], $0x0  }
0x24: {  	s3 =	sadd.s32 $0x88, s3;
	s6 =	simm.s32 @!p1 $0x1082;
	[sflag:s4] =	ssyncset.s32 $0xFFFFF086  }
0x25: {  	[simem:s6], [sflag:s4] =	dma.local [hbm:s3], $0xF7A  }
0x26: {  	[smem:$0x3F98] =	sst s1;
	(tag) =	ssettag s2;
	_ =	strace s9  }
0x27: {  	s1 =	sld [smem:$0x3FA8]  }
0x28: {  	s2 =	sld [smem:$0x3FA9]  }
0x29: {  	s4 =	sld [smem:$0x3FAB]  }
0x2a: {  	p0 =	seq.s32 s5, $0x0;
	s5 =	sld [smem:$0x3FAC]  }
0x2b: {  	s6 =	sld [smem:$0x3FAD]  }
0x2c: {  	s7 =	sld [smem:$0x3FAE]  }
0x2d: {  	s3 =	simm.s32 $0x108;
	s8 =	sld [smem:$0x3FAF]  }
0x2e: {  	s3 =	simm.s32 @!p0 $0x1082;
	s9 =	sld [smem:$0x3FB0]  }
0x2f: {  	lr =	sadd.s32 s0, s3;
	s0 =	sld [smem:$0x3FA7]  }
0x30: {  	s3 =	sld [smem:$0x3FAA]  }
0x31: {  	[smem:$0x3FB3] =	sst s10  }
0x32: {  	s10 =	sld [smem:$0x3FB1];
	_ =	sdelay $0x3  }
0x33: {  	p0 =	seq.s32 s10, $0x1;
	s10 =	sld [smem:$0x3FB3];
	_ =	sdelay $0x3  }
0x34: {  	[smem:$0x3FB3] =	sst s10  }
0x35: {  	s10 =	sld [smem:$0x3FB2];
	_ =	sdelay $0x3  }
0x36: {  	p1 =	seq.s32 s10, $0x1;
	s10 =	sld [smem:$0x3FB3];
	_ =	sdelay $0x3  }
0x37: {  	[smem:$0x3FB3] =	sst s10  }
0x38: {  	s10 =	sld [smem:$0x3FB4]  }
0x39: {  	_ = 	snop;
	(pc) =	sbr.ind lr, $3  }
0x3a: {  	_ = 	snop  }
0x3b: {  	_ = 	snop  }
0x3c: {  	p2 =	seq.s32 s10, $0x1;
	s10 =	sld [smem:$0x3FB3]  }
0x3d: {  	_ =	shalt  }
0x3e: {  	_ =	shalt  }
0x3f: {  	_ =	shalt  }
0x40: {  	_ =	shalt  }
0x41: {  	_ =	shalt  }
0x42: {  	_ =	shalt  }
0x43: {  	_ =	shalt  }
0x44: {  	_ =	shalt  }
0x45: {  	_ =	shalt  }
0x46: {  	_ =	shalt  }
0x47: {  	_ =	shalt  }
0x48: {  	_ =	shalt  }
0x49: {  	_ =	shalt  }
0x4a: {  	_ =	shalt  }
0x4b: {  	_ =	shalt  }
0x4c: {  	_ =	shalt  }
0x4d: {  	_ =	shalt  }
0x4e: {  	_ =	shalt  }
0x4f: {  	_ =	shalt  }
0x50: {  	_ =	shalt  }
0x51: {  	_ =	shalt  }
0x52: {  	_ =	shalt  }
0x53: {  	_ =	shalt  }
0x54: {  	_ =	shalt  }
0x55: {  	_ =	shalt  }
0x56: {  	_ =	shalt  }
0x57: {  	_ =	shalt  }
0x58: {  	_ =	shalt  }
0x59: {  	_ =	shalt  }
0x5a: {  	_ =	shalt  }
0x5b: {  	_ =	shalt  }
0x5c: {  	_ =	shalt  }
0x5d: {  	_ =	shalt  }
0x5e: {  	_ =	shalt  }
0x5f: {  	_ =	shalt  }
0x60: {  	_ =	shalt  }
0x61: {  	_ =	shalt  }
0x62: {  	_ =	shalt  }
0x63: {  	_ =	shalt  }
0x64: {  	_ =	shalt  }
0x65: {  	_ =	shalt  }
0x66: {  	_ =	shalt  }
0x67: {  	_ =	shalt  }
0x68: {  	_ =	shalt  }
0x69: {  	_ =	shalt  }
0x6a: {  	_ =	shalt  }
0x6b: {  	_ =	shalt  }
0x6c: {  	_ =	shalt  }
0x6d: {  	_ =	shalt  }
0x6e: {  	_ =	shalt  }
0x6f: {  	_ =	shalt  }
0x70: {  	_ =	shalt  }
0x71: {  	_ =	shalt  }
0x72: {  	_ =	shalt  }
0x73: {  	_ =	shalt  }
0x74: {  	_ =	shalt  }
0x75: {  	_ =	shalt  }
0x76: {  	_ =	shalt  }
0x77: {  	_ =	shalt  }
0x78: {  	_ =	shalt  }
0x79: {  	_ =	shalt  }
0x7a: {  	_ =	shalt  }
0x7b: {  	_ =	shalt  }
0x7c: {  	_ =	shalt  }
0x7d: {  	_ =	shalt  }
0x7e: {  	_ =	shalt  }
0x7f: {  	_ =	shalt  }
0x80: {  	_ =	shalt  }
0x81: {  	_ =	shalt  }
0x82: {  	_ =	shalt  }
0x83: {  	_ =	shalt  }
0x84: {  	_ =	shalt  }
0x85: {  	_ =	shalt  }
0x86: {  	_ =	shalt  }
0x87: {  	_ =	shalt  }
.Lfunc_end0:
.L_simem_size_0:
called_computation_lowered:
.L_overlay_start_0:
0x88: {  	s0 =	sld [smem:$0x3FD9]  }
0x89: {  	s1 =	sld [smem:$0x3FFE];
	_ =	sdelay $0x3  }
0x8a: {  	s0 =	sadd.s32 s1, s0  }
0x8b: {  	[smem:$0x3FBF] =	sst s0  }
0x8c: {  	_ = 	snop  }
0x8d: {  	s0 =	sld [smem:$0x3FC9]  }
0x8e: {  	s16 =	sld [smem:$0x3FC6]  }
0x8f: {  	s2 =	sld [smem:$0x3FD0];
	(tm) =	ssettm $0x1  }
0x90: {  	s3 =	sld [smem:$0x3FFB];
	_ =	sdelay $0x3  }
0x91: {  	_ =	strace s3  }
0x92: {  	s3 =	sld [smem:$0x3FFC];
	_ =	sdelay $0x3  }
0x93: {  	_ =	strace s3  }
0x94: {  	s3 =	sld [smem:$0x3FFD];
	_ =	sdelay $0x3  }
0x95: {  	_ =	strace s3  }
0x96: {  	_ =	strace $0x8FFFFFFF  }
0x97: {  	s17 =	sld [smem:$0x3FDB];
	_ =	sdelay $0x1  }
0x98: {  	s4 =	simm.s32 $_scs_section_size  }
0x99: {  	s5 =	simm.s32 $_size__tile_overlayer_lowered;
	s6 =	simm.s32 $_tile_overlayer_lowered  }
0x9a: {  	s20 =	simm.s32 $0x1BFF;
	s19 =	sshll.u32 s6, $0x1;
	s3 =	sadd.s32 s4, s17  }
0x9b: {  	s7 =	simm.s32 $0x0;
	s18 =	sshll.u32 s5, $0x1;
	s5 =	sadd.s32 s19, s3  }
0x9c: {  	[timem:s7], [sflag:s20] =	dma.local [hbm:s5], s18  }
0x9d: {  	_ =	swait.ge [sflag:s20], s18  }
0x9e: {  	s4 =	ssub.s32 $0x0, s18;
	[sflag:s20] =	ssyncset.done $0x0  }
0x9f: {  	[sflag:s20] =	ssyncadd.s32 s4;
	_ =	sdelay $0x1  }
0xa0: {  	s21 =	simm.s32 $0x1B8B  }
0xa1: {  	_ =	swait.ge [sflag:s21], $0x1  }
0xa2: {  	[sflag:s21] =	ssyncset.done $0x0  }
0xa3: {  	s23 =	simm.s32 $0x1B8E;
	s22 =	sld [smem:$0x3FFE];
	[sflag:s21] =	ssyncadd.s32 $0xFFFFFFFF  }
0xa4: {  	s24 =	simm.s32 $execute0_lowered;
	[smem:$0x3FD2] =	sst s23  }
0xa5: {  	s5 =	sshll.u32 s24, $0x1;
	_ =	strace $0x80000046;
	[dreg:$0x1] =	wrdreg $0xFFFFFFFF  }
0xa6: {  	s25 =	simm.s32 $_size_execute0_lowered;
	s3 =	sadd.s32 s3, s5;
	[dreg:$0x0] =	wrdreg $0x0  }
0xa7: {  	s5 =	sshll.u32 s25, $0x1;
	[dreg:$0x2] =	wrdreg s3  }
0xa8: {  	[dreg:$0x3] =	wrdreg s5  }
0xa9: {  	[dreg:$0x4] =	wrdreg $0xC0  }
0xaa: {  	_ =	task [dreg:s7], $0x5FFFF  }
0xab: {  	[dreg:$0x1] =	wrdreg $0xFFFFFFFF  }
0xac: {  	[dreg:$0x0] =	wrdreg $0x60  }
0xad: {  	[dreg:$0x2] =	wrdreg s22  }
0xae: {  	[dreg:$0x3] =	wrdreg s0  }
0xaf: {  	[dreg:$0x4] =	wrdreg s16  }
0xb0: {  	[dreg:$0x5] =	wrdreg s2  }
0xb1: {  	[dreg:$0x6] =	wrdreg $0x9  }
0xb2: {  	_ =	task.clear_ibuf [dreg:s7], $0x7FFFF;
	_ =	strace $0x90000046  }
0xb3: {  	s26 =	simm.s32 $0x9;
	_ =	strace $0x80000048  }
0xb4: {  	_ =	swait.ge [sflag:s26], $0x1  }
0xb5: {  	[sflag:s26] =	ssyncadd.s32 $0xFFFFFFFF  }
0xb6: {  	_ =	strace $0x90000048  }
0xb7: {  	_ =	sfence  }
0xb8: {  	s28 =	sld [smem:$0x0];
	_ =	sdelay $0x1  }
0xb9: {  	s29 =	srdreg.scid  }
0xba: {  	s30 =	sshll.u32 s29, $0xD;
	s31 =	sshrl.u32 s29, $0x2  }
0xbb: {  	s1 =	sand.u32 $0x1, s29;
	s2 =	sand.u32 $0x4000, s30;
	s0 =	sadd.s32 s31, s28  }
0xbc: {  	s1 =	sor.u32 s2, s1;
	s0 =	sshll.u32 s0, $0x11  }
0xbd: {  	s0 =	sor.u32 s0, s1  }
0xbe: {  	s0 =	sadd.s32 $0x8F2B, s0  }
0xbf: {  	[sflag:s0] =	ssyncadd.remote.s32 $0x1  }
0xc0: {  	_ =	sfence.sel $0xFFFF  }
0xc1: {  	[dreg:$0x0] =	wrdreg $0xFFFFFFFF;
	(pc) =	sbr.abs _section_cstart, $3  }
0xc2: {  	[dreg:$0x1] =	wrdreg $0xFFFFFFFF  }
0xc3: {  	_ =	task.clear_ibuf [dreg:s7], $0x2FFFF;
	_ =	strace $0x9FFFFFFF  }
0xc4: {  	(tm) =	ssettm $0x7FFFFFFF  }
0xc5: {  	_ =	shalt  }
tec
execute0_lowered:
.L_overlay_start_1:
0x0: {  	(tag) =	ssettag $0x1  }
0x1: {  	s5 =	rddreg [dreg:$0x0]  }
0x2: {  	s3 =	rddreg [dreg:$0x1]  }
0x3: {  	s6 =	rddreg [dreg:$0x2]  }
0x4: {  	s4 =	rddreg [dreg:$0x3];
	s2 =	simm.s32 $0x0;
	s1 =	stileid.u32  }
0x5: {  	[smem:$0x7FF] =	sst s2;
	s7 =	sshll.u32 s1, $0x8  }
0x6: {  	s0 =	rddreg [dreg:$0x4];
	_ =	strace $0x80000047;
	s3 =	sadd.s32 s3, s7  }
0x7: {  	[tilespmem:s2], [sflag:$0x1] =	stream.linear.gather [hbm4b:s3+s2], $0x800, $0x38;
	[tilespmem:$0x9800] =	vst v63  }
0x8: {  	s23 =	simm.s32 $0x800;
	s22 =	sadd.s32 s6, s7;
	s3 =	simm.s32 $0x1  }
0x9: {  	[tilespmem:s23], [sflag:$0x1] =	stream.linear.gather [hbm4b:s22+s2], $0x800, $0x38;
	[tilespmem:$0x9800] =	vst v63  }
0xa: {  	_ =	swait.ge [sflag:s3], $0x800  }
0xb: {  	[sflag:s3] =	ssyncset.done $0x0  }
0xc: {  	[sflag:s3] =	ssyncadd.s32 $0xFFFFF800  }
0xd: {  	_ =	swait.ge [sflag:s3], $0x800  }
0xe: {  	[sflag:s3] =	ssyncset.done $0x0  }
0xf: {  	[sflag:s3] =	ssyncadd.s32 $0xFFFFF800  }
0x10: {  	v0 =	vld [tilespmem:$0x0]  }
0x11: {  	v1 =	vld [tilespmem:$0x800]  }
0x12: {  	v2 =	vld [tilespmem:$0x10]  }
0x13: {  	v3 =	vld [tilespmem:$0x810]  }
0x14: {  	v4 =	vld [tilespmem:$0x20]  }
0x15: {  	v5 =	vld [tilespmem:$0x820]  }
0x16: {  	v6 =	vld [tilespmem:$0x30]  }
0x17: {  	v7 =	vld [tilespmem:$0x830]  }
0x18: {  	v8 =	vld [tilespmem:$0x40]  }
0x19: {  	v9 =	vld [tilespmem:$0x840]  }
0x1a: {  	v10 =	vld [tilespmem:$0x50]  }
0x1b: {  	v11 =	vld [tilespmem:$0x850]  }
0x1c: {  	v12 =	vld [tilespmem:$0x60];
	v0 =	vshll.u32 v0, $0x6  }
0x1d: {  	v45 =	vld [tilespmem:$0x860];
	v44 =	vshll.u32 v2, $0x6;
	v0 =	vadd.s32 v1, v0  }
0x1e: {  	v48 =	vld [tilespmem:$0x70];
	v47 =	vshll.u32 v4, $0x6;
	v46 =	vadd.s32 v3, v44;
	[tilespmem:$0x1000] =	vst v0  }
0x1f: {  	v51 =	vld [tilespmem:$0x870];
	v50 =	vshll.u32 v6, $0x6;
	v49 =	vadd.s32 v5, v47;
	[tilespmem:$0x1010] =	vst v46  }
0x20: {  	v53 =	vshll.u32 v8, $0x6;
	v52 =	vadd.s32 v7, v50;
	[tilespmem:$0x1020] =	vst v49  }
0x21: {  	v55 =	vshll.u32 v10, $0x6;
	v54 =	vadd.s32 v9, v53;
	[tilespmem:$0x1030] =	vst v52  }
0x22: {  	v57 =	vshll.u32 v12, $0x6;
	v56 =	vadd.s32 v11, v55;
	[tilespmem:$0x1040] =	vst v54  }
0x23: {  	v59 =	vshll.u32 v48, $0x6;
	v58 =	vadd.s32 v45, v57;
	[tilespmem:$0x1050] =	vst v56  }
0x24: {  	s8 =	simm.s32 $0x1000;
	v60 =	vadd.s32 v51, v59;
	[tilespmem:$0x1060] =	vst v58  }
0x25: {  	s5 =	sadd.s32 $0xE00, s5;
	s7 =	simm.s32 $0x80;
	s6 =	simm.s32 $0x1800;
	[tilespmem:$0x1070] =	vst v60  }
0x26: {  	[tilespmem:s6], [sflag:$0x1] =	stream.indirect.gather [hbm4b:s5+s7], $0x10, s8, s7, $0xb8;
	[tilespmem:$0x9800] =	vst v63  }
0x27: {  	v61 =	vld [tilespmem:$0x80]  }
0x28: {  	v62 =	vld [tilespmem:$0x880]  }
0x29: {  	v63 =	vld [tilespmem:$0x90]  }
0x2a: {  	v16 =	vld [tilespmem:$0x890]  }
0x2b: {  	v17 =	vld [tilespmem:$0xA0]  }
0x2c: {  	v18 =	vld [tilespmem:$0x8A0]  }
0x2d: {  	v19 =	vld [tilespmem:$0xB0]  }
0x2e: {  	v20 =	vld [tilespmem:$0x8B0]  }
0x2f: {  	v21 =	vld [tilespmem:$0xC0]  }
0x30: {  	v22 =	vld [tilespmem:$0x8C0]  }
0x31: {  	v23 =	vld [tilespmem:$0xD0]  }
0x32: {  	v24 =	vld [tilespmem:$0x8D0]  }
0x33: {  	v25 =	vld [tilespmem:$0xE0];
	v0 =	vshll.u32 v61, $0x6  }
0x34: {  	v27 =	vld [tilespmem:$0x8E0];
	v26 =	vshll.u32 v63, $0x6;
	v0 =	vadd.s32 v62, v0  }
0x35: {  	v30 =	vld [tilespmem:$0xF0];
	v29 =	vshll.u32 v17, $0x6;
	v28 =	vadd.s32 v16, v26;
	[tilespmem:$0x1080] =	vst v0  }
0x36: {  	v33 =	vld [tilespmem:$0x8F0];
	v32 =	vshll.u32 v19, $0x6;
	v31 =	vadd.s32 v18, v29;
	[tilespmem:$0x1090] =	vst v28  }
0x37: {  	v35 =	vshll.u32 v21, $0x6;
	v34 =	vadd.s32 v20, v32;
	[tilespmem:$0x10A0] =	vst v31  }
0x38: {  	v37 =	vshll.u32 v23, $0x6;
	v36 =	vadd.s32 v22, v35;
	[tilespmem:$0x10B0] =	vst v34  }
0x39: {  	v39 =	vshll.u32 v25, $0x6;
	v38 =	vadd.s32 v24, v37;
	[tilespmem:$0x10C0] =	vst v36  }
0x3a: {  	v41 =	vshll.u32 v30, $0x6;
	v40 =	vadd.s32 v27, v39;
	[tilespmem:$0x10D0] =	vst v38  }
0x3b: {  	v42 =	vadd.s32 v33, v41;
	[tilespmem:$0x10E0] =	vst v40  }
0x3c: {  	s9 =	simm.s32 $0x1080;
	s8 =	simm.s32 $0x2000;
	[tilespmem:$0x10F0] =	vst v42  }
0x3d: {  	[tilespmem:s8], [sflag:$0x1] =	stream.indirect.gather [hbm4b:s5+s7], $0x10, s9, s7, $0xb8;
	[tilespmem:$0x9800] =	vst v63  }
0x3e: {  	v43 =	vld [tilespmem:$0x100]  }
0x3f: {  	v44 =	vld [tilespmem:$0x900]  }
0x40: {  	v45 =	vld [tilespmem:$0x110]  }
0x41: {  	v46 =	vld [tilespmem:$0x910]  }
0x42: {  	v47 =	vld [tilespmem:$0x120]  }
0x43: {  	v48 =	vld [tilespmem:$0x920]  }
0x44: {  	v49 =	vld [tilespmem:$0x130]  }
0x45: {  	v50 =	vld [tilespmem:$0x930]  }
0x46: {  	v51 =	vld [tilespmem:$0x140]  }
0x47: {  	v52 =	vld [tilespmem:$0x940]  }
0x48: {  	v53 =	vld [tilespmem:$0x150]  }
0x49: {  	v54 =	vld [tilespmem:$0x950]  }
0x4a: {  	v55 =	vld [tilespmem:$0x160];
	v0 =	vshll.u32 v43, $0x6  }
0x4b: {  	v57 =	vld [tilespmem:$0x960];
	v56 =	vshll.u32 v45, $0x6;
	v0 =	vadd.s32 v44, v0  }
0x4c: {  	v60 =	vld [tilespmem:$0x170];
	v59 =	vshll.u32 v47, $0x6;
	v58 =	vadd.s32 v46, v56;
	[tilespmem:$0x1100] =	vst v0  }
0x4d: {  	v63 =	vld [tilespmem:$0x970];
	v62 =	vshll.u32 v49, $0x6;
	v61 =	vadd.s32 v48, v59;
	[tilespmem:$0x1110] =	vst v58  }
0x4e: {  	v13 =	vshll.u32 v51, $0x6;
	v7 =	vadd.s32 v50, v62;
	[tilespmem:$0x1120] =	vst v61  }
0x4f: {  	v15 =	vshll.u32 v53, $0x6;
	v14 =	vadd.s32 v52, v13;
	[tilespmem:$0x1130] =	vst v7  }
0x50: {  	v17 =	vshll.u32 v55, $0x6;
	v16 =	vadd.s32 v54, v15;
	[tilespmem:$0x1140] =	vst v14  }
0x51: {  	v19 =	vshll.u32 v60, $0x6;
	v18 =	vadd.s32 v57, v17;
	[tilespmem:$0x1150] =	vst v16  }
0x52: {  	v20 =	vadd.s32 v63, v19;
	[tilespmem:$0x1160] =	vst v18  }
0x53: {  	s10 =	simm.s32 $0x1100;
	s9 =	simm.s32 $0x2800;
	[tilespmem:$0x1170] =	vst v20  }
0x54: {  	[tilespmem:s9], [sflag:$0x1] =	stream.indirect.gather [hbm4b:s5+s7], $0x10, s10, s7, $0xb8;
	[tilespmem:$0x9800] =	vst v63  }
0x55: {  	v21 =	vld [tilespmem:$0x180]  }
0x56: {  	v22 =	vld [tilespmem:$0x980]  }
0x57: {  	v23 =	vld [tilespmem:$0x190]  }
0x58: {  	v24 =	vld [tilespmem:$0x990]  }
0x59: {  	v25 =	vld [tilespmem:$0x1A0]  }
0x5a: {  	v26 =	vld [tilespmem:$0x9A0]  }
0x5b: {  	v27 =	vld [tilespmem:$0x1B0]  }
0x5c: {  	v28 =	vld [tilespmem:$0x9B0]  }
0x5d: {  	v29 =	vld [tilespmem:$0x1C0]  }
0x5e: {  	v30 =	vld [tilespmem:$0x9C0]  }
0x5f: {  	v31 =	vld [tilespmem:$0x1D0]  }
0x60: {  	v32 =	vld [tilespmem:$0x9D0]  }
0x61: {  	v33 =	vld [tilespmem:$0x1E0];
	v0 =	vshll.u32 v21, $0x6  }
0x62: {  	v35 =	vld [tilespmem:$0x9E0];
	v34 =	vshll.u32 v23, $0x6;
	v0 =	vadd.s32 v22, v0  }
0x63: {  	v38 =	vld [tilespmem:$0x1F0];
	v37 =	vshll.u32 v25, $0x6;
	v36 =	vadd.s32 v24, v34;
	[tilespmem:$0x1180] =	vst v0  }
0x64: {  	v41 =	vld [tilespmem:$0x9F0];
	v40 =	vshll.u32 v27, $0x6;
	v39 =	vadd.s32 v26, v37;
	[tilespmem:$0x1190] =	vst v36  }
0x65: {  	v43 =	vshll.u32 v29, $0x6;
	v42 =	vadd.s32 v28, v40;
	[tilespmem:$0x11A0] =	vst v39  }
0x66: {  	v45 =	vshll.u32 v31, $0x6;
	v44 =	vadd.s32 v30, v43;
	[tilespmem:$0x11B0] =	vst v42  }
0x67: {  	v47 =	vshll.u32 v33, $0x6;
	v46 =	vadd.s32 v32, v45;
	[tilespmem:$0x11C0] =	vst v44  }
0x68: {  	v49 =	vshll.u32 v38, $0x6;
	v48 =	vadd.s32 v35, v47;
	[tilespmem:$0x11D0] =	vst v46  }
0x69: {  	v50 =	vadd.s32 v41, v49;
	[tilespmem:$0x11E0] =	vst v48  }
0x6a: {  	s11 =	simm.s32 $0x1180;
	s10 =	simm.s32 $0x3000;
	[tilespmem:$0x11F0] =	vst v50  }
0x6b: {  	[tilespmem:s10], [sflag:$0x1] =	stream.indirect.gather [hbm4b:s5+s7], $0x10, s11, s7, $0xb8;
	[tilespmem:$0x9800] =	vst v63  }
0x6c: {  	v51 =	vld [tilespmem:$0x200]  }
0x6d: {  	v52 =	vld [tilespmem:$0xA00]  }
0x6e: {  	v53 =	vld [tilespmem:$0x210]  }
0x6f: {  	v54 =	vld [tilespmem:$0xA10]  }
0x70: {  	v55 =	vld [tilespmem:$0x220]  }
0x71: {  	v56 =	vld [tilespmem:$0xA20]  }
0x72: {  	v57 =	vld [tilespmem:$0x230]  }
0x73: {  	v58 =	vld [tilespmem:$0xA30]  }
0x74: {  	v59 =	vld [tilespmem:$0x240]  }
0x75: {  	v60 =	vld [tilespmem:$0xA40]  }
0x76: {  	v61 =	vld [tilespmem:$0x250]  }
0x77: {  	v62 =	vld [tilespmem:$0xA50]  }
0x78: {  	v63 =	vld [tilespmem:$0x260];
	v0 =	vshll.u32 v51, $0x6  }
0x79: {  	v15 =	vld [tilespmem:$0xA60];
	v14 =	vshll.u32 v53, $0x6;
	v0 =	vadd.s32 v52, v0  }
0x7a: {  	v18 =	vld [tilespmem:$0x270];
	v17 =	vshll.u32 v55, $0x6;
	v16 =	vadd.s32 v54, v14;
	[tilespmem:$0x1200] =	vst v0  }
0x7b: {  	v21 =	vld [tilespmem:$0xA70];
	v20 =	vshll.u32 v57, $0x6;
	v19 =	vadd.s32 v56, v17;
	[tilespmem:$0x1210] =	vst v16  }
0x7c: {  	v23 =	vshll.u32 v59, $0x6;
	v22 =	vadd.s32 v58, v20;
	[tilespmem:$0x1220] =	vst v19  }
0x7d: {  	v25 =	vshll.u32 v61, $0x6;
	v24 =	vadd.s32 v60, v23;
	[tilespmem:$0x1230] =	vst v22  }
0x7e: {  	v27 =	vshll.u32 v63, $0x6;
	v26 =	vadd.s32 v62, v25;
	[tilespmem:$0x1240] =	vst v24  }
0x7f: {  	v29 =	vshll.u32 v18, $0x6;
	v28 =	vadd.s32 v15, v27;
	[tilespmem:$0x1250] =	vst v26  }
0x80: {  	v30 =	vadd.s32 v21, v29;
	[tilespmem:$0x1260] =	vst v28  }
0x81: {  	s12 =	simm.s32 $0x1200;
	s11 =	simm.s32 $0x3800;
	[tilespmem:$0x1270] =	vst v30  }
0x82: {  	[tilespmem:s11], [sflag:$0x1] =	stream.indirect.gather [hbm4b:s5+s7], $0x10, s12, s7, $0xb8;
	[tilespmem:$0x9800] =	vst v63  }
0x83: {  	v31 =	vld [tilespmem:$0x280]  }
0x84: {  	v32 =	vld [tilespmem:$0xA80]  }
0x85: {  	v33 =	vld [tilespmem:$0x290]  }
0x86: {  	v34 =	vld [tilespmem:$0xA90]  }
0x87: {  	v35 =	vld [tilespmem:$0x2A0]  }
0x88: {  	v36 =	vld [tilespmem:$0xAA0]  }
0x89: {  	v37 =	vld [tilespmem:$0x2B0]  }
0x8a: {  	v38 =	vld [tilespmem:$0xAB0]  }
0x8b: {  	v39 =	vld [tilespmem:$0x2C0]  }
0x8c: {  	v40 =	vld [tilespmem:$0xAC0]  }
0x8d: {  	v41 =	vld [tilespmem:$0x2D0]  }
0x8e: {  	v42 =	vld [tilespmem:$0xAD0]  }
0x8f: {  	v43 =	vld [tilespmem:$0x2E0];
	v0 =	vshll.u32 v31, $0x6  }
0x90: {  	v45 =	vld [tilespmem:$0xAE0];
	v44 =	vshll.u32 v33, $0x6;
	v0 =	vadd.s32 v32, v0  }
0x91: {  	v48 =	vld [tilespmem:$0x2F0];
	v47 =	vshll.u32 v35, $0x6;
	v46 =	vadd.s32 v34, v44;
	[tilespmem:$0x1280] =	vst v0  }
0x92: {  	v51 =	vld [tilespmem:$0xAF0];
	v50 =	vshll.u32 v37, $0x6;
	v49 =	vadd.s32 v36, v47;
	[tilespmem:$0x1290] =	vst v46  }
0x93: {  	v53 =	vshll.u32 v39, $0x6;
	v52 =	vadd.s32 v38, v50;
	[tilespmem:$0x12A0] =	vst v49  }
0x94: {  	v55 =	vshll.u32 v41, $0x6;
	v54 =	vadd.s32 v40, v53;
	[tilespmem:$0x12B0] =	vst v52  }
0x95: {  	v57 =	vshll.u32 v43, $0x6;
	v56 =	vadd.s32 v42, v55;
	[tilespmem:$0x12C0] =	vst v54  }
0x96: {  	v59 =	vshll.u32 v48, $0x6;
	v58 =	vadd.s32 v45, v57;
	[tilespmem:$0x12D0] =	vst v56  }
0x97: {  	v60 =	vadd.s32 v51, v59;
	[tilespmem:$0x12E0] =	vst v58  }
0x98: {  	s13 =	simm.s32 $0x1280;
	s12 =	simm.s32 $0x4000;
	[tilespmem:$0x12F0] =	vst v60  }
0x99: {  	[tilespmem:s12], [sflag:$0x1] =	stream.indirect.gather [hbm4b:s5+s7], $0x10, s13, s7, $0xb8;
	[tilespmem:$0x9800] =	vst v63  }
0x9a: {  	v61 =	vld [tilespmem:$0x300]  }
0x9b: {  	v62 =	vld [tilespmem:$0xB00]  }
0x9c: {  	v63 =	vld [tilespmem:$0x310]  }
0x9d: {  	v16 =	vld [tilespmem:$0xB10]  }
0x9e: {  	v17 =	vld [tilespmem:$0x320]  }
0x9f: {  	v18 =	vld [tilespmem:$0xB20]  }
0xa0: {  	v19 =	vld [tilespmem:$0x330]  }
0xa1: {  	v20 =	vld [tilespmem:$0xB30]  }
0xa2: {  	v21 =	vld [tilespmem:$0x340]  }
0xa3: {  	v22 =	vld [tilespmem:$0xB40]  }
0xa4: {  	v23 =	vld [tilespmem:$0x350]  }
0xa5: {  	v24 =	vld [tilespmem:$0xB50]  }
0xa6: {  	v25 =	vld [tilespmem:$0x360];
	v0 =	vshll.u32 v61, $0x6  }
0xa7: {  	v27 =	vld [tilespmem:$0xB60];
	v26 =	vshll.u32 v63, $0x6;
	v0 =	vadd.s32 v62, v0  }
0xa8: {  	v30 =	vld [tilespmem:$0x370];
	v29 =	vshll.u32 v17, $0x6;
	v28 =	vadd.s32 v16, v26;
	[tilespmem:$0x1300] =	vst v0  }
0xa9: {  	v33 =	vld [tilespmem:$0xB70];
	v32 =	vshll.u32 v19, $0x6;
	v31 =	vadd.s32 v18, v29;
	[tilespmem:$0x1310] =	vst v28  }
0xaa: {  	v35 =	vshll.u32 v21, $0x6;
	v34 =	vadd.s32 v20, v32;
	[tilespmem:$0x1320] =	vst v31  }
0xab: {  	v37 =	vshll.u32 v23, $0x6;
	v36 =	vadd.s32 v22, v35;
	[tilespmem:$0x1330] =	vst v34  }
0xac: {  	v39 =	vshll.u32 v25, $0x6;
	v38 =	vadd.s32 v24, v37;
	[tilespmem:$0x1340] =	vst v36  }
0xad: {  	v41 =	vshll.u32 v30, $0x6;
	v40 =	vadd.s32 v27, v39;
	[tilespmem:$0x1350] =	vst v38  }
0xae: {  	v42 =	vadd.s32 v33, v41;
	[tilespmem:$0x1360] =	vst v40  }
0xaf: {  	s14 =	simm.s32 $0x1300;
	s13 =	simm.s32 $0x4800;
	[tilespmem:$0x1370] =	vst v42  }
0xb0: {  	[tilespmem:s13], [sflag:$0x1] =	stream.indirect.gather [hbm4b:s5+s7], $0x10, s14, s7, $0xb8;
	[tilespmem:$0x9800] =	vst v63  }
0xb1: {  	v43 =	vld [tilespmem:$0x380]  }
0xb2: {  	v44 =	vld [tilespmem:$0xB80]  }
0xb3: {  	v45 =	vld [tilespmem:$0x390]  }
0xb4: {  	v46 =	vld [tilespmem:$0xB90]  }
0xb5: {  	v47 =	vld [tilespmem:$0x3A0]  }
0xb6: {  	v48 =	vld [tilespmem:$0xBA0]  }
0xb7: {  	v49 =	vld [tilespmem:$0x3B0]  }
0xb8: {  	v50 =	vld [tilespmem:$0xBB0]  }
0xb9: {  	v51 =	vld [tilespmem:$0x3C0]  }
0xba: {  	v52 =	vld [tilespmem:$0xBC0]  }
0xbb: {  	v53 =	vld [tilespmem:$0x3D0]  }
0xbc: {  	v54 =	vld [tilespmem:$0xBD0]  }
0xbd: {  	v55 =	vld [tilespmem:$0x3E0];
	v0 =	vshll.u32 v43, $0x6  }
0xbe: {  	v57 =	vld [tilespmem:$0xBE0];
	v56 =	vshll.u32 v45, $0x6;
	v0 =	vadd.s32 v44, v0  }
0xbf: {  	v60 =	vld [tilespmem:$0x3F0];
	v59 =	vshll.u32 v47, $0x6;
	v58 =	vadd.s32 v46, v56;
	[tilespmem:$0x1380] =	vst v0  }
0xc0: {  	v63 =	vld [tilespmem:$0xBF0];
	v62 =	vshll.u32 v49, $0x6;
	v61 =	vadd.s32 v48, v59;
	[tilespmem:$0x1390] =	vst v58  }
0xc1: {  	v13 =	vshll.u32 v51, $0x6;
	v7 =	vadd.s32 v50, v62;
	[tilespmem:$0x13A0] =	vst v61  }
0xc2: {  	v15 =	vshll.u32 v53, $0x6;
	v14 =	vadd.s32 v52, v13;
	[tilespmem:$0x13B0] =	vst v7  }
0xc3: {  	v17 =	vshll.u32 v55, $0x6;
	v16 =	vadd.s32 v54, v15;
	[tilespmem:$0x13C0] =	vst v14  }
0xc4: {  	v19 =	vshll.u32 v60, $0x6;
	v18 =	vadd.s32 v57, v17;
	[tilespmem:$0x13D0] =	vst v16  }
0xc5: {  	v20 =	vadd.s32 v63, v19;
	[tilespmem:$0x13E0] =	vst v18  }
0xc6: {  	s15 =	simm.s32 $0x1380;
	s14 =	simm.s32 $0x5000;
	[tilespmem:$0x13F0] =	vst v20  }
0xc7: {  	[tilespmem:s14], [sflag:$0x1] =	stream.indirect.gather [hbm4b:s5+s7], $0x10, s15, s7, $0xb8;
	[tilespmem:$0x9800] =	vst v63  }
0xc8: {  	v21 =	vld [tilespmem:$0x400]  }
0xc9: {  	v22 =	vld [tilespmem:$0xC00]  }
0xca: {  	v23 =	vld [tilespmem:$0x410]  }
0xcb: {  	v24 =	vld [tilespmem:$0xC10]  }
0xcc: {  	v25 =	vld [tilespmem:$0x420]  }
0xcd: {  	v26 =	vld [tilespmem:$0xC20]  }
0xce: {  	v27 =	vld [tilespmem:$0x430]  }
0xcf: {  	v28 =	vld [tilespmem:$0xC30]  }
0xd0: {  	v29 =	vld [tilespmem:$0x440]  }
0xd1: {  	v30 =	vld [tilespmem:$0xC40]  }
0xd2: {  	v31 =	vld [tilespmem:$0x450]  }
0xd3: {  	v32 =	vld [tilespmem:$0xC50]  }
0xd4: {  	v33 =	vld [tilespmem:$0x460];
	v0 =	vshll.u32 v21, $0x6  }
0xd5: {  	v35 =	vld [tilespmem:$0xC60];
	v34 =	vshll.u32 v23, $0x6;
	v0 =	vadd.s32 v22, v0  }
0xd6: {  	v38 =	vld [tilespmem:$0x470];
	v37 =	vshll.u32 v25, $0x6;
	v36 =	vadd.s32 v24, v34;
	[tilespmem:$0x1400] =	vst v0  }
0xd7: {  	v41 =	vld [tilespmem:$0xC70];
	v40 =	vshll.u32 v27, $0x6;
	v39 =	vadd.s32 v26, v37;
	[tilespmem:$0x1410] =	vst v36  }
0xd8: {  	v43 =	vshll.u32 v29, $0x6;
	v42 =	vadd.s32 v28, v40;
	[tilespmem:$0x1420] =	vst v39  }
0xd9: {  	v45 =	vshll.u32 v31, $0x6;
	v44 =	vadd.s32 v30, v43;
	[tilespmem:$0x1430] =	vst v42  }
0xda: {  	v47 =	vshll.u32 v33, $0x6;
	v46 =	vadd.s32 v32, v45;
	[tilespmem:$0x1440] =	vst v44  }
0xdb: {  	v49 =	vshll.u32 v38, $0x6;
	v48 =	vadd.s32 v35, v47;
	[tilespmem:$0x1450] =	vst v46  }
0xdc: {  	v50 =	vadd.s32 v41, v49;
	[tilespmem:$0x1460] =	vst v48  }
0xdd: {  	s16 =	simm.s32 $0x1400;
	s15 =	simm.s32 $0x5800;
	[tilespmem:$0x1470] =	vst v50  }
0xde: {  	[tilespmem:s15], [sflag:$0x1] =	stream.indirect.gather [hbm4b:s5+s7], $0x10, s16, s7, $0xb8;
	[tilespmem:$0x9800] =	vst v63  }
0xdf: {  	v51 =	vld [tilespmem:$0x480]  }
0xe0: {  	v52 =	vld [tilespmem:$0xC80]  }
0xe1: {  	v53 =	vld [tilespmem:$0x490]  }
0xe2: {  	v54 =	vld [tilespmem:$0xC90]  }
0xe3: {  	v55 =	vld [tilespmem:$0x4A0]  }
0xe4: {  	v56 =	vld [tilespmem:$0xCA0]  }
0xe5: {  	v57 =	vld [tilespmem:$0x4B0]  }
0xe6: {  	v58 =	vld [tilespmem:$0xCB0]  }
0xe7: {  	v59 =	vld [tilespmem:$0x4C0]  }
0xe8: {  	v60 =	vld [tilespmem:$0xCC0]  }
0xe9: {  	v61 =	vld [tilespmem:$0x4D0]  }
0xea: {  	v62 =	vld [tilespmem:$0xCD0]  }
0xeb: {  	v63 =	vld [tilespmem:$0x4E0];
	v0 =	vshll.u32 v51, $0x6  }
0xec: {  	v15 =	vld [tilespmem:$0xCE0];
	v14 =	vshll.u32 v53, $0x6;
	v0 =	vadd.s32 v52, v0  }
0xed: {  	v18 =	vld [tilespmem:$0x4F0];
	v17 =	vshll.u32 v55, $0x6;
	v16 =	vadd.s32 v54, v14;
	[tilespmem:$0x1480] =	vst v0  }
0xee: {  	v21 =	vld [tilespmem:$0xCF0];
	v20 =	vshll.u32 v57, $0x6;
	v19 =	vadd.s32 v56, v17;
	[tilespmem:$0x1490] =	vst v16  }
0xef: {  	v23 =	vshll.u32 v59, $0x6;
	v22 =	vadd.s32 v58, v20;
	[tilespmem:$0x14A0] =	vst v19  }
0xf0: {  	v25 =	vshll.u32 v61, $0x6;
	v24 =	vadd.s32 v60, v23;
	[tilespmem:$0x14B0] =	vst v22  }
0xf1: {  	v27 =	vshll.u32 v63, $0x6;
	v26 =	vadd.s32 v62, v25;
	[tilespmem:$0x14C0] =	vst v24  }
0xf2: {  	v29 =	vshll.u32 v18, $0x6;
	v28 =	vadd.s32 v15, v27;
	[tilespmem:$0x14D0] =	vst v26  }
0xf3: {  	v30 =	vadd.s32 v21, v29;
	[tilespmem:$0x14E0] =	vst v28  }
0xf4: {  	s17 =	simm.s32 $0x1480;
	s24 =	simm.s32 $0x6000;
	[tilespmem:$0x14F0] =	vst v30  }
0xf5: {  	[tilespmem:s24], [sflag:$0x1] =	stream.indirect.gather [hbm4b:s5+s7], $0x10, s17, s7, $0xb8;
	[tilespmem:$0x9800] =	vst v63  }
0xf6: {  	v31 =	vld [tilespmem:$0x500]  }
0xf7: {  	v32 =	vld [tilespmem:$0xD00]  }
0xf8: {  	v33 =	vld [tilespmem:$0x510]  }
0xf9: {  	v34 =	vld [tilespmem:$0xD10]  }
0xfa: {  	v35 =	vld [tilespmem:$0x520]  }
0xfb: {  	v36 =	vld [tilespmem:$0xD20]  }
0xfc: {  	v37 =	vld [tilespmem:$0x530]  }
0xfd: {  	v38 =	vld [tilespmem:$0xD30]  }
0xfe: {  	v39 =	vld [tilespmem:$0x540]  }
0xff: {  	v40 =	vld [tilespmem:$0xD40]  }
0x100: {  	v41 =	vld [tilespmem:$0x550]  }
0x101: {  	v42 =	vld [tilespmem:$0xD50]  }
0x102: {  	v43 =	vld [tilespmem:$0x560];
	v0 =	vshll.u32 v31, $0x6  }
0x103: {  	v45 =	vld [tilespmem:$0xD60];
	v44 =	vshll.u32 v33, $0x6;
	v0 =	vadd.s32 v32, v0  }
0x104: {  	v48 =	vld [tilespmem:$0x570];
	v47 =	vshll.u32 v35, $0x6;
	v46 =	vadd.s32 v34, v44;
	[tilespmem:$0x1500] =	vst v0  }
0x105: {  	v51 =	vld [tilespmem:$0xD70];
	v50 =	vshll.u32 v37, $0x6;
	v49 =	vadd.s32 v36, v47;
	[tilespmem:$0x1510] =	vst v46  }
0x106: {  	v53 =	vshll.u32 v39, $0x6;
	v52 =	vadd.s32 v38, v50;
	[tilespmem:$0x1520] =	vst v49  }
0x107: {  	v55 =	vshll.u32 v41, $0x6;
	v54 =	vadd.s32 v40, v53;
	[tilespmem:$0x1530] =	vst v52  }
0x108: {  	v57 =	vshll.u32 v43, $0x6;
	v56 =	vadd.s32 v42, v55;
	[tilespmem:$0x1540] =	vst v54  }
0x109: {  	v59 =	vshll.u32 v48, $0x6;
	v58 =	vadd.s32 v45, v57;
	[tilespmem:$0x1550] =	vst v56  }
0x10a: {  	v60 =	vadd.s32 v51, v59;
	[tilespmem:$0x1560] =	vst v58  }
0x10b: {  	s18 =	simm.s32 $0x1500;
	s25 =	simm.s32 $0x6800;
	[tilespmem:$0x1570] =	vst v60  }
0x10c: {  	[tilespmem:s25], [sflag:$0x1] =	stream.indirect.gather [hbm4b:s5+s7], $0x10, s18, s7, $0xb8;
	[tilespmem:$0x9800] =	vst v63  }
0x10d: {  	v61 =	vld [tilespmem:$0x580]  }
0x10e: {  	v62 =	vld [tilespmem:$0xD80]  }
0x10f: {  	v63 =	vld [tilespmem:$0x590]  }
0x110: {  	v16 =	vld [tilespmem:$0xD90]  }
0x111: {  	v17 =	vld [tilespmem:$0x5A0]  }
0x112: {  	v18 =	vld [tilespmem:$0xDA0]  }
0x113: {  	v19 =	vld [tilespmem:$0x5B0]  }
0x114: {  	v20 =	vld [tilespmem:$0xDB0]  }
0x115: {  	v21 =	vld [tilespmem:$0x5C0]  }
0x116: {  	v22 =	vld [tilespmem:$0xDC0]  }
0x117: {  	v23 =	vld [tilespmem:$0x5D0]  }
0x118: {  	v24 =	vld [tilespmem:$0xDD0]  }
0x119: {  	v25 =	vld [tilespmem:$0x5E0];
	v0 =	vshll.u32 v61, $0x6  }
0x11a: {  	v27 =	vld [tilespmem:$0xDE0];
	v26 =	vshll.u32 v63, $0x6;
	v0 =	vadd.s32 v62, v0  }
0x11b: {  	v30 =	vld [tilespmem:$0x5F0];
	v29 =	vshll.u32 v17, $0x6;
	v28 =	vadd.s32 v16, v26;
	[tilespmem:$0x1580] =	vst v0  }
0x11c: {  	v33 =	vld [tilespmem:$0xDF0];
	v32 =	vshll.u32 v19, $0x6;
	v31 =	vadd.s32 v18, v29;
	[tilespmem:$0x1590] =	vst v28  }
0x11d: {  	v35 =	vshll.u32 v21, $0x6;
	v34 =	vadd.s32 v20, v32;
	[tilespmem:$0x15A0] =	vst v31  }
0x11e: {  	v37 =	vshll.u32 v23, $0x6;
	v36 =	vadd.s32 v22, v35;
	[tilespmem:$0x15B0] =	vst v34  }
0x11f: {  	v39 =	vshll.u32 v25, $0x6;
	v38 =	vadd.s32 v24, v37;
	[tilespmem:$0x15C0] =	vst v36  }
0x120: {  	v41 =	vshll.u32 v30, $0x6;
	v40 =	vadd.s32 v27, v39;
	[tilespmem:$0x15D0] =	vst v38  }
0x121: {  	v42 =	vadd.s32 v33, v41;
	[tilespmem:$0x15E0] =	vst v40  }
0x122: {  	s19 =	simm.s32 $0x1580;
	s26 =	simm.s32 $0x7000;
	[tilespmem:$0x15F0] =	vst v42  }
0x123: {  	[tilespmem:s26], [sflag:$0x1] =	stream.indirect.gather [hbm4b:s5+s7], $0x10, s19, s7, $0xb8;
	[tilespmem:$0x9800] =	vst v63  }
0x124: {  	v43 =	vld [tilespmem:$0x600]  }
0x125: {  	v44 =	vld [tilespmem:$0xE00]  }
0x126: {  	v45 =	vld [tilespmem:$0x610]  }
0x127: {  	v46 =	vld [tilespmem:$0xE10]  }
0x128: {  	v47 =	vld [tilespmem:$0x620]  }
0x129: {  	v48 =	vld [tilespmem:$0xE20]  }
0x12a: {  	v49 =	vld [tilespmem:$0x630]  }
0x12b: {  	v50 =	vld [tilespmem:$0xE30]  }
0x12c: {  	v51 =	vld [tilespmem:$0x640]  }
0x12d: {  	v52 =	vld [tilespmem:$0xE40]  }
0x12e: {  	v53 =	vld [tilespmem:$0x650]  }
0x12f: {  	v54 =	vld [tilespmem:$0xE50]  }
0x130: {  	v55 =	vld [tilespmem:$0x660];
	v0 =	vshll.u32 v43, $0x6  }
0x131: {  	v57 =	vld [tilespmem:$0xE60];
	v56 =	vshll.u32 v45, $0x6;
	v0 =	vadd.s32 v44, v0  }
0x132: {  	v60 =	vld [tilespmem:$0x670];
	v59 =	vshll.u32 v47, $0x6;
	v58 =	vadd.s32 v46, v56;
	[tilespmem:$0x1600] =	vst v0  }
0x133: {  	v63 =	vld [tilespmem:$0xE70];
	v62 =	vshll.u32 v49, $0x6;
	v61 =	vadd.s32 v48, v59;
	[tilespmem:$0x1610] =	vst v58  }
0x134: {  	v14 =	vshll.u32 v51, $0x6;
	v13 =	vadd.s32 v50, v62;
	[tilespmem:$0x1620] =	vst v61  }
0x135: {  	v16 =	vshll.u32 v53, $0x6;
	v15 =	vadd.s32 v52, v14;
	[tilespmem:$0x1630] =	vst v13  }
0x136: {  	v18 =	vshll.u32 v55, $0x6;
	v17 =	vadd.s32 v54, v16;
	[tilespmem:$0x1640] =	vst v15  }
0x137: {  	v20 =	vshll.u32 v60, $0x6;
	v19 =	vadd.s32 v57, v18;
	[tilespmem:$0x1650] =	vst v17  }
0x138: {  	v21 =	vadd.s32 v63, v20;
	[tilespmem:$0x1660] =	vst v19  }
0x139: {  	s20 =	simm.s32 $0x1600;
	s28 =	simm.s32 $0x7800;
	[tilespmem:$0x1670] =	vst v21  }
0x13a: {  	[tilespmem:s28], [sflag:$0x1] =	stream.indirect.gather [hbm4b:s5+s7], $0x10, s20, s7, $0xb8;
	[tilespmem:$0x9800] =	vst v63  }
0x13b: {  	v22 =	vld [tilespmem:$0x680]  }
0x13c: {  	v23 =	vld [tilespmem:$0xE80]  }
0x13d: {  	v24 =	vld [tilespmem:$0x690]  }
0x13e: {  	v25 =	vld [tilespmem:$0xE90]  }
0x13f: {  	v26 =	vld [tilespmem:$0x6A0]  }
0x140: {  	v27 =	vld [tilespmem:$0xEA0]  }
0x141: {  	v28 =	vld [tilespmem:$0x6B0]  }
0x142: {  	v29 =	vld [tilespmem:$0xEB0]  }
0x143: {  	v30 =	vld [tilespmem:$0x6C0]  }
0x144: {  	v31 =	vld [tilespmem:$0xEC0]  }
0x145: {  	v32 =	vld [tilespmem:$0x6D0]  }
0x146: {  	v33 =	vld [tilespmem:$0xED0]  }
0x147: {  	v34 =	vld [tilespmem:$0x6E0];
	v0 =	vshll.u32 v22, $0x6  }
0x148: {  	v36 =	vld [tilespmem:$0xEE0];
	v35 =	vshll.u32 v24, $0x6;
	v0 =	vadd.s32 v23, v0  }
0x149: {  	v39 =	vld [tilespmem:$0x6F0];
	v38 =	vshll.u32 v26, $0x6;
	v37 =	vadd.s32 v25, v35;
	[tilespmem:$0x1680] =	vst v0  }
0x14a: {  	v42 =	vld [tilespmem:$0xEF0];
	v41 =	vshll.u32 v28, $0x6;
	v40 =	vadd.s32 v27, v38;
	[tilespmem:$0x1690] =	vst v37  }
0x14b: {  	v44 =	vshll.u32 v30, $0x6;
	v43 =	vadd.s32 v29, v41;
	[tilespmem:$0x16A0] =	vst v40  }
0x14c: {  	v46 =	vshll.u32 v32, $0x6;
	v45 =	vadd.s32 v31, v44;
	[tilespmem:$0x16B0] =	vst v43  }
0x14d: {  	v48 =	vshll.u32 v34, $0x6;
	v47 =	vadd.s32 v33, v46;
	[tilespmem:$0x16C0] =	vst v45  }
0x14e: {  	v50 =	vshll.u32 v39, $0x6;
	v49 =	vadd.s32 v36, v48;
	[tilespmem:$0x16D0] =	vst v47  }
0x14f: {  	v51 =	vadd.s32 v42, v50;
	[tilespmem:$0x16E0] =	vst v49  }
0x150: {  	s21 =	simm.s32 $0x1680;
	s29 =	simm.s32 $0x8000;
	[tilespmem:$0x16F0] =	vst v51  }
0x151: {  	[tilespmem:s29], [sflag:$0x1] =	stream.indirect.gather [hbm4b:s5+s7], $0x10, s21, s7, $0xb8;
	[tilespmem:$0x9800] =	vst v63  }
0x152: {  	v52 =	vld [tilespmem:$0x700]  }
0x153: {  	v53 =	vld [tilespmem:$0xF00]  }
0x154: {  	v54 =	vld [tilespmem:$0x710]  }
0x155: {  	v55 =	vld [tilespmem:$0xF10]  }
0x156: {  	v56 =	vld [tilespmem:$0x720]  }
0x157: {  	v57 =	vld [tilespmem:$0xF20]  }
0x158: {  	v58 =	vld [tilespmem:$0x730]  }
0x159: {  	v59 =	vld [tilespmem:$0xF30]  }
0x15a: {  	v60 =	vld [tilespmem:$0x740]  }
0x15b: {  	v61 =	vld [tilespmem:$0xF40]  }
0x15c: {  	v62 =	vld [tilespmem:$0x750]  }
0x15d: {  	v63 =	vld [tilespmem:$0xF50]  }
0x15e: {  	v16 =	vld [tilespmem:$0x760];
	v0 =	vshll.u32 v52, $0x6  }
0x15f: {  	v18 =	vld [tilespmem:$0xF60];
	v17 =	vshll.u32 v54, $0x6;
	v0 =	vadd.s32 v53, v0  }
0x160: {  	v21 =	vld [tilespmem:$0x770];
	v20 =	vshll.u32 v56, $0x6;
	v19 =	vadd.s32 v55, v17;
	[tilespmem:$0x1700] =	vst v0  }
0x161: {  	v24 =	vld [tilespmem:$0xF70];
	v23 =	vshll.u32 v58, $0x6;
	v22 =	vadd.s32 v57, v20;
	[tilespmem:$0x1710] =	vst v19  }
0x162: {  	v26 =	vshll.u32 v60, $0x6;
	v25 =	vadd.s32 v59, v23;
	[tilespmem:$0x1720] =	vst v22  }
0x163: {  	v28 =	vshll.u32 v62, $0x6;
	v27 =	vadd.s32 v61, v26;
	[tilespmem:$0x1730] =	vst v25  }
0x164: {  	v30 =	vshll.u32 v16, $0x6;
	v29 =	vadd.s32 v63, v28;
	[tilespmem:$0x1740] =	vst v27  }
0x165: {  	v32 =	vshll.u32 v21, $0x6;
	v31 =	vadd.s32 v18, v30;
	[tilespmem:$0x1750] =	vst v29  }
0x166: {  	v33 =	vadd.s32 v24, v32;
	[tilespmem:$0x1760] =	vst v31  }
0x167: {  	s30 =	simm.s32 $0x8800;
	s22 =	simm.s32 $0x1700;
	[tilespmem:$0x1770] =	vst v33  }
0x168: {  	[tilespmem:s30], [sflag:$0x1] =	stream.indirect.gather [hbm4b:s5+s7], $0x10, s22, s7, $0xb8;
	[tilespmem:$0x9800] =	vst v63  }
0x169: {  	v34 =	vld [tilespmem:$0x780]  }
0x16a: {  	v35 =	vld [tilespmem:$0xF80]  }
0x16b: {  	v36 =	vld [tilespmem:$0x790]  }
0x16c: {  	v37 =	vld [tilespmem:$0xF90]  }
0x16d: {  	v38 =	vld [tilespmem:$0x7A0]  }
0x16e: {  	v39 =	vld [tilespmem:$0xFA0]  }
0x16f: {  	v40 =	vld [tilespmem:$0x7B0]  }
0x170: {  	v41 =	vld [tilespmem:$0xFB0]  }
0x171: {  	v42 =	vld [tilespmem:$0x7C0]  }
0x172: {  	v43 =	vld [tilespmem:$0xFC0]  }
0x173: {  	v44 =	vld [tilespmem:$0x7D0]  }
0x174: {  	v45 =	vld [tilespmem:$0xFD0]  }
0x175: {  	v46 =	vld [tilespmem:$0x7E0];
	v0 =	vshll.u32 v34, $0x6  }
0x176: {  	v48 =	vld [tilespmem:$0xFE0];
	v47 =	vshll.u32 v36, $0x6;
	v0 =	vadd.s32 v35, v0  }
0x177: {  	v51 =	vld [tilespmem:$0x7F0];
	v50 =	vshll.u32 v38, $0x6;
	v49 =	vadd.s32 v37, v47;
	[tilespmem:$0x1780] =	vst v0  }
0x178: {  	v54 =	vld [tilespmem:$0xFF0];
	v53 =	vshll.u32 v40, $0x6;
	v52 =	vadd.s32 v39, v50;
	[tilespmem:$0x1790] =	vst v49  }
0x179: {  	v56 =	vshll.u32 v42, $0x6;
	v55 =	vadd.s32 v41, v53;
	[tilespmem:$0x17A0] =	vst v52  }
0x17a: {  	v58 =	vshll.u32 v44, $0x6;
	v57 =	vadd.s32 v43, v56;
	[tilespmem:$0x17B0] =	vst v55  }
0x17b: {  	v60 =	vshll.u32 v46, $0x6;
	v59 =	vadd.s32 v45, v58;
	[tilespmem:$0x17C0] =	vst v57  }
0x17c: {  	v62 =	vshll.u32 v51, $0x6;
	v61 =	vadd.s32 v48, v60;
	[tilespmem:$0x17D0] =	vst v59  }
0x17d: {  	v63 =	vadd.s32 v54, v62;
	[tilespmem:$0x17E0] =	vst v61  }
0x17e: {  	s31 =	simm.s32 $0x9000;
	s23 =	simm.s32 $0x1780;
	[tilespmem:$0x17F0] =	vst v63  }
0x17f: {  	[tilespmem:s31], [sflag:$0x1] =	stream.indirect.gather [hbm4b:s5+s7], $0x10, s23, s7, $0xb8;
	[tilespmem:$0x9800] =	vst v63  }
0x180: {  	_ =	swait.ge [sflag:s3], $0x800  }
0x181: {  	s7 =	sshll.u32 s1, $0xC;
	[sflag:s3] =	ssyncset.done $0x0  }
0x182: {  	s4 =	sadd.s32 s4, s7;
	[sflag:s3] =	ssyncadd.s32 $0xFFFFF800  }
0x183: {  	[hbm4b:s4+s2] =	stream.linear.scatter [tilespmem:s6], [sflag:$0x2], $0x800, $0x38;
	[tilespmem:$0x9800] =	vst v63  }
0x184: {  	_ =	swait.ge [sflag:s3], $0x800  }
0x185: {  	[sflag:s3] =	ssyncset.done $0x0  }
0x186: {  	s5 =	sadd.s32 $0x100, s4;
	[sflag:s3] =	ssyncadd.s32 $0xFFFFF800  }
0x187: {  	[hbm4b:s5+s2] =	stream.linear.scatter [tilespmem:s8], [sflag:$0x2], $0x800, $0x38;
	[tilespmem:$0x9800] =	vst v63  }
0x188: {  	_ =	swait.ge [sflag:s3], $0x800  }
0x189: {  	[sflag:s3] =	ssyncset.done $0x0  }
0x18a: {  	s8 =	sadd.s32 $0x200, s4;
	[sflag:s3] =	ssyncadd.s32 $0xFFFFF800  }
0x18b: {  	[hbm4b:s8+s2] =	stream.linear.scatter [tilespmem:s9], [sflag:$0x2], $0x800, $0x38;
	[tilespmem:$0x9800] =	vst v63  }
0x18c: {  	_ =	swait.ge [sflag:s3], $0x800  }
0x18d: {  	[sflag:s3] =	ssyncset.done $0x0  }
0x18e: {  	s9 =	sadd.s32 $0x300, s4;
	[sflag:s3] =	ssyncadd.s32 $0xFFFFF800  }
0x18f: {  	[hbm4b:s9+s2] =	stream.linear.scatter [tilespmem:s10], [sflag:$0x2], $0x800, $0x38;
	[tilespmem:$0x9800] =	vst v63  }
0x190: {  	_ =	swait.ge [sflag:s3], $0x800  }
0x191: {  	[sflag:s3] =	ssyncset.done $0x0  }
0x192: {  	s10 =	sadd.s32 $0x400, s4;
	[sflag:s3] =	ssyncadd.s32 $0xFFFFF800  }
0x193: {  	[hbm4b:s10+s2] =	stream.linear.scatter [tilespmem:s11], [sflag:$0x2], $0x800, $0x38;
	[tilespmem:$0x9800] =	vst v63  }
0x194: {  	_ =	swait.ge [sflag:s3], $0x800  }
0x195: {  	[sflag:s3] =	ssyncset.done $0x0  }
0x196: {  	s11 =	sadd.s32 $0x500, s4;
	[sflag:s3] =	ssyncadd.s32 $0xFFFFF800  }
0x197: {  	[hbm4b:s11+s2] =	stream.linear.scatter [tilespmem:s12], [sflag:$0x2], $0x800, $0x38;
	[tilespmem:$0x9800] =	vst v63  }
0x198: {  	_ =	swait.ge [sflag:s3], $0x800  }
0x199: {  	[sflag:s3] =	ssyncset.done $0x0  }
0x19a: {  	s12 =	sadd.s32 $0x600, s4;
	[sflag:s3] =	ssyncadd.s32 $0xFFFFF800  }
0x19b: {  	[hbm4b:s12+s2] =	stream.linear.scatter [tilespmem:s13], [sflag:$0x2], $0x800, $0x38;
	[tilespmem:$0x9800] =	vst v63  }
0x19c: {  	_ =	swait.ge [sflag:s3], $0x800  }
0x19d: {  	[sflag:s3] =	ssyncset.done $0x0  }
0x19e: {  	s13 =	sadd.s32 $0x700, s4;
	[sflag:s3] =	ssyncadd.s32 $0xFFFFF800  }
0x19f: {  	[hbm4b:s13+s2] =	stream.linear.scatter [tilespmem:s14], [sflag:$0x2], $0x800, $0x38;
	[tilespmem:$0x9800] =	vst v63  }
0x1a0: {  	_ =	swait.ge [sflag:s3], $0x800  }
0x1a1: {  	[sflag:s3] =	ssyncset.done $0x0  }
0x1a2: {  	s14 =	sadd.s32 $0x800, s4;
	[sflag:s3] =	ssyncadd.s32 $0xFFFFF800  }
0x1a3: {  	[hbm4b:s14+s2] =	stream.linear.scatter [tilespmem:s15], [sflag:$0x2], $0x800, $0x38;
	[tilespmem:$0x9800] =	vst v63  }
0x1a4: {  	_ =	swait.ge [sflag:s3], $0x800  }
0x1a5: {  	[sflag:s3] =	ssyncset.done $0x0  }
0x1a6: {  	s23 =	sadd.s32 $0x900, s4;
	[sflag:s3] =	ssyncadd.s32 $0xFFFFF800  }
0x1a7: {  	[hbm4b:s23+s2] =	stream.linear.scatter [tilespmem:s24], [sflag:$0x2], $0x800, $0x38;
	[tilespmem:$0x9800] =	vst v63  }
0x1a8: {  	_ =	swait.ge [sflag:s3], $0x800  }
0x1a9: {  	[sflag:s3] =	ssyncset.done $0x0  }
0x1aa: {  	s24 =	sadd.s32 $0xA00, s4;
	[sflag:s3] =	ssyncadd.s32 $0xFFFFF800  }
0x1ab: {  	[hbm4b:s24+s2] =	stream.linear.scatter [tilespmem:s25], [sflag:$0x2], $0x800, $0x38;
	[tilespmem:$0x9800] =	vst v63  }
0x1ac: {  	_ =	swait.ge [sflag:s3], $0x800  }
0x1ad: {  	[sflag:s3] =	ssyncset.done $0x0  }
0x1ae: {  	s25 =	sadd.s32 $0xB00, s4;
	[sflag:s3] =	ssyncadd.s32 $0xFFFFF800  }
0x1af: {  	[hbm4b:s25+s2] =	stream.linear.scatter [tilespmem:s26], [sflag:$0x2], $0x800, $0x38;
	[tilespmem:$0x9800] =	vst v63  }
0x1b0: {  	_ =	swait.ge [sflag:s3], $0x800  }
0x1b1: {  	[sflag:s3] =	ssyncset.done $0x0  }
0x1b2: {  	s26 =	sadd.s32 $0xC00, s4;
	[sflag:s3] =	ssyncadd.s32 $0xFFFFF800  }
0x1b3: {  	[hbm4b:s26+s2] =	stream.linear.scatter [tilespmem:s28], [sflag:$0x2], $0x800, $0x38;
	[tilespmem:$0x9800] =	vst v63  }
0x1b4: {  	_ =	swait.ge [sflag:s3], $0x800  }
0x1b5: {  	[sflag:s3] =	ssyncset.done $0x0  }
0x1b6: {  	s28 =	sadd.s32 $0xD00, s4;
	[sflag:s3] =	ssyncadd.s32 $0xFFFFF800  }
0x1b7: {  	[hbm4b:s28+s2] =	stream.linear.scatter [tilespmem:s29], [sflag:$0x2], $0x800, $0x38;
	[tilespmem:$0x9800] =	vst v63  }
0x1b8: {  	_ =	swait.ge [sflag:s3], $0x800  }
0x1b9: {  	[sflag:s3] =	ssyncset.done $0x0  }
0x1ba: {  	s29 =	sadd.s32 $0xE00, s4;
	[sflag:s3] =	ssyncadd.s32 $0xFFFFF800  }
0x1bb: {  	[hbm4b:s29+s2] =	stream.linear.scatter [tilespmem:s30], [sflag:$0x2], $0x800, $0x38;
	[tilespmem:$0x9800] =	vst v63  }
0x1bc: {  	_ =	swait.ge [sflag:s3], $0x800  }
0x1bd: {  	[sflag:s3] =	ssyncset.done $0x0  }
0x1be: {  	s30 =	sadd.s32 $0xF00, s4;
	[sflag:s3] =	ssyncadd.s32 $0xFFFFF800  }
0x1bf: {  	[hbm4b:s30+s2] =	stream.linear.scatter [tilespmem:s31], [sflag:$0x2], $0x800, $0x38;
	[tilespmem:$0x9800] =	vst v63  }
0x1c0: {  	s31 =	simm.s32 $0x2  }
0x1c1: {  	_ =	swait.ge [sflag:s31], $0x800  }
0x1c2: {  	[sflag:s31] =	ssyncset.done $0x0  }
0x1c3: {  	[sflag:s31] =	ssyncadd.s32 $0xFFFFF800  }
0x1c4: {  	_ =	swait.ge [sflag:s31], $0x800  }
0x1c5: {  	[sflag:s31] =	ssyncset.done $0x0  }
0x1c6: {  	[sflag:s31] =	ssyncadd.s32 $0xFFFFF800  }
0x1c7: {  	_ =	swait.ge [sflag:s31], $0x800  }
0x1c8: {  	[sflag:s31] =	ssyncset.done $0x0  }
0x1c9: {  	[sflag:s31] =	ssyncadd.s32 $0xFFFFF800  }
0x1ca: {  	_ =	swait.ge [sflag:s31], $0x800  }
0x1cb: {  	[sflag:s31] =	ssyncset.done $0x0  }
0x1cc: {  	[sflag:s31] =	ssyncadd.s32 $0xFFFFF800  }
0x1cd: {  	_ =	swait.ge [sflag:s31], $0x800  }
0x1ce: {  	[sflag:s31] =	ssyncset.done $0x0  }
0x1cf: {  	[sflag:s31] =	ssyncadd.s32 $0xFFFFF800  }
0x1d0: {  	_ =	swait.ge [sflag:s31], $0x800  }
0x1d1: {  	[sflag:s31] =	ssyncset.done $0x0  }
0x1d2: {  	[sflag:s31] =	ssyncadd.s32 $0xFFFFF800  }
0x1d3: {  	_ =	swait.ge [sflag:s31], $0x800  }
0x1d4: {  	[sflag:s31] =	ssyncset.done $0x0  }
0x1d5: {  	[sflag:s31] =	ssyncadd.s32 $0xFFFFF800  }
0x1d6: {  	_ =	swait.ge [sflag:s31], $0x800  }
0x1d7: {  	[sflag:s31] =	ssyncset.done $0x0  }
0x1d8: {  	[sflag:s31] =	ssyncadd.s32 $0xFFFFF800  }
0x1d9: {  	_ =	swait.ge [sflag:s31], $0x800  }
0x1da: {  	[sflag:s31] =	ssyncset.done $0x0  }
0x1db: {  	[sflag:s31] =	ssyncadd.s32 $0xFFFFF800  }
0x1dc: {  	_ =	swait.ge [sflag:s31], $0x800  }
0x1dd: {  	[sflag:s31] =	ssyncset.done $0x0  }
0x1de: {  	[sflag:s31] =	ssyncadd.s32 $0xFFFFF800  }
0x1df: {  	_ =	swait.ge [sflag:s31], $0x800  }
0x1e0: {  	[sflag:s31] =	ssyncset.done $0x0  }
0x1e1: {  	[sflag:s31] =	ssyncadd.s32 $0xFFFFF800  }
0x1e2: {  	_ =	swait.ge [sflag:s31], $0x800  }
0x1e3: {  	[sflag:s31] =	ssyncset.done $0x0  }
0x1e4: {  	[sflag:s31] =	ssyncadd.s32 $0xFFFFF800  }
0x1e5: {  	_ =	swait.ge [sflag:s31], $0x800  }
0x1e6: {  	[sflag:s31] =	ssyncset.done $0x0  }
0x1e7: {  	[sflag:s31] =	ssyncadd.s32 $0xFFFFF800  }
0x1e8: {  	_ =	swait.ge [sflag:s31], $0x800  }
0x1e9: {  	[sflag:s31] =	ssyncset.done $0x0  }
0x1ea: {  	[sflag:s31] =	ssyncadd.s32 $0xFFFFF800  }
0x1eb: {  	_ =	swait.ge [sflag:s31], $0x800  }
0x1ec: {  	[sflag:s31] =	ssyncset.done $0x0  }
0x1ed: {  	[sflag:s31] =	ssyncadd.s32 $0xFFFFF800  }
0x1ee: {  	_ =	swait.ge [sflag:s31], $0x800  }
0x1ef: {  	[sflag:s31] =	ssyncset.done $0x0  }
0x1f0: {  	[sflag:s31] =	ssyncadd.s32 $0xFFFFF800  }
0x1f1: {  	_ =	sfence.sel $0x180000  }
0x1f2: {  	[bflag:$0x0] =	sbarrier.arrive $0xFFFF  }
0x1f3: {  	p0 =	sne.s32 s1, $0x0;
	_ =	strace $0x90000047  }
0x1f4: {  	s0 =	sadd.s32 @!p0 $0x100000, s0;
	[bflag:$0x2] =	sbarrier.arrive $0xFFFF  }
0x1f5: {  	[sflag:s0] =	ssyncadd.tile.s32 @!p0 $0x1;
	_ =	shalt  }
.Lfunc_end2:
_tile_overlayer_lowered:
.L_overlay_start_2:
0x1f6: {  	(tag) =	ssettag $0x2  }
0x1f7: {  	s0 =	rddreg [dreg:$0x0];
	s2 =	stileid.u32  }
0x1f8: {  	s1 =	rddreg [dreg:$0x1];
	p0 =	sne.s32 s2, $0x0  }
0x1f9: {  	s3 =	rddreg [dreg:$0x2];
	[bflag:$0x3] =	sbarrier.arrive $0xFFFF;
	s2 =	simm.s32 @!p0 $0x1C03  }
0x1fa: {  	[timem:s3], [sflag:s2] =	dma.local @!p0 [hbm:s0], s1  }
0x1fb: {  	s0 =	simm.s32 @!p0 $0x3  }
0x1fc: {  	_ =	swait.ge @!p0 [sflag:s0], s1  }
0x1fd: {  	s1 =	ssub.s32 @!p0 $0x0, s1;
	[sflag:s0] =	ssyncset.done @!p0 $0x0  }
0x1fe: {  	[sflag:s0] =	ssyncadd.s32 @!p0 s1  }
0x1ff: {  	[bflag:$0x3] =	sbarrier.arrive $0xFFFF  }
0x200: {  	_ =	shalt  }

</sc_bundles>
